<compile_context>
chip_gen: v7x
topology: tpu7x:2x2x1
jax: 0.10.2.dev20260603
libtpu: 0.0.44.dev20260713+nightly
codegen_flags: <defaults>
</compile_context>

<pallas_src>
import functools

import jax
import jax.numpy as jnp
from jax import lax
from jax.experimental import pallas as pl
from jax.experimental.pallas import tpu as pltpu
from jax.experimental.pallas import tpu_sc as plsc

N, E, V, D = 10000, 320000, 100000, 128
NC, NS, LN = 2, 16, 16
NW = NC * NS
NP = 10240
NB_N = NP // 128
EP = 323584
KB = EP // (NW * 128)
EW_ = KB * 128
BS = 256
NBL = EW_ // BS
GC = 16
RPT = NP // NS
F32 = jnp.float32

_mesh = functools.partial(
    plsc.VectorSubcoreMesh, core_axis_name="c", subcore_axis_name="s")
_SC_PARAMS = pltpu.CompilerParams(needs_layout_passes=False)


def _wid():
    return lax.axis_index("c") * NS + lax.axis_index("s")



def _emb_body(x2, emb, h_out, idx_v, rows_v, sem):
    w = _wid()
    for t in range(3):
        b = w + t * NW

        @pl.when(b < NB_N)
        def _():
            pltpu.sync_copy(x2.at[b], idx_v)
            pltpu.async_copy(emb.at[idx_v], rows_v, sem).wait()
            pltpu.sync_copy(rows_v, h_out.at[pl.ds(b * 128, 128)])


def _emb_gather(x2, emb):
    return pl.kernel(
        _emb_body,
        out_type=jax.ShapeDtypeStruct((NP, D), F32),
        mesh=_mesh(),
        compiler_params=_SC_PARAMS,
        scratch_types=[
            pltpu.VMEM((128,), jnp.int32),
            pltpu.VMEM((128, D), F32),
            pltpu.SemaphoreType.DMA,
        ],
    )(x2, emb)



def _edgeq_body(row3, col3, huv, q4, ridx, cidx, u_v, v_v, q_v, sem):
    w = _wid()
    pltpu.sync_copy(row3.at[w], ridx)
    pltpu.sync_copy(col3.at[w], cidx)

    def body(j, carry):
        cp1 = pltpu.async_copy(huv.at[ridx.at[j]], u_v, sem)
        cp2 = pltpu.async_copy(huv.at[cidx.at[j]], v_v, sem)
        cp1.wait()
        cp2.wait()

        @plsc.parallel_loop(0, 128)
        def _(e):
            for k in range(64 // LN):
                q_v[e, pl.ds(k * LN, LN)] = (
                    u_v[e, pl.ds(k * LN, LN)]
                    + v_v[e, pl.ds(64 + k * LN, LN)])
        pltpu.sync_copy(q_v, q4.at[w, j])
        return carry

    lax.fori_loop(0, KB, body, 0)


def _edge_q(row3, col3, huv):
    return pl.kernel(
        _edgeq_body,
        out_type=jax.ShapeDtypeStruct((NW, KB, 128, 64), F32),
        mesh=_mesh(),
        compiler_params=_SC_PARAMS,
        scratch_types=[
            pltpu.VMEM((KB, 128), jnp.int32),
            pltpu.VMEM((KB, 128), jnp.int32),
            pltpu.VMEM((128, D), F32),
            pltpu.VMEM((128, D), F32),
            pltpu.VMEM((128, 64), F32),
            pltpu.SemaphoreType.DMA,
        ],
    )(row3, col3, huv)



def _deg_body(col3, ew3, zn, degp, cidx, ew_v, deg_v):
    w = _wid()
    pltpu.sync_copy(zn, deg_v)
    pltpu.sync_copy(col3.at[w], cidx)
    pltpu.sync_copy(ew3.at[w], ew_v)

    @plsc.parallel_loop(0, KB * (128 // LN))
    def _(i):
        idx16 = cidx[i // (128 // LN), pl.ds((i % (128 // LN)) * LN, LN)]
        w16 = ew_v[i // (128 // LN), pl.ds((i % (128 // LN)) * LN, LN)]
        plsc.addupdate_scatter(deg_v, [idx16], w16)
    pltpu.sync_copy(deg_v, degp.at[w])


def _deg_partials(col3, ew3, zn):
    return pl.kernel(
        _deg_body,
        out_type=jax.ShapeDtypeStruct((NW, NP), F32),
        mesh=_mesh(),
        compiler_params=_SC_PARAMS,
        scratch_types=[
            pltpu.VMEM((KB, 128), jnp.int32),
            pltpu.VMEM((KB, 128), F32),
            pltpu.VMEM((NP,), F32),
        ],
    )(col3, ew3, zn)



def _conv_body(row3, col3, ewf, y, zrows, out2, ridx, cidx, ew_v, rows_v,
               acc, sem):
    c = lax.axis_index("c")
    s = lax.axis_index("s")
    w = c * NS + s
    pltpu.sync_copy(zrows.at[pl.ds(s * RPT, RPT)], acc.at[pl.ds(s * RPT, RPT)])
    pltpu.sync_copy(row3.at[w], ridx)
    pltpu.sync_copy(col3.at[w], cidx)
    pltpu.sync_copy(ewf.at[w], ew_v)
    plsc.subcore_barrier()

    def body(j, carry):
        pltpu.async_copy(y.at[ridx.at[j]], rows_v, sem).wait()
        base = j * 128

        @plsc.parallel_loop(0, 128)
        def _(e):
            wsp = plsc.load_gather(ew_v, [jnp.full((LN,), base + e,
                                                   jnp.int32)])
            for k in range(D // LN):
                rows_v[e, pl.ds(k * LN, LN)] = (
                    rows_v[e, pl.ds(k * LN, LN)] * wsp)
        pltpu.sync_copy(rows_v, acc.at[cidx.at[j]], add=True)
        return carry

    lax.fori_loop(0, KB, body, 0)
    plsc.subcore_barrier()
    pltpu.sync_copy(acc.at[pl.ds(s * RPT, RPT)],
                    out2.at[c, pl.ds(s * RPT, RPT)])


def _conv_agg(row3, col3, ewf, y, zrows):
    return pl.kernel(
        _conv_body,
        out_type=jax.ShapeDtypeStruct((NC, NP, D), F32),
        mesh=_mesh(),
        compiler_params=_SC_PARAMS,
        scratch_types=[
            pltpu.VMEM((KB, 128), jnp.int32),
            pltpu.VMEM((KB, 128), jnp.int32),
            pltpu.VMEM((EW_,), F32),
            pltpu.VMEM((128, D), F32),
            pltpu.VMEM_SHARED((NP, D), F32),
            pltpu.SemaphoreType.DMA,
        ],
    )(row3, col3, ewf, y, zrows)



def _mm_body(h_ref, w1c, b1c, wg1, huv_ref, xw_ref):
    hb = h_ref[...]
    huv_ref[...] = jnp.dot(hb, w1c[...], preferred_element_type=F32) + b1c[...]
    xw_ref[...] = jnp.dot(hb, wg1[...], preferred_element_type=F32)


def _node_mm(h, w1c, b1c, wg1):
    rb = 1024
    grid = NP // rb
    full = lambda shp: pl.BlockSpec(shp, lambda i: (0, 0))
    return pl.pallas_call(
        _mm_body,
        grid=grid,
        in_specs=[
            pl.BlockSpec((rb, D), lambda i: (i, 0)),
            full((D, D)), full((1, D)), full((D, D)),
        ],
        out_specs=[
            pl.BlockSpec((rb, D), lambda i: (i, 0)),
            pl.BlockSpec((rb, D), lambda i: (i, 0)),
        ],
        out_shape=[
            jax.ShapeDtypeStruct((NP, D), F32),
            jax.ShapeDtypeStruct((NP, D), F32),
        ],
    )(h, w1c, b1c, wg1)



def _ew_body(q_ref, w2, b2r, ew_ref):
    i = pl.program_id(0)
    z = jnp.maximum(q_ref[...], 0.0)
    t = jnp.dot(z, w2[...], preferred_element_type=F32) + b2r[...]
    eidx = i * 4096 + lax.broadcasted_iota(jnp.int32, (4096, 1), 0)
    ew_ref[...] = jnp.where(eidx < E, jax.nn.sigmoid(t), 0.0)


def _edge_w(q2, w2, b2r):
    grid = EP // 4096
    return pl.pallas_call(
        _ew_body,
        grid=grid,
        in_specs=[
            pl.BlockSpec((4096, 64), lambda i: (i, 0)),
            pl.BlockSpec((64, 1), lambda i: (0, 0)),
            pl.BlockSpec((1, 1), lambda i: (0, 0)),
        ],
        out_specs=pl.BlockSpec((4096, 1), lambda i: (i, 0)),
        out_shape=jax.ShapeDtypeStruct((EP, 1), F32),
    )(q2, w2, b2r)



def _dinv_body(degp_ref, xw_ref, dinv_ref, y1_ref):
    i = pl.program_id(0)
    deg = jnp.sum(degp_ref[...], axis=0)[:, None] + 1.0
    nidx = i * 1024 + lax.broadcasted_iota(jnp.int32, (1024, 1), 0)
    dinv = jnp.where(nidx < N, lax.rsqrt(deg), 0.0)
    dinv_ref[...] = dinv
    y1_ref[...] = dinv * xw_ref[...]


def _dinv_y1(degp, xw1):
    grid = NP // 1024
    return pl.pallas_call(
        _dinv_body,
        grid=grid,
        in_specs=[
            pl.BlockSpec((NW, 1024), lambda i: (0, i)),
            pl.BlockSpec((1024, D), lambda i: (i, 0)),
        ],
        out_specs=[
            pl.BlockSpec((1024, 1), lambda i: (i, 0)),
            pl.BlockSpec((1024, D), lambda i: (i, 0)),
        ],
        out_shape=[
            jax.ShapeDtypeStruct((NP, 1), F32),
            jax.ShapeDtypeStruct((NP, D), F32),
        ],
    )(degp, xw1)



def _post_body(p_ref, dinv_ref, xw_ref, bg_ref, wg2_ref, xw2_ref, y2_ref):
    dinv = dinv_ref[...]
    acc = p_ref[0] + p_ref[1]
    h1 = jnp.maximum(dinv * acc + dinv * dinv * xw_ref[...] + bg_ref[...], 0.0)
    xw2 = jnp.dot(h1, wg2_ref[...], preferred_element_type=F32)
    xw2_ref[...] = xw2
    y2_ref[...] = dinv * xw2


def _post_conv1(p, dinv, xw1, bgr, wg2):
    grid = NP // 1024
    return pl.pallas_call(
        _post_body,
        grid=grid,
        in_specs=[
            pl.BlockSpec((NC, 1024, D), lambda i: (0, i, 0)),
            pl.BlockSpec((1024, 1), lambda i: (i, 0)),
            pl.BlockSpec((1024, D), lambda i: (i, 0)),
            pl.BlockSpec((1, D), lambda i: (0, 0)),
            pl.BlockSpec((D, D), lambda i: (0, 0)),
        ],
        out_specs=[
            pl.BlockSpec((1024, D), lambda i: (i, 0)),
            pl.BlockSpec((1024, D), lambda i: (i, 0)),
        ],
        out_shape=[
            jax.ShapeDtypeStruct((NP, D), F32),
            jax.ShapeDtypeStruct((NP, D), F32),
        ],
    )(p, dinv, xw1, bgr, wg2)



def _final_body(p_ref, dinv_ref, xw2_ref, bg2_ref, wfc_ref, bfc_ref, out_ref):
    dinv = dinv_ref[...]
    acc = p_ref[0] + p_ref[1]
    h2 = jnp.maximum(dinv * acc + dinv * dinv * xw2_ref[...] + bg2_ref[...],
                     0.0)
    nidx = lax.broadcasted_iota(jnp.int32, (NP, 1), 0)
    pooled = jnp.sum(jnp.where(nidx < N, h2, 0.0), axis=0, keepdims=True) / N
    out_ref[...] = jax.nn.sigmoid(
        jnp.dot(pooled, wfc_ref[...], preferred_element_type=F32)
        + bfc_ref[...])


def _final(p2, dinv, xw2, bg2r, wfc, bfcr):
    return pl.pallas_call(
        _final_body,
        out_shape=jax.ShapeDtypeStruct((1, 1), F32),
    )(p2, dinv, xw2, bg2r, wfc, bfcr)



def kernel(x, edge_index, emb_table, W1, b1, W2, b2, Wg1, bg1, Wg2, bg2,
           Wfc, bfc):
    x = x.astype(jnp.int32)
    row = edge_index[0].astype(jnp.int32)
    col = edge_index[1].astype(jnp.int32)
    x2 = jnp.concatenate([x, jnp.zeros((NP - N,), jnp.int32)]).reshape(
        NB_N, 128)
    zpad = jnp.zeros((EP - E,), jnp.int32)
    row3 = jnp.concatenate([row, zpad]).reshape(NW, KB, 128)
    col3 = jnp.concatenate([col, zpad]).reshape(NW, KB, 128)
    zn = jnp.zeros((NP,), F32)
    zrows = jnp.zeros((NP, D), F32)

    h = _emb_gather(x2, emb_table)
    w1c = jnp.concatenate([W1[:D], W1[D:]], axis=1)
    b1c = jnp.concatenate([jnp.zeros((64,), F32), b1]).reshape(1, D)
    huv, xw1 = _node_mm(h, w1c, b1c, Wg1)
    q4 = _edge_q(row3, col3, huv)
    ew2 = _edge_w(q4.reshape(EP, 64), W2, b2.reshape(1, 1))
    ew3 = ew2.reshape(NW, KB, 128)
    degp = _deg_partials(col3, ew3, zn)
    dinv, y1 = _dinv_y1(degp, xw1)
    ewfr = ew2.reshape(NW, EW_)
    p1 = _conv_agg(row3, col3, ewfr, y1, zrows)
    xw2, y2 = _post_conv1(p1, dinv, xw1, bg1.reshape(1, D), Wg2)
    p2 = _conv_agg(row3, col3, ewfr, y2, zrows)
    out = _final(p2, dinv, xw2, bg2.reshape(1, D), Wfc, bfc.reshape(1, 1))
    return out.reshape(1)

# --- scband reference (transcript-rebuilt; emitter-appended) ---
"""Pipeline reference for scband-graph-based-sentiment-model-14362370638525 (READ-ONLY COPY).

The authoritative reference and input builder live on the scoring server;
editing this copy changes nothing except your own understanding.
"""

import jax, jax.numpy as jnp
import numpy as np

N = 10000
E = 320000
V = 100000
D = 128
H = 128


def setup_inputs(seed: int = 0) -> dict:
    key = jax.random.key(seed)
    ks = jax.random.split(key, 12)
    inp = {}
    inp["x"] = jax.random.randint(ks[0], (N,), 0, V)
    inp["edge_index"] = jax.random.randint(ks[1], (2, E), 0, N)
    inp["emb_table"] = jax.random.normal(ks[2], (V, D), dtype=jnp.float32) * 0.02
    inp["W1"] = jax.random.normal(ks[3], (2 * D, 64), dtype=jnp.float32) * 0.05
    inp["b1"] = jnp.zeros((64,), dtype=jnp.float32)
    inp["W2"] = jax.random.normal(ks[4], (64, 1), dtype=jnp.float32) * 0.05
    inp["b2"] = jnp.zeros((1,), dtype=jnp.float32)
    inp["Wg1"] = jax.random.normal(ks[5], (D, H), dtype=jnp.float32) * 0.05
    inp["bg1"] = jnp.zeros((H,), dtype=jnp.float32)
    inp["Wg2"] = jax.random.normal(ks[6], (H, H), dtype=jnp.float32) * 0.05
    inp["bg2"] = jnp.zeros((H,), dtype=jnp.float32)
    inp["Wfc"] = jax.random.normal(ks[7], (H, 1), dtype=jnp.float32) * 0.05
    inp["bfc"] = jnp.zeros((1,), dtype=jnp.float32)
    return inp


def _gcn_conv(x, src, dst, edge_weight, W, b, n):
    # PyG GCNConv with add_self_loops=True, normalize=True (eval mode).
    loop = jnp.arange(n, dtype=src.dtype)
    s = jnp.concatenate([src, loop])
    d = jnp.concatenate([dst, loop])
    w = jnp.concatenate([edge_weight, jnp.ones((n,), dtype=edge_weight.dtype)])
    deg = jax.ops.segment_sum(w, d, num_segments=n)
    dinv = jnp.where(deg > 0, jax.lax.rsqrt(deg), 0.0)
    norm = dinv[s] * w * dinv[d]
    xw = x @ W
    out = jax.ops.segment_sum(xw[s] * norm[:, None], d, num_segments=n)
    return out + b


def reference(x, edge_index, emb_table, W1, b1, W2, b2, Wg1, bg1, Wg2, bg2, Wfc, bfc):
    # embedding lookup (dropout is identity in eval mode)
    h = emb_table[x]
    row, col = edge_index[0], edge_index[1]
    # edge weight calculator: MLP on concatenated endpoint features
    ef = jnp.concatenate([h[row], h[col]], axis=-1)
    ew = jax.nn.sigmoid(jax.nn.relu(ef @ W1 + b1) @ W2 + b2)[:, 0]
    h = jax.nn.relu(_gcn_conv(h, row, col, ew, Wg1, bg1, N))
    h = jax.nn.relu(_gcn_conv(h, row, col, ew, Wg2, bg2, N))
    pooled = h.mean(axis=0)
    return jax.nn.sigmoid(pooled @ Wfc + bfc)

if __name__ == "__main__":
    import jax
    _d = setup_inputs()
    print(jax.jit(kernel)(*tuple(_d.values())))

</pallas_src>

<mosaic_0001>
#map = affine_map<(d0, d1) -> (0, 0)>
module attributes {stable_mosaic.version = 14 : i64} {
  func.func @_emb_body(%arg0: i32, %arg1: i32, %arg2: memref<80x128xi32, #tpu.memory_space<hbm>>, %arg3: memref<100000x128xf32, #tpu.memory_space<hbm>>, %arg4: memref<10240x128xf32, #tpu.memory_space<hbm>>, %arg5: memref<128xi32, #tpu.memory_space<vmem>>, %arg6: memref<128x128xf32, #tpu.memory_space<vmem>>, %arg7: memref<!tpu.dma_semaphore, #tpu.memory_space<semaphore_mem>>) attributes {dimension_semantics = [#tpu.dimension_semantics<core_parallel>, #tpu.dimension_semantics<subcore_parallel>], iteration_bounds = array<i64: 2, 16>, scalar_prefetch = 0 : i64, scratch_operands = 3 : i64, tpu.core_type = #tpu.core_type<sc_vector_subcore>, window_params = [{transform_indices = #map}, {transform_indices = #map}, {transform_indices = #map}]} {
    %mul3A = arith.constant 16 : i32
    %mul3A_0 = arith.muli %arg0, %mul3A : i32
    %add3A = arith.addi %mul3A_0, %arg1 : i32
    %add3A_1 = arith.constant 0 : i32
    %add3A_2 = arith.addi %add3A, %add3A_1 : i32
    %lt3A = arith.constant 80 : i32
    %lt3A_3 = arith.cmpi slt, %add3A_2, %lt3A : i32
    %convert_element_type3A = arith.extui %lt3A_3 : i1 to i32
    %cond3A = arith.constant 0 : i32
    %cond3A_4 = arith.cmpi ne, %convert_element_type3A, %cond3A : i32
    scf.if %cond3A_4 {
      "tpu.region"() ({
        %run_scoped3A = tpu.sem_alloc : memref<!tpu.dma_semaphore, #tpu.memory_space<semaphore_mem>>
        %dma_start3A_25 = arith.constant 0 : i32
        %dma_start3A_26 = tpu.memref_slice %arg2[%add3A_2, %dma_start3A_25] : memref<80x128xi32, #tpu.memory_space<hbm>> -> memref<1x128xi32, #tpu.memory_space<hbm>>
        %dma_start3A_27 = tpu.memref_squeeze %dma_start3A_26 : memref<1x128xi32, #tpu.memory_space<hbm>> -> memref<128xi32, #tpu.memory_space<hbm>>
        %dma_start3A_28 = arith.constant 0 : i32
        %dma_start3A_29 = tpu.memref_slice %arg2[%add3A_2, %dma_start3A_28] : memref<80x128xi32, #tpu.memory_space<hbm>> -> memref<1x128xi32, #tpu.memory_space<hbm>>
        %dma_start3A_30 = tpu.memref_squeeze %dma_start3A_29 : memref<1x128xi32, #tpu.memory_space<hbm>> -> memref<128xi32, #tpu.memory_space<hbm>>
        tpu.enqueue_dma source(%dma_start3A_30 : memref<128xi32, #tpu.memory_space<hbm>>) target(%arg5 : memref<128xi32, #tpu.memory_space<vmem>>) target_semaphore(%run_scoped3A : memref<!tpu.dma_semaphore, #tpu.memory_space<semaphore_mem>>)
        %dma_wait3A_31 = arith.constant 0 : i32
        %dma_wait3A_32 = tpu.memref_slice %arg2[%add3A_2, %dma_wait3A_31] : memref<80x128xi32, #tpu.memory_space<hbm>> -> memref<1x128xi32, #tpu.memory_space<hbm>>
        %dma_wait3A_33 = tpu.memref_squeeze %dma_wait3A_32 : memref<1x128xi32, #tpu.memory_space<hbm>> -> memref<128xi32, #tpu.memory_space<hbm>>
        %dma_wait3A_34 = arith.constant 0 : i32
        %dma_wait3A_35 = tpu.memref_slice %arg2[%add3A_2, %dma_wait3A_34] : memref<80x128xi32, #tpu.memory_space<hbm>> -> memref<1x128xi32, #tpu.memory_space<hbm>>
        %dma_wait3A_36 = tpu.memref_squeeze %dma_wait3A_35 : memref<1x128xi32, #tpu.memory_space<hbm>> -> memref<128xi32, #tpu.memory_space<hbm>>
        tpu.wait_dma2 semaphore(%run_scoped3A : memref<!tpu.dma_semaphore, #tpu.memory_space<semaphore_mem>>) src(%dma_wait3A_36 : memref<128xi32, #tpu.memory_space<hbm>>) dst(%arg5 : memref<128xi32, #tpu.memory_space<vmem>>)
        tpu.yield
      }) : () -> ()
      %dma_start3A = arith.constant 0 : i32
      %dma_start3A_19 = arith.constant 0 : i32
      %dma_start3A_20 = tpu.memref_slice %arg3[%dma_start3A, %dma_start3A_19] : memref<100000x128xf32, #tpu.memory_space<hbm>> -> memref<100000x128xf32, #tpu.memory_space<hbm>>
      tpu.enqueue_indirect_dma source(%dma_start3A_20 : memref<100000x128xf32, #tpu.memory_space<hbm>>) target(%arg6 : memref<128x128xf32, #tpu.memory_space<vmem>>) offsets(%arg5 : memref<128xi32, #tpu.memory_space<vmem>>) semaphore(%arg7 : memref<!tpu.dma_semaphore, #tpu.memory_space<semaphore_mem>>)
      %dma_wait3A = arith.constant 0 : i32
      %dma_wait3A_21 = arith.constant 0 : i32
      %dma_wait3A_22 = tpu.memref_slice %arg3[%dma_wait3A, %dma_wait3A_21] : memref<100000x128xf32, #tpu.memory_space<hbm>> -> memref<100000x128xf32, #tpu.memory_space<hbm>>
      tpu.wait_indirect_dma semaphore(%arg7 : memref<!tpu.dma_semaphore, #tpu.memory_space<semaphore_mem>>) src(%dma_wait3A_22 : memref<100000x128xf32, #tpu.memory_space<hbm>>) dst(%arg6 : memref<128x128xf32, #tpu.memory_space<vmem>>)
      %mul3A_23 = arith.constant 128 : i32
      %mul3A_24 = arith.muli %add3A_2, %mul3A_23 : i32
      "tpu.region"() ({
        %run_scoped3A = tpu.sem_alloc : memref<!tpu.dma_semaphore, #tpu.memory_space<semaphore_mem>>
        %dma_start3A_25 = arith.constant 0 : i32
        %dma_start3A_26 = tpu.memref_slice %arg4[%mul3A_24, %dma_start3A_25] : memref<10240x128xf32, #tpu.memory_space<hbm>> -> memref<128x128xf32, #tpu.memory_space<hbm>>
        %dma_start3A_27 = arith.constant 0 : i32
        %dma_start3A_28 = tpu.memref_slice %arg4[%mul3A_24, %dma_start3A_27] : memref<10240x128xf32, #tpu.memory_space<hbm>> -> memref<128x128xf32, #tpu.memory_space<hbm>>
        tpu.enqueue_dma source(%arg6 : memref<128x128xf32, #tpu.memory_space<vmem>>) target(%dma_start3A_28 : memref<128x128xf32, #tpu.memory_space<hbm>>) target_semaphore(%run_scoped3A : memref<!tpu.dma_semaphore, #tpu.memory_space<semaphore_mem>>)
        %dma_wait3A_29 = arith.constant 0 : i32
        %dma_wait3A_30 = tpu.memref_slice %arg4[%mul3A_24, %dma_wait3A_29] : memref<10240x128xf32, #tpu.memory_space<hbm>> -> memref<128x128xf32, #tpu.memory_space<hbm>>
        %dma_wait3A_31 = arith.constant 0 : i32
        %dma_wait3A_32 = tpu.memref_slice %arg4[%mul3A_24, %dma_wait3A_31] : memref<10240x128xf32, #tpu.memory_space<hbm>> -> memref<128x128xf32, #tpu.memory_space<hbm>>
        tpu.wait_dma2 semaphore(%run_scoped3A : memref<!tpu.dma_semaphore, #tpu.memory_space<semaphore_mem>>) src(%arg6 : memref<128x128xf32, #tpu.memory_space<vmem>>) dst(%dma_wait3A_32 : memref<128x128xf32, #tpu.memory_space<hbm>>)
        tpu.yield
      }) : () -> ()
    } else {
    }
    %add3A_5 = arith.constant 32 : i32
    %add3A_6 = arith.addi %add3A, %add3A_5 : i32
    %lt3A_7 = arith.constant 80 : i32
    %lt3A_8 = arith.cmpi slt, %add3A_6, %lt3A_7 : i32
    %convert_element_type3A_9 = arith.extui %lt3A_8 : i1 to i32
    %cond3A_10 = arith.constant 0 : i32
    %cond3A_11 = arith.cmpi ne, %convert_element_type3A_9, %cond3A_10 : i32
    scf.if %cond3A_11 {
      "tpu.region"() ({
        %run_scoped3A = tpu.sem_alloc : memref<!tpu.dma_semaphore, #tpu.memory_space<semaphore_mem>>
        %dma_start3A_25 = arith.constant 0 : i32
        %dma_start3A_26 = tpu.memref_slice %arg2[%add3A_6, %dma_start3A_25] : memref<80x128xi32, #tpu.memory_space<hbm>> -> memref<1x128xi32, #tpu.memory_space<hbm>>
        %dma_start3A_27 = tpu.memref_squeeze %dma_start3A_26 : memref<1x128xi32, #tpu.memory_space<hbm>> -> memref<128xi32, #tpu.memory_space<hbm>>
        %dma_start3A_28 = arith.constant 0 : i32
        %dma_start3A_29 = tpu.memref_slice %arg2[%add3A_6, %dma_start3A_28] : memref<80x128xi32, #tpu.memory_space<hbm>> -> memref<1x128xi32, #tpu.memory_space<hbm>>
        %dma_start3A_30 = tpu.memref_squeeze %dma_start3A_29 : memref<1x128xi32, #tpu.memory_space<hbm>> -> memref<128xi32, #tpu.memory_space<hbm>>
        tpu.enqueue_dma source(%dma_start3A_30 : memref<128xi32, #tpu.memory_space<hbm>>) target(%arg5 : memref<128xi32, #tpu.memory_space<vmem>>) target_semaphore(%run_scoped3A : memref<!tpu.dma_semaphore, #tpu.memory_space<semaphore_mem>>)
        %dma_wait3A_31 = arith.constant 0 : i32
        %dma_wait3A_32 = tpu.memref_slice %arg2[%add3A_6, %dma_wait3A_31] : memref<80x128xi32, #tpu.memory_space<hbm>> -> memref<1x128xi32, #tpu.memory_space<hbm>>
        %dma_wait3A_33 = tpu.memref_squeeze %dma_wait3A_32 : memref<1x128xi32, #tpu.memory_space<hbm>> -> memref<128xi32, #tpu.memory_space<hbm>>
        %dma_wait3A_34 = arith.constant 0 : i32
        %dma_wait3A_35 = tpu.memref_slice %arg2[%add3A_6, %dma_wait3A_34] : memref<80x128xi32, #tpu.memory_space<hbm>> -> memref<1x128xi32, #tpu.memory_space<hbm>>
        %dma_wait3A_36 = tpu.memref_squeeze %dma_wait3A_35 : memref<1x128xi32, #tpu.memory_space<hbm>> -> memref<128xi32, #tpu.memory_space<hbm>>
        tpu.wait_dma2 semaphore(%run_scoped3A : memref<!tpu.dma_semaphore, #tpu.memory_space<semaphore_mem>>) src(%dma_wait3A_36 : memref<128xi32, #tpu.memory_space<hbm>>) dst(%arg5 : memref<128xi32, #tpu.memory_space<vmem>>)
        tpu.yield
      }) : () -> ()
      %dma_start3A = arith.constant 0 : i32
      %dma_start3A_19 = arith.constant 0 : i32
      %dma_start3A_20 = tpu.memref_slice %arg3[%dma_start3A, %dma_start3A_19] : memref<100000x128xf32, #tpu.memory_space<hbm>> -> memref<100000x128xf32, #tpu.memory_space<hbm>>
      tpu.enqueue_indirect_dma source(%dma_start3A_20 : memref<100000x128xf32, #tpu.memory_space<hbm>>) target(%arg6 : memref<128x128xf32, #tpu.memory_space<vmem>>) offsets(%arg5 : memref<128xi32, #tpu.memory_space<vmem>>) semaphore(%arg7 : memref<!tpu.dma_semaphore, #tpu.memory_space<semaphore_mem>>)
      %dma_wait3A = arith.constant 0 : i32
      %dma_wait3A_21 = arith.constant 0 : i32
      %dma_wait3A_22 = tpu.memref_slice %arg3[%dma_wait3A, %dma_wait3A_21] : memref<100000x128xf32, #tpu.memory_space<hbm>> -> memref<100000x128xf32, #tpu.memory_space<hbm>>
      tpu.wait_indirect_dma semaphore(%arg7 : memref<!tpu.dma_semaphore, #tpu.memory_space<semaphore_mem>>) src(%dma_wait3A_22 : memref<100000x128xf32, #tpu.memory_space<hbm>>) dst(%arg6 : memref<128x128xf32, #tpu.memory_space<vmem>>)
      %mul3A_23 = arith.constant 128 : i32
      %mul3A_24 = arith.muli %add3A_6, %mul3A_23 : i32
      "tpu.region"() ({
        %run_scoped3A = tpu.sem_alloc : memref<!tpu.dma_semaphore, #tpu.memory_space<semaphore_mem>>
        %dma_start3A_25 = arith.constant 0 : i32
        %dma_start3A_26 = tpu.memref_slice %arg4[%mul3A_24, %dma_start3A_25] : memref<10240x128xf32, #tpu.memory_space<hbm>> -> memref<128x128xf32, #tpu.memory_space<hbm>>
        %dma_start3A_27 = arith.constant 0 : i32
        %dma_start3A_28 = tpu.memref_slice %arg4[%mul3A_24, %dma_start3A_27] : memref<10240x128xf32, #tpu.memory_space<hbm>> -> memref<128x128xf32, #tpu.memory_space<hbm>>
        tpu.enqueue_dma source(%arg6 : memref<128x128xf32, #tpu.memory_space<vmem>>) target(%dma_start3A_28 : memref<128x128xf32, #tpu.memory_space<hbm>>) target_semaphore(%run_scoped3A : memref<!tpu.dma_semaphore, #tpu.memory_space<semaphore_mem>>)
        %dma_wait3A_29 = arith.constant 0 : i32
        %dma_wait3A_30 = tpu.memref_slice %arg4[%mul3A_24, %dma_wait3A_29] : memref<10240x128xf32, #tpu.memory_space<hbm>> -> memref<128x128xf32, #tpu.memory_space<hbm>>
        %dma_wait3A_31 = arith.constant 0 : i32
        %dma_wait3A_32 = tpu.memref_slice %arg4[%mul3A_24, %dma_wait3A_31] : memref<10240x128xf32, #tpu.memory_space<hbm>> -> memref<128x128xf32, #tpu.memory_space<hbm>>
        tpu.wait_dma2 semaphore(%run_scoped3A : memref<!tpu.dma_semaphore, #tpu.memory_space<semaphore_mem>>) src(%arg6 : memref<128x128xf32, #tpu.memory_space<vmem>>) dst(%dma_wait3A_32 : memref<128x128xf32, #tpu.memory_space<hbm>>)
        tpu.yield
      }) : () -> ()
    } else {
    }
    %add3A_12 = arith.constant 64 : i32
    %add3A_13 = arith.addi %add3A, %add3A_12 : i32
    %lt3A_14 = arith.constant 80 : i32
    %lt3A_15 = arith.cmpi slt, %add3A_13, %lt3A_14 : i32
    %convert_element_type3A_16 = arith.extui %lt3A_15 : i1 to i32
    %cond3A_17 = arith.constant 0 : i32
    %cond3A_18 = arith.cmpi ne, %convert_element_type3A_16, %cond3A_17 : i32
    scf.if %cond3A_18 {
      "tpu.region"() ({
        %run_scoped3A = tpu.sem_alloc : memref<!tpu.dma_semaphore, #tpu.memory_space<semaphore_mem>>
        %dma_start3A_25 = arith.constant 0 : i32
        %dma_start3A_26 = tpu.memref_slice %arg2[%add3A_13, %dma_start3A_25] : memref<80x128xi32, #tpu.memory_space<hbm>> -> memref<1x128xi32, #tpu.memory_space<hbm>>
        %dma_start3A_27 = tpu.memref_squeeze %dma_start3A_26 : memref<1x128xi32, #tpu.memory_space<hbm>> -> memref<128xi32, #tpu.memory_space<hbm>>
        %dma_start3A_28 = arith.constant 0 : i32
        %dma_start3A_29 = tpu.memref_slice %arg2[%add3A_13, %dma_start3A_28] : memref<80x128xi32, #tpu.memory_space<hbm>> -> memref<1x128xi32, #tpu.memory_space<hbm>>
        %dma_start3A_30 = tpu.memref_squeeze %dma_start3A_29 : memref<1x128xi32, #tpu.memory_space<hbm>> -> memref<128xi32, #tpu.memory_space<hbm>>
        tpu.enqueue_dma source(%dma_start3A_30 : memref<128xi32, #tpu.memory_space<hbm>>) target(%arg5 : memref<128xi32, #tpu.memory_space<vmem>>) target_semaphore(%run_scoped3A : memref<!tpu.dma_semaphore, #tpu.memory_space<semaphore_mem>>)
        %dma_wait3A_31 = arith.constant 0 : i32
        %dma_wait3A_32 = tpu.memref_slice %arg2[%add3A_13, %dma_wait3A_31] : memref<80x128xi32, #tpu.memory_space<hbm>> -> memref<1x128xi32, #tpu.memory_space<hbm>>
        %dma_wait3A_33 = tpu.memref_squeeze %dma_wait3A_32 : memref<1x128xi32, #tpu.memory_space<hbm>> -> memref<128xi32, #tpu.memory_space<hbm>>
        %dma_wait3A_34 = arith.constant 0 : i32
        %dma_wait3A_35 = tpu.memref_slice %arg2[%add3A_13, %dma_wait3A_34] : memref<80x128xi32, #tpu.memory_space<hbm>> -> memref<1x128xi32, #tpu.memory_space<hbm>>
        %dma_wait3A_36 = tpu.memref_squeeze %dma_wait3A_35 : memref<1x128xi32, #tpu.memory_space<hbm>> -> memref<128xi32, #tpu.memory_space<hbm>>
        tpu.wait_dma2 semaphore(%run_scoped3A : memref<!tpu.dma_semaphore, #tpu.memory_space<semaphore_mem>>) src(%dma_wait3A_36 : memref<128xi32, #tpu.memory_space<hbm>>) dst(%arg5 : memref<128xi32, #tpu.memory_space<vmem>>)
        tpu.yield
      }) : () -> ()
      %dma_start3A = arith.constant 0 : i32
      %dma_start3A_19 = arith.constant 0 : i32
      %dma_start3A_20 = tpu.memref_slice %arg3[%dma_start3A, %dma_start3A_19] : memref<100000x128xf32, #tpu.memory_space<hbm>> -> memref<100000x128xf32, #tpu.memory_space<hbm>>
      tpu.enqueue_indirect_dma source(%dma_start3A_20 : memref<100000x128xf32, #tpu.memory_space<hbm>>) target(%arg6 : memref<128x128xf32, #tpu.memory_space<vmem>>) offsets(%arg5 : memref<128xi32, #tpu.memory_space<vmem>>) semaphore(%arg7 : memref<!tpu.dma_semaphore, #tpu.memory_space<semaphore_mem>>)
      %dma_wait3A = arith.constant 0 : i32
      %dma_wait3A_21 = arith.constant 0 : i32
      %dma_wait3A_22 = tpu.memref_slice %arg3[%dma_wait3A, %dma_wait3A_21] : memref<100000x128xf32, #tpu.memory_space<hbm>> -> memref<100000x128xf32, #tpu.memory_space<hbm>>
      tpu.wait_indirect_dma semaphore(%arg7 : memref<!tpu.dma_semaphore, #tpu.memory_space<semaphore_mem>>) src(%dma_wait3A_22 : memref<100000x128xf32, #tpu.memory_space<hbm>>) dst(%arg6 : memref<128x128xf32, #tpu.memory_space<vmem>>)
      %mul3A_23 = arith.constant 128 : i32
      %mul3A_24 = arith.muli %add3A_13, %mul3A_23 : i32
      "tpu.region"() ({
        %run_scoped3A = tpu.sem_alloc : memref<!tpu.dma_semaphore, #tpu.memory_space<semaphore_mem>>
        %dma_start3A_25 = arith.constant 0 : i32
        %dma_start3A_26 = tpu.memref_slice %arg4[%mul3A_24, %dma_start3A_25] : memref<10240x128xf32, #tpu.memory_space<hbm>> -> memref<128x128xf32, #tpu.memory_space<hbm>>
        %dma_start3A_27 = arith.constant 0 : i32
        %dma_start3A_28 = tpu.memref_slice %arg4[%mul3A_24, %dma_start3A_27] : memref<10240x128xf32, #tpu.memory_space<hbm>> -> memref<128x128xf32, #tpu.memory_space<hbm>>
        tpu.enqueue_dma source(%arg6 : memref<128x128xf32, #tpu.memory_space<vmem>>) target(%dma_start3A_28 : memref<128x128xf32, #tpu.memory_space<hbm>>) target_semaphore(%run_scoped3A : memref<!tpu.dma_semaphore, #tpu.memory_space<semaphore_mem>>)
        %dma_wait3A_29 = arith.constant 0 : i32
        %dma_wait3A_30 = tpu.memref_slice %arg4[%mul3A_24, %dma_wait3A_29] : memref<10240x128xf32, #tpu.memory_space<hbm>> -> memref<128x128xf32, #tpu.memory_space<hbm>>
        %dma_wait3A_31 = arith.constant 0 : i32
        %dma_wait3A_32 = tpu.memref_slice %arg4[%mul3A_24, %dma_wait3A_31] : memref<10240x128xf32, #tpu.memory_space<hbm>> -> memref<128x128xf32, #tpu.memory_space<hbm>>
        tpu.wait_dma2 semaphore(%run_scoped3A : memref<!tpu.dma_semaphore, #tpu.memory_space<semaphore_mem>>) src(%arg6 : memref<128x128xf32, #tpu.memory_space<vmem>>) dst(%dma_wait3A_32 : memref<128x128xf32, #tpu.memory_space<hbm>>)
        tpu.yield
      }) : () -> ()
    } else {
    }
    return
  }
}

#map = affine_map<(d0, d1) -> (0, 0, 0)>
#map1 = affine_map<(d0, d1) -> (0, 0)>
#map2 = affine_map<(d0, d1) -> (0, 0, 0, 0)>
module attributes {stable_mosaic.version = 14 : i64} {
  func.func @_edgeq_body(%arg0: i32, %arg1: i32, %arg2: memref<32x79x128xi32, #tpu.memory_space<hbm>>, %arg3: memref<32x79x128xi32, #tpu.memory_space<hbm>>, %arg4: memref<10240x128xf32, #tpu.memory_space<hbm>>, %arg5: memref<32x79x128x64xf32, #tpu.memory_space<hbm>>, %arg6: memref<79x128xi32, #tpu.memory_space<vmem>>, %arg7: memref<79x128xi32, #tpu.memory_space<vmem>>, %arg8: memref<128x128xf32, #tpu.memory_space<vmem>>, %arg9: memref<128x128xf32, #tpu.memory_space<vmem>>, %arg10: memref<128x64xf32, #tpu.memory_space<vmem>>, %arg11: memref<!tpu.dma_semaphore, #tpu.memory_space<semaphore_mem>>) attributes {dimension_semantics = [#tpu.dimension_semantics<core_parallel>, #tpu.dimension_semantics<subcore_parallel>], iteration_bounds = array<i64: 2, 16>, scalar_prefetch = 0 : i64, scratch_operands = 6 : i64, tpu.core_type = #tpu.core_type<sc_vector_subcore>, window_params = [{transform_indices = #map}, {transform_indices = #map}, {transform_indices = #map1}, {transform_indices = #map2}]} {
    %mul3A = arith.constant 16 : i32
    %mul3A_0 = arith.muli %arg0, %mul3A : i32
    %add3A = arith.addi %mul3A_0, %arg1 : i32
    "tpu.region"() ({
      %run_scoped3A = tpu.sem_alloc : memref<!tpu.dma_semaphore, #tpu.memory_space<semaphore_mem>>
      %dma_start3A = arith.constant 0 : i32
      %dma_start3A_6 = arith.constant 0 : i32
      %dma_start3A_7 = tpu.memref_slice %arg2[%add3A, %dma_start3A, %dma_start3A_6] : memref<32x79x128xi32, #tpu.memory_space<hbm>> -> memref<1x79x128xi32, #tpu.memory_space<hbm>>
      %dma_start3A_8 = tpu.memref_squeeze %dma_start3A_7 : memref<1x79x128xi32, #tpu.memory_space<hbm>> -> memref<79x128xi32, #tpu.memory_space<hbm>>
      %dma_start3A_9 = arith.constant 0 : i32
      %dma_start3A_10 = arith.constant 0 : i32
      %dma_start3A_11 = tpu.memref_slice %arg2[%add3A, %dma_start3A_9, %dma_start3A_10] : memref<32x79x128xi32, #tpu.memory_space<hbm>> -> memref<1x79x128xi32, #tpu.memory_space<hbm>>
      %dma_start3A_12 = tpu.memref_squeeze %dma_start3A_11 : memref<1x79x128xi32, #tpu.memory_space<hbm>> -> memref<79x128xi32, #tpu.memory_space<hbm>>
      tpu.enqueue_dma source(%dma_start3A_12 : memref<79x128xi32, #tpu.memory_space<hbm>>) target(%arg6 : memref<79x128xi32, #tpu.memory_space<vmem>>) target_semaphore(%run_scoped3A : memref<!tpu.dma_semaphore, #tpu.memory_space<semaphore_mem>>)
      %dma_wait3A = arith.constant 0 : i32
      %dma_wait3A_13 = arith.constant 0 : i32
      %dma_wait3A_14 = tpu.memref_slice %arg2[%add3A, %dma_wait3A, %dma_wait3A_13] : memref<32x79x128xi32, #tpu.memory_space<hbm>> -> memref<1x79x128xi32, #tpu.memory_space<hbm>>
      %dma_wait3A_15 = tpu.memref_squeeze %dma_wait3A_14 : memref<1x79x128xi32, #tpu.memory_space<hbm>> -> memref<79x128xi32, #tpu.memory_space<hbm>>
      %dma_wait3A_16 = arith.constant 0 : i32
      %dma_wait3A_17 = arith.constant 0 : i32
      %dma_wait3A_18 = tpu.memref_slice %arg2[%add3A, %dma_wait3A_16, %dma_wait3A_17] : memref<32x79x128xi32, #tpu.memory_space<hbm>> -> memref<1x79x128xi32, #tpu.memory_space<hbm>>
      %dma_wait3A_19 = tpu.memref_squeeze %dma_wait3A_18 : memref<1x79x128xi32, #tpu.memory_space<hbm>> -> memref<79x128xi32, #tpu.memory_space<hbm>>
      tpu.wait_dma2 semaphore(%run_scoped3A : memref<!tpu.dma_semaphore, #tpu.memory_space<semaphore_mem>>) src(%dma_wait3A_19 : memref<79x128xi32, #tpu.memory_space<hbm>>) dst(%arg6 : memref<79x128xi32, #tpu.memory_space<vmem>>)
      tpu.yield
    }) : () -> ()
    "tpu.region"() ({
      %run_scoped3A = tpu.sem_alloc : memref<!tpu.dma_semaphore, #tpu.memory_space<semaphore_mem>>
      %dma_start3A = arith.constant 0 : i32
      %dma_start3A_6 = arith.constant 0 : i32
      %dma_start3A_7 = tpu.memref_slice %arg3[%add3A, %dma_start3A, %dma_start3A_6] : memref<32x79x128xi32, #tpu.memory_space<hbm>> -> memref<1x79x128xi32, #tpu.memory_space<hbm>>
      %dma_start3A_8 = tpu.memref_squeeze %dma_start3A_7 : memref<1x79x128xi32, #tpu.memory_space<hbm>> -> memref<79x128xi32, #tpu.memory_space<hbm>>
      %dma_start3A_9 = arith.constant 0 : i32
      %dma_start3A_10 = arith.constant 0 : i32
      %dma_start3A_11 = tpu.memref_slice %arg3[%add3A, %dma_start3A_9, %dma_start3A_10] : memref<32x79x128xi32, #tpu.memory_space<hbm>> -> memref<1x79x128xi32, #tpu.memory_space<hbm>>
      %dma_start3A_12 = tpu.memref_squeeze %dma_start3A_11 : memref<1x79x128xi32, #tpu.memory_space<hbm>> -> memref<79x128xi32, #tpu.memory_space<hbm>>
      tpu.enqueue_dma source(%dma_start3A_12 : memref<79x128xi32, #tpu.memory_space<hbm>>) target(%arg7 : memref<79x128xi32, #tpu.memory_space<vmem>>) target_semaphore(%run_scoped3A : memref<!tpu.dma_semaphore, #tpu.memory_space<semaphore_mem>>)
      %dma_wait3A = arith.constant 0 : i32
      %dma_wait3A_13 = arith.constant 0 : i32
      %dma_wait3A_14 = tpu.memref_slice %arg3[%add3A, %dma_wait3A, %dma_wait3A_13] : memref<32x79x128xi32, #tpu.memory_space<hbm>> -> memref<1x79x128xi32, #tpu.memory_space<hbm>>
      %dma_wait3A_15 = tpu.memref_squeeze %dma_wait3A_14 : memref<1x79x128xi32, #tpu.memory_space<hbm>> -> memref<79x128xi32, #tpu.memory_space<hbm>>
      %dma_wait3A_16 = arith.constant 0 : i32
      %dma_wait3A_17 = arith.constant 0 : i32
      %dma_wait3A_18 = tpu.memref_slice %arg3[%add3A, %dma_wait3A_16, %dma_wait3A_17] : memref<32x79x128xi32, #tpu.memory_space<hbm>> -> memref<1x79x128xi32, #tpu.memory_space<hbm>>
      %dma_wait3A_19 = tpu.memref_squeeze %dma_wait3A_18 : memref<1x79x128xi32, #tpu.memory_space<hbm>> -> memref<79x128xi32, #tpu.memory_space<hbm>>
      tpu.wait_dma2 semaphore(%run_scoped3A : memref<!tpu.dma_semaphore, #tpu.memory_space<semaphore_mem>>) src(%dma_wait3A_19 : memref<79x128xi32, #tpu.memory_space<hbm>>) dst(%arg7 : memref<79x128xi32, #tpu.memory_space<vmem>>)
      tpu.yield
    }) : () -> ()
    %scan3A = arith.constant 0 : i32
    %scan3A_1 = arith.constant 0 : i32
    %scan3A_2 = arith.constant 79 : i32
    %scan3A_3 = arith.addi %scan3A_1, %scan3A_2 : i32
    %scan3A_4 = arith.constant 1 : i32
    scf.for %scan3A_6 = %scan3A_1 to %scan3A_3 step %scan3A_4  : i32 {
      %dma_start3A = arith.constant 0 : i32
      %dma_start3A_7 = tpu.memref_slice %arg6[%scan3A_6, %dma_start3A] : memref<79x128xi32, #tpu.memory_space<vmem>> -> memref<1x128xi32, #tpu.memory_space<vmem>>
      %dma_start3A_8 = tpu.memref_squeeze %dma_start3A_7 : memref<1x128xi32, #tpu.memory_space<vmem>> -> memref<128xi32, #tpu.memory_space<vmem>>
      %dma_start3A_9 = arith.constant 0 : i32
      %dma_start3A_10 = arith.constant 0 : i32
      %dma_start3A_11 = tpu.memref_slice %arg4[%dma_start3A_9, %dma_start3A_10] : memref<10240x128xf32, #tpu.memory_space<hbm>> -> memref<10240x128xf32, #tpu.memory_space<hbm>>
      tpu.enqueue_indirect_dma source(%dma_start3A_11 : memref<10240x128xf32, #tpu.memory_space<hbm>>) target(%arg8 : memref<128x128xf32, #tpu.memory_space<vmem>>) offsets(%dma_start3A_8 : memref<128xi32, #tpu.memory_space<vmem>>) semaphore(%arg11 : memref<!tpu.dma_semaphore, #tpu.memory_space<semaphore_mem>>)
      %dma_start3A_12 = arith.constant 0 : i32
      %dma_start3A_13 = tpu.memref_slice %arg7[%scan3A_6, %dma_start3A_12] : memref<79x128xi32, #tpu.memory_space<vmem>> -> memref<1x128xi32, #tpu.memory_space<vmem>>
      %dma_start3A_14 = tpu.memref_squeeze %dma_start3A_13 : memref<1x128xi32, #tpu.memory_space<vmem>> -> memref<128xi32, #tpu.memory_space<vmem>>
      %dma_start3A_15 = arith.constant 0 : i32
      %dma_start3A_16 = arith.constant 0 : i32
      %dma_start3A_17 = tpu.memref_slice %arg4[%dma_start3A_15, %dma_start3A_16] : memref<10240x128xf32, #tpu.memory_space<hbm>> -> memref<10240x128xf32, #tpu.memory_space<hbm>>
      tpu.enqueue_indirect_dma source(%dma_start3A_17 : memref<10240x128xf32, #tpu.memory_space<hbm>>) target(%arg9 : memref<128x128xf32, #tpu.memory_space<vmem>>) offsets(%dma_start3A_14 : memref<128xi32, #tpu.memory_space<vmem>>) semaphore(%arg11 : memref<!tpu.dma_semaphore, #tpu.memory_space<semaphore_mem>>)
      %dma_wait3A = arith.constant 0 : i32
      %dma_wait3A_18 = tpu.memref_slice %arg6[%scan3A_6, %dma_wait3A] : memref<79x128xi32, #tpu.memory_space<vmem>> -> memref<1x128xi32, #tpu.memory_space<vmem>>
      %dma_wait3A_19 = tpu.memref_squeeze %dma_wait3A_18 : memref<1x128xi32, #tpu.memory_space<vmem>> -> memref<128xi32, #tpu.memory_space<vmem>>
      %dma_wait3A_20 = arith.constant 0 : i32
      %dma_wait3A_21 = arith.constant 0 : i32
      %dma_wait3A_22 = tpu.memref_slice %arg4[%dma_wait3A_20, %dma_wait3A_21] : memref<10240x128xf32, #tpu.memory_space<hbm>> -> memref<10240x128xf32, #tpu.memory_space<hbm>>
      tpu.wait_indirect_dma semaphore(%arg11 : memref<!tpu.dma_semaphore, #tpu.memory_space<semaphore_mem>>) src(%dma_wait3A_22 : memref<10240x128xf32, #tpu.memory_space<hbm>>) dst(%arg8 : memref<128x128xf32, #tpu.memory_space<vmem>>)
      %dma_wait3A_23 = arith.constant 0 : i32
      %dma_wait3A_24 = tpu.memref_slice %arg7[%scan3A_6, %dma_wait3A_23] : memref<79x128xi32, #tpu.memory_space<vmem>> -> memref<1x128xi32, #tpu.memory_space<vmem>>
      %dma_wait3A_25 = tpu.memref_squeeze %dma_wait3A_24 : memref<1x128xi32, #tpu.memory_space<vmem>> -> memref<128xi32, #tpu.memory_space<vmem>>
      %dma_wait3A_26 = arith.constant 0 : i32
      %dma_wait3A_27 = arith.constant 0 : i32
      %dma_wait3A_28 = tpu.memref_slice %arg4[%dma_wait3A_26, %dma_wait3A_27] : memref<10240x128xf32, #tpu.memory_space<hbm>> -> memref<10240x128xf32, #tpu.memory_space<hbm>>
      tpu.wait_indirect_dma semaphore(%arg11 : memref<!tpu.dma_semaphore, #tpu.memory_space<semaphore_mem>>) src(%dma_wait3A_28 : memref<10240x128xf32, #tpu.memory_space<hbm>>) dst(%arg9 : memref<128x128xf32, #tpu.memory_space<vmem>>)
      %parallel_loop3A = arith.constant 0 : i32
      %parallel_loop3A_29 = arith.constant 128 : i32
      %parallel_loop3A_30 = arith.constant 1 : i32
      scf.for %parallel_loop3A_31 = %parallel_loop3A to %parallel_loop3A_29 step %parallel_loop3A_30  : i32 {
        %parallel_loop3A_32 = arith.index_cast %parallel_loop3A_31 : i32 to index
        %parallel_loop3A_33 = arith.constant 0 : index
        %parallel_loop3A_34 = tpu.vector_load %arg8[%parallel_loop3A_32, %parallel_loop3A_33] {strides = array<i32>} : memref<128x128xf32, #tpu.memory_space<vmem>>, vector<16xf32>,
        %parallel_loop3A_35 = arith.index_cast %parallel_loop3A_31 : i32 to index
        %parallel_loop3A_36 = arith.constant 64 : index
        %parallel_loop3A_37 = tpu.vector_load %arg9[%parallel_loop3A_35, %parallel_loop3A_36] {strides = array<i32>} : memref<128x128xf32, #tpu.memory_space<vmem>>, vector<16xf32>,
        %parallel_loop3A_38 = arith.addf %parallel_loop3A_34, %parallel_loop3A_37 : vector<16xf32>
        %parallel_loop3A_39 = arith.index_cast %parallel_loop3A_31 : i32 to index
        %parallel_loop3A_40 = arith.constant 0 : index
        %parallel_loop3A_41 = tpu.vector_load %arg10[%parallel_loop3A_39, %parallel_loop3A_40] {strides = array<i32>} : memref<128x64xf32, #tpu.memory_space<vmem>>, vector<16xf32>,
        tpu.vector_store %arg10[%parallel_loop3A_39, %parallel_loop3A_40], %parallel_loop3A_38 {strides = array<i32>} : memref<128x64xf32, #tpu.memory_space<vmem>>, vector<16xf32>,
        %parallel_loop3A_42 = arith.index_cast %parallel_loop3A_31 : i32 to index
        %parallel_loop3A_43 = arith.constant 16 : index
        %parallel_loop3A_44 = tpu.vector_load %arg8[%parallel_loop3A_42, %parallel_loop3A_43] {strides = array<i32>} : memref<128x128xf32, #tpu.memory_space<vmem>>, vector<16xf32>,
        %parallel_loop3A_45 = arith.index_cast %parallel_loop3A_31 : i32 to index
        %parallel_loop3A_46 = arith.constant 80 : index
        %parallel_loop3A_47 = tpu.vector_load %arg9[%parallel_loop3A_45, %parallel_loop3A_46] {strides = array<i32>} : memref<128x128xf32, #tpu.memory_space<vmem>>, vector<16xf32>,
        %parallel_loop3A_48 = arith.addf %parallel_loop3A_44, %parallel_loop3A_47 : vector<16xf32>
        %parallel_loop3A_49 = arith.index_cast %parallel_loop3A_31 : i32 to index
        %parallel_loop3A_50 = arith.constant 16 : index
        %parallel_loop3A_51 = tpu.vector_load %arg10[%parallel_loop3A_49, %parallel_loop3A_50] {strides = array<i32>} : memref<128x64xf32, #tpu.memory_space<vmem>>, vector<16xf32>,
        tpu.vector_store %arg10[%parallel_loop3A_49, %parallel_loop3A_50], %parallel_loop3A_48 {strides = array<i32>} : memref<128x64xf32, #tpu.memory_space<vmem>>, vector<16xf32>,
        %parallel_loop3A_52 = arith.index_cast %parallel_loop3A_31 : i32 to index
        %parallel_loop3A_53 = arith.constant 32 : index
        %parallel_loop3A_54 = tpu.vector_load %arg8[%parallel_loop3A_52, %parallel_loop3A_53] {strides = array<i32>} : memref<128x128xf32, #tpu.memory_space<vmem>>, vector<16xf32>,
        %parallel_loop3A_55 = arith.index_cast %parallel_loop3A_31 : i32 to index
        %parallel_loop3A_56 = arith.constant 96 : index
        %parallel_loop3A_57 = tpu.vector_load %arg9[%parallel_loop3A_55, %parallel_loop3A_56] {strides = array<i32>} : memref<128x128xf32, #tpu.memory_space<vmem>>, vector<16xf32>,
        %parallel_loop3A_58 = arith.addf %parallel_loop3A_54, %parallel_loop3A_57 : vector<16xf32>
        %parallel_loop3A_59 = arith.index_cast %parallel_loop3A_31 : i32 to index
        %parallel_loop3A_60 = arith.constant 32 : index
        %parallel_loop3A_61 = tpu.vector_load %arg10[%parallel_loop3A_59, %parallel_loop3A_60] {strides = array<i32>} : memref<128x64xf32, #tpu.memory_space<vmem>>, vector<16xf32>,
        tpu.vector_store %arg10[%parallel_loop3A_59, %parallel_loop3A_60], %parallel_loop3A_58 {strides = array<i32>} : memref<128x64xf32, #tpu.memory_space<vmem>>, vector<16xf32>,
        %parallel_loop3A_62 = arith.index_cast %parallel_loop3A_31 : i32 to index
        %parallel_loop3A_63 = arith.constant 48 : index
        %parallel_loop3A_64 = tpu.vector_load %arg8[%parallel_loop3A_62, %parallel_loop3A_63] {strides = array<i32>} : memref<128x128xf32, #tpu.memory_space<vmem>>, vector<16xf32>,
        %parallel_loop3A_65 = arith.index_cast %parallel_loop3A_31 : i32 to index
        %parallel_loop3A_66 = arith.constant 112 : index
        %parallel_loop3A_67 = tpu.vector_load %arg9[%parallel_loop3A_65, %parallel_loop3A_66] {strides = array<i32>} : memref<128x128xf32, #tpu.memory_space<vmem>>, vector<16xf32>,
        %parallel_loop3A_68 = arith.addf %parallel_loop3A_64, %parallel_loop3A_67 : vector<16xf32>
        %parallel_loop3A_69 = arith.index_cast %parallel_loop3A_31 : i32 to index
        %parallel_loop3A_70 = arith.constant 48 : index
        %parallel_loop3A_71 = tpu.vector_load %arg10[%parallel_loop3A_69, %parallel_loop3A_70] {strides = array<i32>} : memref<128x64xf32, #tpu.memory_space<vmem>>, vector<16xf32>,
        tpu.vector_store %arg10[%parallel_loop3A_69, %parallel_loop3A_70], %parallel_loop3A_68 {strides = array<i32>} : memref<128x64xf32, #tpu.memory_space<vmem>>, vector<16xf32>,
      } {sc.loop_unroll_factor = 1 : i64, sc.parallel_access}
      "tpu.region"() ({
        %run_scoped3A = tpu.sem_alloc : memref<!tpu.dma_semaphore, #tpu.memory_space<semaphore_mem>>
        %dma_start3A_31 = arith.constant 0 : i32
        %dma_start3A_32 = arith.constant 0 : i32
        %dma_start3A_33 = tpu.memref_slice %arg5[%add3A, %scan3A_6, %dma_start3A_31, %dma_start3A_32] : memref<32x79x128x64xf32, #tpu.memory_space<hbm>> -> memref<1x1x128x64xf32, #tpu.memory_space<hbm>>
        %dma_start3A_34 = tpu.memref_squeeze %dma_start3A_33 : memref<1x1x128x64xf32, #tpu.memory_space<hbm>> -> memref<128x64xf32, #tpu.memory_space<hbm>>
        %dma_start3A_35 = arith.constant 0 : i32
        %dma_start3A_36 = arith.constant 0 : i32
        %dma_start3A_37 = tpu.memref_slice %arg5[%add3A, %scan3A_6, %dma_start3A_35, %dma_start3A_36] : memref<32x79x128x64xf32, #tpu.memory_space<hbm>> -> memref<1x1x128x64xf32, #tpu.memory_space<hbm>>
        %dma_start3A_38 = tpu.memref_squeeze %dma_start3A_37 : memref<1x1x128x64xf32, #tpu.memory_space<hbm>> -> memref<128x64xf32, #tpu.memory_space<hbm>>
        tpu.enqueue_dma source(%arg10 : memref<128x64xf32, #tpu.memory_space<vmem>>) target(%dma_start3A_38 : memref<128x64xf32, #tpu.memory_space<hbm>>) target_semaphore(%run_scoped3A : memref<!tpu.dma_semaphore, #tpu.memory_space<semaphore_mem>>)
        %dma_wait3A_39 = arith.constant 0 : i32
        %dma_wait3A_40 = arith.constant 0 : i32
        %dma_wait3A_41 = tpu.memref_slice %arg5[%add3A, %scan3A_6, %dma_wait3A_39, %dma_wait3A_40] : memref<32x79x128x64xf32, #tpu.memory_space<hbm>> -> memref<1x1x128x64xf32, #tpu.memory_space<hbm>>
        %dma_wait3A_42 = tpu.memref_squeeze %dma_wait3A_41 : memref<1x1x128x64xf32, #tpu.memory_space<hbm>> -> memref<128x64xf32, #tpu.memory_space<hbm>>
        %dma_wait3A_43 = arith.constant 0 : i32
        %dma_wait3A_44 = arith.constant 0 : i32
        %dma_wait3A_45 = tpu.memref_slice %arg5[%add3A, %scan3A_6, %dma_wait3A_43, %dma_wait3A_44] : memref<32x79x128x64xf32, #tpu.memory_space<hbm>> -> memref<1x1x128x64xf32, #tpu.memory_space<hbm>>
        %dma_wait3A_46 = tpu.memref_squeeze %dma_wait3A_45 : memref<1x1x128x64xf32, #tpu.memory_space<hbm>> -> memref<128x64xf32, #tpu.memory_space<hbm>>
        tpu.wait_dma2 semaphore(%run_scoped3A : memref<!tpu.dma_semaphore, #tpu.memory_space<semaphore_mem>>) src(%arg10 : memref<128x64xf32, #tpu.memory_space<vmem>>) dst(%dma_wait3A_46 : memref<128x64xf32, #tpu.memory_space<hbm>>)
        tpu.yield
      }) : () -> ()
    }
    %scan3A_5 = arith.constant 79 : i32
    return
  }
}

#map = affine_map<(d0, d1) -> (0, 0, 0)>
#map1 = affine_map<(d0, d1) -> (0)>
#map2 = affine_map<(d0, d1) -> (0, 0)>
module attributes {stable_mosaic.version = 14 : i64} {
  func.func @_deg_body(%arg0: i32, %arg1: i32, %arg2: memref<32x79x128xi32, #tpu.memory_space<hbm>>, %arg3: memref<32x79x128xf32, #tpu.memory_space<hbm>>, %arg4: memref<10240xf32, #tpu.memory_space<hbm>>, %arg5: memref<32x10240xf32, #tpu.memory_space<hbm>>, %arg6: memref<79x128xi32, #tpu.memory_space<vmem>>, %arg7: memref<79x128xf32, #tpu.memory_space<vmem>>, %arg8: memref<10240xf32, #tpu.memory_space<vmem>>) attributes {dimension_semantics = [#tpu.dimension_semantics<core_parallel>, #tpu.dimension_semantics<subcore_parallel>], iteration_bounds = array<i64: 2, 16>, scalar_prefetch = 0 : i64, scratch_operands = 3 : i64, tpu.core_type = #tpu.core_type<sc_vector_subcore>, window_params = [{transform_indices = #map}, {transform_indices = #map}, {transform_indices = #map1}, {transform_indices = #map2}]} {
    %mul3A = arith.constant 16 : i32
    %mul3A_0 = arith.muli %arg0, %mul3A : i32
    %add3A = arith.addi %mul3A_0, %arg1 : i32
    "tpu.region"() ({
      %run_scoped3A = tpu.sem_alloc : memref<!tpu.dma_semaphore, #tpu.memory_space<semaphore_mem>>
      tpu.enqueue_dma source(%arg4 : memref<10240xf32, #tpu.memory_space<hbm>>) target(%arg8 : memref<10240xf32, #tpu.memory_space<vmem>>) target_semaphore(%run_scoped3A : memref<!tpu.dma_semaphore, #tpu.memory_space<semaphore_mem>>)
      tpu.wait_dma2 semaphore(%run_scoped3A : memref<!tpu.dma_semaphore, #tpu.memory_space<semaphore_mem>>) src(%arg4 : memref<10240xf32, #tpu.memory_space<hbm>>) dst(%arg8 : memref<10240xf32, #tpu.memory_space<vmem>>)
      tpu.yield
    }) : () -> ()
    "tpu.region"() ({
      %run_scoped3A = tpu.sem_alloc : memref<!tpu.dma_semaphore, #tpu.memory_space<semaphore_mem>>
      %dma_start3A = arith.constant 0 : i32
      %dma_start3A_3 = arith.constant 0 : i32
      %dma_start3A_4 = tpu.memref_slice %arg2[%add3A, %dma_start3A, %dma_start3A_3] : memref<32x79x128xi32, #tpu.memory_space<hbm>> -> memref<1x79x128xi32, #tpu.memory_space<hbm>>
      %dma_start3A_5 = tpu.memref_squeeze %dma_start3A_4 : memref<1x79x128xi32, #tpu.memory_space<hbm>> -> memref<79x128xi32, #tpu.memory_space<hbm>>
      %dma_start3A_6 = arith.constant 0 : i32
      %dma_start3A_7 = arith.constant 0 : i32
      %dma_start3A_8 = tpu.memref_slice %arg2[%add3A, %dma_start3A_6, %dma_start3A_7] : memref<32x79x128xi32, #tpu.memory_space<hbm>> -> memref<1x79x128xi32, #tpu.memory_space<hbm>>
      %dma_start3A_9 = tpu.memref_squeeze %dma_start3A_8 : memref<1x79x128xi32, #tpu.memory_space<hbm>> -> memref<79x128xi32, #tpu.memory_space<hbm>>
      tpu.enqueue_dma source(%dma_start3A_9 : memref<79x128xi32, #tpu.memory_space<hbm>>) target(%arg6 : memref<79x128xi32, #tpu.memory_space<vmem>>) target_semaphore(%run_scoped3A : memref<!tpu.dma_semaphore, #tpu.memory_space<semaphore_mem>>)
      %dma_wait3A = arith.constant 0 : i32
      %dma_wait3A_10 = arith.constant 0 : i32
      %dma_wait3A_11 = tpu.memref_slice %arg2[%add3A, %dma_wait3A, %dma_wait3A_10] : memref<32x79x128xi32, #tpu.memory_space<hbm>> -> memref<1x79x128xi32, #tpu.memory_space<hbm>>
      %dma_wait3A_12 = tpu.memref_squeeze %dma_wait3A_11 : memref<1x79x128xi32, #tpu.memory_space<hbm>> -> memref<79x128xi32, #tpu.memory_space<hbm>>
      %dma_wait3A_13 = arith.constant 0 : i32
      %dma_wait3A_14 = arith.constant 0 : i32
      %dma_wait3A_15 = tpu.memref_slice %arg2[%add3A, %dma_wait3A_13, %dma_wait3A_14] : memref<32x79x128xi32, #tpu.memory_space<hbm>> -> memref<1x79x128xi32, #tpu.memory_space<hbm>>
      %dma_wait3A_16 = tpu.memref_squeeze %dma_wait3A_15 : memref<1x79x128xi32, #tpu.memory_space<hbm>> -> memref<79x128xi32, #tpu.memory_space<hbm>>
      tpu.wait_dma2 semaphore(%run_scoped3A : memref<!tpu.dma_semaphore, #tpu.memory_space<semaphore_mem>>) src(%dma_wait3A_16 : memref<79x128xi32, #tpu.memory_space<hbm>>) dst(%arg6 : memref<79x128xi32, #tpu.memory_space<vmem>>)
      tpu.yield
    }) : () -> ()
    "tpu.region"() ({
      %run_scoped3A = tpu.sem_alloc : memref<!tpu.dma_semaphore, #tpu.memory_space<semaphore_mem>>
      %dma_start3A = arith.constant 0 : i32
      %dma_start3A_3 = arith.constant 0 : i32
      %dma_start3A_4 = tpu.memref_slice %arg3[%add3A, %dma_start3A, %dma_start3A_3] : memref<32x79x128xf32, #tpu.memory_space<hbm>> -> memref<1x79x128xf32, #tpu.memory_space<hbm>>
      %dma_start3A_5 = tpu.memref_squeeze %dma_start3A_4 : memref<1x79x128xf32, #tpu.memory_space<hbm>> -> memref<79x128xf32, #tpu.memory_space<hbm>>
      %dma_start3A_6 = arith.constant 0 : i32
      %dma_start3A_7 = arith.constant 0 : i32
      %dma_start3A_8 = tpu.memref_slice %arg3[%add3A, %dma_start3A_6, %dma_start3A_7] : memref<32x79x128xf32, #tpu.memory_space<hbm>> -> memref<1x79x128xf32, #tpu.memory_space<hbm>>
      %dma_start3A_9 = tpu.memref_squeeze %dma_start3A_8 : memref<1x79x128xf32, #tpu.memory_space<hbm>> -> memref<79x128xf32, #tpu.memory_space<hbm>>
      tpu.enqueue_dma source(%dma_start3A_9 : memref<79x128xf32, #tpu.memory_space<hbm>>) target(%arg7 : memref<79x128xf32, #tpu.memory_space<vmem>>) target_semaphore(%run_scoped3A : memref<!tpu.dma_semaphore, #tpu.memory_space<semaphore_mem>>)
      %dma_wait3A = arith.constant 0 : i32
      %dma_wait3A_10 = arith.constant 0 : i32
      %dma_wait3A_11 = tpu.memref_slice %arg3[%add3A, %dma_wait3A, %dma_wait3A_10] : memref<32x79x128xf32, #tpu.memory_space<hbm>> -> memref<1x79x128xf32, #tpu.memory_space<hbm>>
      %dma_wait3A_12 = tpu.memref_squeeze %dma_wait3A_11 : memref<1x79x128xf32, #tpu.memory_space<hbm>> -> memref<79x128xf32, #tpu.memory_space<hbm>>
      %dma_wait3A_13 = arith.constant 0 : i32
      %dma_wait3A_14 = arith.constant 0 : i32
      %dma_wait3A_15 = tpu.memref_slice %arg3[%add3A, %dma_wait3A_13, %dma_wait3A_14] : memref<32x79x128xf32, #tpu.memory_space<hbm>> -> memref<1x79x128xf32, #tpu.memory_space<hbm>>
      %dma_wait3A_16 = tpu.memref_squeeze %dma_wait3A_15 : memref<1x79x128xf32, #tpu.memory_space<hbm>> -> memref<79x128xf32, #tpu.memory_space<hbm>>
      tpu.wait_dma2 semaphore(%run_scoped3A : memref<!tpu.dma_semaphore, #tpu.memory_space<semaphore_mem>>) src(%dma_wait3A_16 : memref<79x128xf32, #tpu.memory_space<hbm>>) dst(%arg7 : memref<79x128xf32, #tpu.memory_space<vmem>>)
      tpu.yield
    }) : () -> ()
    %parallel_loop3A = arith.constant 0 : i32
    %parallel_loop3A_1 = arith.constant 632 : i32
    %parallel_loop3A_2 = arith.constant 1 : i32
    scf.for %parallel_loop3A_3 = %parallel_loop3A to %parallel_loop3A_1 step %parallel_loop3A_2  : i32 {
      %parallel_loop3A_4 = arith.constant 8 : i32
      %parallel_loop3A_5 = arith.divsi %parallel_loop3A_3, %parallel_loop3A_4 : i32
      %parallel_loop3A_6 = arith.constant 0 : i32
      %parallel_loop3A_7 = arith.cmpi sgt, %parallel_loop3A_3, %parallel_loop3A_6 : i32
      %parallel_loop3A_8 = arith.extui %parallel_loop3A_7 : i1 to i32
      %parallel_loop3A_9 = arith.constant 0 : i32
      %parallel_loop3A_10 = arith.cmpi slt, %parallel_loop3A_3, %parallel_loop3A_9 : i32
      %parallel_loop3A_11 = arith.extui %parallel_loop3A_10 : i1 to i32
      %parallel_loop3A_12 = arith.subi %parallel_loop3A_8, %parallel_loop3A_11 : i32
      %parallel_loop3A_13 = arith.constant 0 : i32
      %parallel_loop3A_14 = arith.cmpi sgt, %parallel_loop3A_4, %parallel_loop3A_13 : i32
      %parallel_loop3A_15 = arith.extui %parallel_loop3A_14 : i1 to i32
      %parallel_loop3A_16 = arith.constant 0 : i32
      %parallel_loop3A_17 = arith.cmpi slt, %parallel_loop3A_4, %parallel_loop3A_16 : i32
      %parallel_loop3A_18 = arith.extui %parallel_loop3A_17 : i1 to i32
      %parallel_loop3A_19 = arith.subi %parallel_loop3A_15, %parallel_loop3A_18 : i32
      %parallel_loop3A_20 = arith.cmpi ne, %parallel_loop3A_12, %parallel_loop3A_19 : i32
      %parallel_loop3A_21 = arith.remsi %parallel_loop3A_3, %parallel_loop3A_4 : i32
      %parallel_loop3A_22 = arith.constant 0 : i32
      %parallel_loop3A_23 = arith.cmpi ne, %parallel_loop3A_21, %parallel_loop3A_22 : i32
      %parallel_loop3A_24 = arith.andi %parallel_loop3A_20, %parallel_loop3A_23 : i1
      %parallel_loop3A_25 = arith.constant 1 : i32
      %parallel_loop3A_26 = arith.subi %parallel_loop3A_5, %parallel_loop3A_25 : i32
      %parallel_loop3A_27 = arith.select %parallel_loop3A_24, %parallel_loop3A_26, %parallel_loop3A_5 : i32
      %parallel_loop3A_28 = arith.constant 8 : i32
      %parallel_loop3A_29 = arith.constant 0 : i32
      %parallel_loop3A_30 = arith.cmpi eq, %parallel_loop3A_28, %parallel_loop3A_29 : i32
      %parallel_loop3A_31 = arith.constant 1 : i32
      %parallel_loop3A_32 = arith.select %parallel_loop3A_30, %parallel_loop3A_31, %parallel_loop3A_28 : i32
      %parallel_loop3A_33 = arith.remsi %parallel_loop3A_3, %parallel_loop3A_32 : i32
      %parallel_loop3A_34 = arith.constant 0 : i32
      %parallel_loop3A_35 = arith.cmpi ne, %parallel_loop3A_33, %parallel_loop3A_34 : i32
      %parallel_loop3A_36 = arith.constant 0 : i32
      %parallel_loop3A_37 = arith.cmpi slt, %parallel_loop3A_33, %parallel_loop3A_36 : i32
      %parallel_loop3A_38 = arith.constant 0 : i32
      %parallel_loop3A_39 = arith.cmpi slt, %parallel_loop3A_32, %parallel_loop3A_38 : i32
      %parallel_loop3A_40 = arith.xori %parallel_loop3A_37, %parallel_loop3A_39 : i1
      %parallel_loop3A_41 = arith.andi %parallel_loop3A_40, %parallel_loop3A_35 : i1
      %parallel_loop3A_42 = arith.addi %parallel_loop3A_33, %parallel_loop3A_32 : i32
      %parallel_loop3A_43 = arith.select %parallel_loop3A_41, %parallel_loop3A_42, %parallel_loop3A_33 : i32
      %parallel_loop3A_44 = arith.constant 16 : i32
      %parallel_loop3A_45 = arith.muli %parallel_loop3A_43, %parallel_loop3A_44 : i32
      %parallel_loop3A_46 = arith.index_cast %parallel_loop3A_27 : i32 to index
      %parallel_loop3A_47 = arith.index_cast %parallel_loop3A_45 : i32 to index
      %parallel_loop3A_48 = tpu.vector_load %arg6[%parallel_loop3A_46, %parallel_loop3A_47] {strides = array<i32>} : memref<79x128xi32, #tpu.memory_space<vmem>>, vector<16xi32>,
      %parallel_loop3A_49 = arith.constant 8 : i32
      %parallel_loop3A_50 = arith.divsi %parallel_loop3A_3, %parallel_loop3A_49 : i32
      %parallel_loop3A_51 = arith.constant 0 : i32
      %parallel_loop3A_52 = arith.cmpi sgt, %parallel_loop3A_3, %parallel_loop3A_51 : i32
      %parallel_loop3A_53 = arith.extui %parallel_loop3A_52 : i1 to i32
      %parallel_loop3A_54 = arith.constant 0 : i32
      %parallel_loop3A_55 = arith.cmpi slt, %parallel_loop3A_3, %parallel_loop3A_54 : i32
      %parallel_loop3A_56 = arith.extui %parallel_loop3A_55 : i1 to i32
      %parallel_loop3A_57 = arith.subi %parallel_loop3A_53, %parallel_loop3A_56 : i32
      %parallel_loop3A_58 = arith.constant 0 : i32
      %parallel_loop3A_59 = arith.cmpi sgt, %parallel_loop3A_49, %parallel_loop3A_58 : i32
      %parallel_loop3A_60 = arith.extui %parallel_loop3A_59 : i1 to i32
      %parallel_loop3A_61 = arith.constant 0 : i32
      %parallel_loop3A_62 = arith.cmpi slt, %parallel_loop3A_49, %parallel_loop3A_61 : i32
      %parallel_loop3A_63 = arith.extui %parallel_loop3A_62 : i1 to i32
      %parallel_loop3A_64 = arith.subi %parallel_loop3A_60, %parallel_loop3A_63 : i32
      %parallel_loop3A_65 = arith.cmpi ne, %parallel_loop3A_57, %parallel_loop3A_64 : i32
      %parallel_loop3A_66 = arith.remsi %parallel_loop3A_3, %parallel_loop3A_49 : i32
      %parallel_loop3A_67 = arith.constant 0 : i32
      %parallel_loop3A_68 = arith.cmpi ne, %parallel_loop3A_66, %parallel_loop3A_67 : i32
      %parallel_loop3A_69 = arith.andi %parallel_loop3A_65, %parallel_loop3A_68 : i1
      %parallel_loop3A_70 = arith.constant 1 : i32
      %parallel_loop3A_71 = arith.subi %parallel_loop3A_50, %parallel_loop3A_70 : i32
      %parallel_loop3A_72 = arith.select %parallel_loop3A_69, %parallel_loop3A_71, %parallel_loop3A_50 : i32
      %parallel_loop3A_73 = arith.constant 8 : i32
      %parallel_loop3A_74 = arith.constant 0 : i32
      %parallel_loop3A_75 = arith.cmpi eq, %parallel_loop3A_73, %parallel_loop3A_74 : i32
      %parallel_loop3A_76 = arith.constant 1 : i32
      %parallel_loop3A_77 = arith.select %parallel_loop3A_75, %parallel_loop3A_76, %parallel_loop3A_73 : i32
      %parallel_loop3A_78 = arith.remsi %parallel_loop3A_3, %parallel_loop3A_77 : i32
      %parallel_loop3A_79 = arith.constant 0 : i32
      %parallel_loop3A_80 = arith.cmpi ne, %parallel_loop3A_78, %parallel_loop3A_79 : i32
      %parallel_loop3A_81 = arith.constant 0 : i32
      %parallel_loop3A_82 = arith.cmpi slt, %parallel_loop3A_78, %parallel_loop3A_81 : i32
      %parallel_loop3A_83 = arith.constant 0 : i32
      %parallel_loop3A_84 = arith.cmpi slt, %parallel_loop3A_77, %parallel_loop3A_83 : i32
      %parallel_loop3A_85 = arith.xori %parallel_loop3A_82, %parallel_loop3A_84 : i1
      %parallel_loop3A_86 = arith.andi %parallel_loop3A_85, %parallel_loop3A_80 : i1
      %parallel_loop3A_87 = arith.addi %parallel_loop3A_78, %parallel_loop3A_77 : i32
      %parallel_loop3A_88 = arith.select %parallel_loop3A_86, %parallel_loop3A_87, %parallel_loop3A_78 : i32
      %parallel_loop3A_89 = arith.constant 16 : i32
      %parallel_loop3A_90 = arith.muli %parallel_loop3A_88, %parallel_loop3A_89 : i32
      %parallel_loop3A_91 = arith.index_cast %parallel_loop3A_72 : i32 to index
      %parallel_loop3A_92 = arith.index_cast %parallel_loop3A_90 : i32 to index
      %parallel_loop3A_93 = tpu.vector_load %arg7[%parallel_loop3A_91, %parallel_loop3A_92] {strides = array<i32>} : memref<79x128xf32, #tpu.memory_space<vmem>>, vector<16xf32>,
      tpu.vector_store_idx %arg8[%parallel_loop3A_48], %parallel_loop3A_93 {add = true} : memref<10240xf32, #tpu.memory_space<vmem>>[vector<16xi32>], vector<16xf32>,
    } {sc.loop_unroll_factor = 1 : i64, sc.parallel_access}
    "tpu.region"() ({
      %run_scoped3A = tpu.sem_alloc : memref<!tpu.dma_semaphore, #tpu.memory_space<semaphore_mem>>
      %dma_start3A = arith.constant 0 : i32
      %dma_start3A_3 = tpu.memref_slice %arg5[%add3A, %dma_start3A] : memref<32x10240xf32, #tpu.memory_space<hbm>> -> memref<1x10240xf32, #tpu.memory_space<hbm>>
      %dma_start3A_4 = tpu.memref_squeeze %dma_start3A_3 : memref<1x10240xf32, #tpu.memory_space<hbm>> -> memref<10240xf32, #tpu.memory_space<hbm>>
      %dma_start3A_5 = arith.constant 0 : i32
      %dma_start3A_6 = tpu.memref_slice %arg5[%add3A, %dma_start3A_5] : memref<32x10240xf32, #tpu.memory_space<hbm>> -> memref<1x10240xf32, #tpu.memory_space<hbm>>
      %dma_start3A_7 = tpu.memref_squeeze %dma_start3A_6 : memref<1x10240xf32, #tpu.memory_space<hbm>> -> memref<10240xf32, #tpu.memory_space<hbm>>
      tpu.enqueue_dma source(%arg8 : memref<10240xf32, #tpu.memory_space<vmem>>) target(%dma_start3A_7 : memref<10240xf32, #tpu.memory_space<hbm>>) target_semaphore(%run_scoped3A : memref<!tpu.dma_semaphore, #tpu.memory_space<semaphore_mem>>)
      %dma_wait3A = arith.constant 0 : i32
      %dma_wait3A_8 = tpu.memref_slice %arg5[%add3A, %dma_wait3A] : memref<32x10240xf32, #tpu.memory_space<hbm>> -> memref<1x10240xf32, #tpu.memory_space<hbm>>
      %dma_wait3A_9 = tpu.memref_squeeze %dma_wait3A_8 : memref<1x10240xf32, #tpu.memory_space<hbm>> -> memref<10240xf32, #tpu.memory_space<hbm>>
      %dma_wait3A_10 = arith.constant 0 : i32
      %dma_wait3A_11 = tpu.memref_slice %arg5[%add3A, %dma_wait3A_10] : memref<32x10240xf32, #tpu.memory_space<hbm>> -> memref<1x10240xf32, #tpu.memory_space<hbm>>
      %dma_wait3A_12 = tpu.memref_squeeze %dma_wait3A_11 : memref<1x10240xf32, #tpu.memory_space<hbm>> -> memref<10240xf32, #tpu.memory_space<hbm>>
      tpu.wait_dma2 semaphore(%run_scoped3A : memref<!tpu.dma_semaphore, #tpu.memory_space<semaphore_mem>>) src(%arg8 : memref<10240xf32, #tpu.memory_space<vmem>>) dst(%dma_wait3A_12 : memref<10240xf32, #tpu.memory_space<hbm>>)
      tpu.yield
    }) : () -> ()
    return
  }
}

#map = affine_map<(d0, d1) -> (0, 0, 0)>
#map1 = affine_map<(d0, d1) -> (0, 0)>
module attributes {stable_mosaic.version = 14 : i64} {
  func.func @_conv_body(%arg0: i32, %arg1: i32, %arg2: memref<32x79x128xi32, #tpu.memory_space<hbm>>, %arg3: memref<32x79x128xi32, #tpu.memory_space<hbm>>, %arg4: memref<32x10112xf32, #tpu.memory_space<hbm>>, %arg5: memref<10240x128xf32, #tpu.memory_space<hbm>>, %arg6: memref<10240x128xf32, #tpu.memory_space<hbm>>, %arg7: memref<2x10240x128xf32, #tpu.memory_space<hbm>>, %arg8: memref<79x128xi32, #tpu.memory_space<vmem>>, %arg9: memref<79x128xi32, #tpu.memory_space<vmem>>, %arg10: memref<10112xf32, #tpu.memory_space<vmem>>, %arg11: memref<128x128xf32, #tpu.memory_space<vmem>>, %arg12: memref<10240x128xf32, #tpu.memory_space<vmem_shared>>, %arg13: memref<!tpu.dma_semaphore, #tpu.memory_space<semaphore_mem>>) attributes {dimension_semantics = [#tpu.dimension_semantics<core_parallel>, #tpu.dimension_semantics<subcore_parallel>], iteration_bounds = array<i64: 2, 16>, scalar_prefetch = 0 : i64, scratch_operands = 6 : i64, tpu.core_type = #tpu.core_type<sc_vector_subcore>, window_params = [{transform_indices = #map}, {transform_indices = #map}, {transform_indices = #map1}, {transform_indices = #map1}, {transform_indices = #map1}, {transform_indices = #map}]} {
    %mul3A = arith.constant 16 : i32
    %mul3A_0 = arith.muli %arg0, %mul3A : i32
    %add3A = arith.addi %mul3A_0, %arg1 : i32
    %mul3A_1 = arith.constant 640 : i32
    %mul3A_2 = arith.muli %arg1, %mul3A_1 : i32
    %mul3A_3 = arith.constant 640 : i32
    %mul3A_4 = arith.muli %arg1, %mul3A_3 : i32
    "tpu.region"() ({
      %run_scoped3A = tpu.sem_alloc : memref<!tpu.dma_semaphore, #tpu.memory_space<semaphore_mem>>
      %dma_start3A = arith.constant 0 : i32
      %dma_start3A_15 = tpu.memref_slice %arg12[%mul3A_4, %dma_start3A] : memref<10240x128xf32, #tpu.memory_space<vmem_shared>> -> memref<640x128xf32, #tpu.memory_space<vmem_shared>>
      %dma_start3A_16 = arith.constant 0 : i32
      %dma_start3A_17 = tpu.memref_slice %arg6[%mul3A_2, %dma_start3A_16] : memref<10240x128xf32, #tpu.memory_space<hbm>> -> memref<640x128xf32, #tpu.memory_space<hbm>>
      tpu.enqueue_dma source(%dma_start3A_17 : memref<640x128xf32, #tpu.memory_space<hbm>>) target(%dma_start3A_15 : memref<640x128xf32, #tpu.memory_space<vmem_shared>>) target_semaphore(%run_scoped3A : memref<!tpu.dma_semaphore, #tpu.memory_space<semaphore_mem>>)
      %dma_wait3A = arith.constant 0 : i32
      %dma_wait3A_18 = tpu.memref_slice %arg12[%mul3A_4, %dma_wait3A] : memref<10240x128xf32, #tpu.memory_space<vmem_shared>> -> memref<640x128xf32, #tpu.memory_space<vmem_shared>>
      %dma_wait3A_19 = arith.constant 0 : i32
      %dma_wait3A_20 = tpu.memref_slice %arg6[%mul3A_2, %dma_wait3A_19] : memref<10240x128xf32, #tpu.memory_space<hbm>> -> memref<640x128xf32, #tpu.memory_space<hbm>>
      tpu.wait_dma2 semaphore(%run_scoped3A : memref<!tpu.dma_semaphore, #tpu.memory_space<semaphore_mem>>) src(%dma_wait3A_20 : memref<640x128xf32, #tpu.memory_space<hbm>>) dst(%dma_wait3A_18 : memref<640x128xf32, #tpu.memory_space<vmem_shared>>)
      tpu.yield
    }) : () -> ()
    "tpu.region"() ({
      %run_scoped3A = tpu.sem_alloc : memref<!tpu.dma_semaphore, #tpu.memory_space<semaphore_mem>>
      %dma_start3A = arith.constant 0 : i32
      %dma_start3A_15 = arith.constant 0 : i32
      %dma_start3A_16 = tpu.memref_slice %arg2[%add3A, %dma_start3A, %dma_start3A_15] : memref<32x79x128xi32, #tpu.memory_space<hbm>> -> memref<1x79x128xi32, #tpu.memory_space<hbm>>
      %dma_start3A_17 = tpu.memref_squeeze %dma_start3A_16 : memref<1x79x128xi32, #tpu.memory_space<hbm>> -> memref<79x128xi32, #tpu.memory_space<hbm>>
      %dma_start3A_18 = arith.constant 0 : i32
      %dma_start3A_19 = arith.constant 0 : i32
      %dma_start3A_20 = tpu.memref_slice %arg2[%add3A, %dma_start3A_18, %dma_start3A_19] : memref<32x79x128xi32, #tpu.memory_space<hbm>> -> memref<1x79x128xi32, #tpu.memory_space<hbm>>
      %dma_start3A_21 = tpu.memref_squeeze %dma_start3A_20 : memref<1x79x128xi32, #tpu.memory_space<hbm>> -> memref<79x128xi32, #tpu.memory_space<hbm>>
      tpu.enqueue_dma source(%dma_start3A_21 : memref<79x128xi32, #tpu.memory_space<hbm>>) target(%arg8 : memref<79x128xi32, #tpu.memory_space<vmem>>) target_semaphore(%run_scoped3A : memref<!tpu.dma_semaphore, #tpu.memory_space<semaphore_mem>>)
      %dma_wait3A = arith.constant 0 : i32
      %dma_wait3A_22 = arith.constant 0 : i32
      %dma_wait3A_23 = tpu.memref_slice %arg2[%add3A, %dma_wait3A, %dma_wait3A_22] : memref<32x79x128xi32, #tpu.memory_space<hbm>> -> memref<1x79x128xi32, #tpu.memory_space<hbm>>
      %dma_wait3A_24 = tpu.memref_squeeze %dma_wait3A_23 : memref<1x79x128xi32, #tpu.memory_space<hbm>> -> memref<79x128xi32, #tpu.memory_space<hbm>>
      %dma_wait3A_25 = arith.constant 0 : i32
      %dma_wait3A_26 = arith.constant 0 : i32
      %dma_wait3A_27 = tpu.memref_slice %arg2[%add3A, %dma_wait3A_25, %dma_wait3A_26] : memref<32x79x128xi32, #tpu.memory_space<hbm>> -> memref<1x79x128xi32, #tpu.memory_space<hbm>>
      %dma_wait3A_28 = tpu.memref_squeeze %dma_wait3A_27 : memref<1x79x128xi32, #tpu.memory_space<hbm>> -> memref<79x128xi32, #tpu.memory_space<hbm>>
      tpu.wait_dma2 semaphore(%run_scoped3A : memref<!tpu.dma_semaphore, #tpu.memory_space<semaphore_mem>>) src(%dma_wait3A_28 : memref<79x128xi32, #tpu.memory_space<hbm>>) dst(%arg8 : memref<79x128xi32, #tpu.memory_space<vmem>>)
      tpu.yield
    }) : () -> ()
    "tpu.region"() ({
      %run_scoped3A = tpu.sem_alloc : memref<!tpu.dma_semaphore, #tpu.memory_space<semaphore_mem>>
      %dma_start3A = arith.constant 0 : i32
      %dma_start3A_15 = arith.constant 0 : i32
      %dma_start3A_16 = tpu.memref_slice %arg3[%add3A, %dma_start3A, %dma_start3A_15] : memref<32x79x128xi32, #tpu.memory_space<hbm>> -> memref<1x79x128xi32, #tpu.memory_space<hbm>>
      %dma_start3A_17 = tpu.memref_squeeze %dma_start3A_16 : memref<1x79x128xi32, #tpu.memory_space<hbm>> -> memref<79x128xi32, #tpu.memory_space<hbm>>
      %dma_start3A_18 = arith.constant 0 : i32
      %dma_start3A_19 = arith.constant 0 : i32
      %dma_start3A_20 = tpu.memref_slice %arg3[%add3A, %dma_start3A_18, %dma_start3A_19] : memref<32x79x128xi32, #tpu.memory_space<hbm>> -> memref<1x79x128xi32, #tpu.memory_space<hbm>>
      %dma_start3A_21 = tpu.memref_squeeze %dma_start3A_20 : memref<1x79x128xi32, #tpu.memory_space<hbm>> -> memref<79x128xi32, #tpu.memory_space<hbm>>
      tpu.enqueue_dma source(%dma_start3A_21 : memref<79x128xi32, #tpu.memory_space<hbm>>) target(%arg9 : memref<79x128xi32, #tpu.memory_space<vmem>>) target_semaphore(%run_scoped3A : memref<!tpu.dma_semaphore, #tpu.memory_space<semaphore_mem>>)
      %dma_wait3A = arith.constant 0 : i32
      %dma_wait3A_22 = arith.constant 0 : i32
      %dma_wait3A_23 = tpu.memref_slice %arg3[%add3A, %dma_wait3A, %dma_wait3A_22] : memref<32x79x128xi32, #tpu.memory_space<hbm>> -> memref<1x79x128xi32, #tpu.memory_space<hbm>>
      %dma_wait3A_24 = tpu.memref_squeeze %dma_wait3A_23 : memref<1x79x128xi32, #tpu.memory_space<hbm>> -> memref<79x128xi32, #tpu.memory_space<hbm>>
      %dma_wait3A_25 = arith.constant 0 : i32
      %dma_wait3A_26 = arith.constant 0 : i32
      %dma_wait3A_27 = tpu.memref_slice %arg3[%add3A, %dma_wait3A_25, %dma_wait3A_26] : memref<32x79x128xi32, #tpu.memory_space<hbm>> -> memref<1x79x128xi32, #tpu.memory_space<hbm>>
      %dma_wait3A_28 = tpu.memref_squeeze %dma_wait3A_27 : memref<1x79x128xi32, #tpu.memory_space<hbm>> -> memref<79x128xi32, #tpu.memory_space<hbm>>
      tpu.wait_dma2 semaphore(%run_scoped3A : memref<!tpu.dma_semaphore, #tpu.memory_space<semaphore_mem>>) src(%dma_wait3A_28 : memref<79x128xi32, #tpu.memory_space<hbm>>) dst(%arg9 : memref<79x128xi32, #tpu.memory_space<vmem>>)
      tpu.yield
    }) : () -> ()
    "tpu.region"() ({
      %run_scoped3A = tpu.sem_alloc : memref<!tpu.dma_semaphore, #tpu.memory_space<semaphore_mem>>
      %dma_start3A = arith.constant 0 : i32
      %dma_start3A_15 = tpu.memref_slice %arg4[%add3A, %dma_start3A] : memref<32x10112xf32, #tpu.memory_space<hbm>> -> memref<1x10112xf32, #tpu.memory_space<hbm>>
      %dma_start3A_16 = tpu.memref_squeeze %dma_start3A_15 : memref<1x10112xf32, #tpu.memory_space<hbm>> -> memref<10112xf32, #tpu.memory_space<hbm>>
      %dma_start3A_17 = arith.constant 0 : i32
      %dma_start3A_18 = tpu.memref_slice %arg4[%add3A, %dma_start3A_17] : memref<32x10112xf32, #tpu.memory_space<hbm>> -> memref<1x10112xf32, #tpu.memory_space<hbm>>
      %dma_start3A_19 = tpu.memref_squeeze %dma_start3A_18 : memref<1x10112xf32, #tpu.memory_space<hbm>> -> memref<10112xf32, #tpu.memory_space<hbm>>
      tpu.enqueue_dma source(%dma_start3A_19 : memref<10112xf32, #tpu.memory_space<hbm>>) target(%arg10 : memref<10112xf32, #tpu.memory_space<vmem>>) target_semaphore(%run_scoped3A : memref<!tpu.dma_semaphore, #tpu.memory_space<semaphore_mem>>)
      %dma_wait3A = arith.constant 0 : i32
      %dma_wait3A_20 = tpu.memref_slice %arg4[%add3A, %dma_wait3A] : memref<32x10112xf32, #tpu.memory_space<hbm>> -> memref<1x10112xf32, #tpu.memory_space<hbm>>
      %dma_wait3A_21 = tpu.memref_squeeze %dma_wait3A_20 : memref<1x10112xf32, #tpu.memory_space<hbm>> -> memref<10112xf32, #tpu.memory_space<hbm>>
      %dma_wait3A_22 = arith.constant 0 : i32
      %dma_wait3A_23 = tpu.memref_slice %arg4[%add3A, %dma_wait3A_22] : memref<32x10112xf32, #tpu.memory_space<hbm>> -> memref<1x10112xf32, #tpu.memory_space<hbm>>
      %dma_wait3A_24 = tpu.memref_squeeze %dma_wait3A_23 : memref<1x10112xf32, #tpu.memory_space<hbm>> -> memref<10112xf32, #tpu.memory_space<hbm>>
      tpu.wait_dma2 semaphore(%run_scoped3A : memref<!tpu.dma_semaphore, #tpu.memory_space<semaphore_mem>>) src(%dma_wait3A_24 : memref<10112xf32, #tpu.memory_space<hbm>>) dst(%arg10 : memref<10112xf32, #tpu.memory_space<vmem>>)
      tpu.yield
    }) : () -> ()
    %barrier3A = arith.constant 0 : index
    tpu.barrier barrier_id(%barrier3A)
    %scan3A = arith.constant 0 : i32
    %scan3A_5 = arith.constant 0 : i32
    %scan3A_6 = arith.constant 79 : i32
    %scan3A_7 = arith.addi %scan3A_5, %scan3A_6 : i32
    %scan3A_8 = arith.constant 1 : i32
    scf.for %scan3A_15 = %scan3A_5 to %scan3A_7 step %scan3A_8  : i32 {
      %dma_start3A = arith.constant 0 : i32
      %dma_start3A_16 = tpu.memref_slice %arg8[%scan3A_15, %dma_start3A] : memref<79x128xi32, #tpu.memory_space<vmem>> -> memref<1x128xi32, #tpu.memory_space<vmem>>
      %dma_start3A_17 = tpu.memref_squeeze %dma_start3A_16 : memref<1x128xi32, #tpu.memory_space<vmem>> -> memref<128xi32, #tpu.memory_space<vmem>>
      %dma_start3A_18 = arith.constant 0 : i32
      %dma_start3A_19 = arith.constant 0 : i32
      %dma_start3A_20 = tpu.memref_slice %arg5[%dma_start3A_18, %dma_start3A_19] : memref<10240x128xf32, #tpu.memory_space<hbm>> -> memref<10240x128xf32, #tpu.memory_space<hbm>>
      tpu.enqueue_indirect_dma source(%dma_start3A_20 : memref<10240x128xf32, #tpu.memory_space<hbm>>) target(%arg11 : memref<128x128xf32, #tpu.memory_space<vmem>>) offsets(%dma_start3A_17 : memref<128xi32, #tpu.memory_space<vmem>>) semaphore(%arg13 : memref<!tpu.dma_semaphore, #tpu.memory_space<semaphore_mem>>)
      %dma_wait3A = arith.constant 0 : i32
      %dma_wait3A_21 = tpu.memref_slice %arg8[%scan3A_15, %dma_wait3A] : memref<79x128xi32, #tpu.memory_space<vmem>> -> memref<1x128xi32, #tpu.memory_space<vmem>>
      %dma_wait3A_22 = tpu.memref_squeeze %dma_wait3A_21 : memref<1x128xi32, #tpu.memory_space<vmem>> -> memref<128xi32, #tpu.memory_space<vmem>>
      %dma_wait3A_23 = arith.constant 0 : i32
      %dma_wait3A_24 = arith.constant 0 : i32
      %dma_wait3A_25 = tpu.memref_slice %arg5[%dma_wait3A_23, %dma_wait3A_24] : memref<10240x128xf32, #tpu.memory_space<hbm>> -> memref<10240x128xf32, #tpu.memory_space<hbm>>
      tpu.wait_indirect_dma semaphore(%arg13 : memref<!tpu.dma_semaphore, #tpu.memory_space<semaphore_mem>>) src(%dma_wait3A_25 : memref<10240x128xf32, #tpu.memory_space<hbm>>) dst(%arg11 : memref<128x128xf32, #tpu.memory_space<vmem>>)
      %mul3A_26 = arith.constant 128 : i32
      %mul3A_27 = arith.muli %scan3A_15, %mul3A_26 : i32
      %parallel_loop3A = arith.constant 0 : i32
      %parallel_loop3A_28 = arith.constant 128 : i32
      %parallel_loop3A_29 = arith.constant 1 : i32
      scf.for %parallel_loop3A_30 = %parallel_loop3A to %parallel_loop3A_28 step %parallel_loop3A_29  : i32 {
        %parallel_loop3A_31 = arith.addi %mul3A_27, %parallel_loop3A_30 : i32
        %parallel_loop3A_32 = vector.broadcast %parallel_loop3A_31 : i32 to vector<16xi32>
        %parallel_loop3A_33 = tpu.vector_load_idx %arg10[%parallel_loop3A_32] : memref<10112xf32, #tpu.memory_space<vmem>>[vector<16xi32>], vector<16xf32>,
        %parallel_loop3A_34 = arith.index_cast %parallel_loop3A_30 : i32 to index
        %parallel_loop3A_35 = arith.constant 0 : index
        %parallel_loop3A_36 = tpu.vector_load %arg11[%parallel_loop3A_34, %parallel_loop3A_35] {strides = array<i32>} : memref<128x128xf32, #tpu.memory_space<vmem>>, vector<16xf32>,
        %parallel_loop3A_37 = arith.mulf %parallel_loop3A_36, %parallel_loop3A_33 : vector<16xf32>
        %parallel_loop3A_38 = arith.index_cast %parallel_loop3A_30 : i32 to index
        %parallel_loop3A_39 = arith.constant 0 : index
        %parallel_loop3A_40 = tpu.vector_load %arg11[%parallel_loop3A_38, %parallel_loop3A_39] {strides = array<i32>} : memref<128x128xf32, #tpu.memory_space<vmem>>, vector<16xf32>,
        tpu.vector_store %arg11[%parallel_loop3A_38, %parallel_loop3A_39], %parallel_loop3A_37 {strides = array<i32>} : memref<128x128xf32, #tpu.memory_space<vmem>>, vector<16xf32>,
        %parallel_loop3A_41 = arith.index_cast %parallel_loop3A_30 : i32 to index
        %parallel_loop3A_42 = arith.constant 16 : index
        %parallel_loop3A_43 = tpu.vector_load %arg11[%parallel_loop3A_41, %parallel_loop3A_42] {strides = array<i32>} : memref<128x128xf32, #tpu.memory_space<vmem>>, vector<16xf32>,
        %parallel_loop3A_44 = arith.mulf %parallel_loop3A_43, %parallel_loop3A_33 : vector<16xf32>
        %parallel_loop3A_45 = arith.index_cast %parallel_loop3A_30 : i32 to index
        %parallel_loop3A_46 = arith.constant 16 : index
        %parallel_loop3A_47 = tpu.vector_load %arg11[%parallel_loop3A_45, %parallel_loop3A_46] {strides = array<i32>} : memref<128x128xf32, #tpu.memory_space<vmem>>, vector<16xf32>,
        tpu.vector_store %arg11[%parallel_loop3A_45, %parallel_loop3A_46], %parallel_loop3A_44 {strides = array<i32>} : memref<128x128xf32, #tpu.memory_space<vmem>>, vector<16xf32>,
        %parallel_loop3A_48 = arith.index_cast %parallel_loop3A_30 : i32 to index
        %parallel_loop3A_49 = arith.constant 32 : index
        %parallel_loop3A_50 = tpu.vector_load %arg11[%parallel_loop3A_48, %parallel_loop3A_49] {strides = array<i32>} : memref<128x128xf32, #tpu.memory_space<vmem>>, vector<16xf32>,
        %parallel_loop3A_51 = arith.mulf %parallel_loop3A_50, %parallel_loop3A_33 : vector<16xf32>
        %parallel_loop3A_52 = arith.index_cast %parallel_loop3A_30 : i32 to index
        %parallel_loop3A_53 = arith.constant 32 : index
        %parallel_loop3A_54 = tpu.vector_load %arg11[%parallel_loop3A_52, %parallel_loop3A_53] {strides = array<i32>} : memref<128x128xf32, #tpu.memory_space<vmem>>, vector<16xf32>,
        tpu.vector_store %arg11[%parallel_loop3A_52, %parallel_loop3A_53], %parallel_loop3A_51 {strides = array<i32>} : memref<128x128xf32, #tpu.memory_space<vmem>>, vector<16xf32>,
        %parallel_loop3A_55 = arith.index_cast %parallel_loop3A_30 : i32 to index
        %parallel_loop3A_56 = arith.constant 48 : index
        %parallel_loop3A_57 = tpu.vector_load %arg11[%parallel_loop3A_55, %parallel_loop3A_56] {strides = array<i32>} : memref<128x128xf32, #tpu.memory_space<vmem>>, vector<16xf32>,
        %parallel_loop3A_58 = arith.mulf %parallel_loop3A_57, %parallel_loop3A_33 : vector<16xf32>
        %parallel_loop3A_59 = arith.index_cast %parallel_loop3A_30 : i32 to index
        %parallel_loop3A_60 = arith.constant 48 : index
        %parallel_loop3A_61 = tpu.vector_load %arg11[%parallel_loop3A_59, %parallel_loop3A_60] {strides = array<i32>} : memref<128x128xf32, #tpu.memory_space<vmem>>, vector<16xf32>,
        tpu.vector_store %arg11[%parallel_loop3A_59, %parallel_loop3A_60], %parallel_loop3A_58 {strides = array<i32>} : memref<128x128xf32, #tpu.memory_space<vmem>>, vector<16xf32>,
        %parallel_loop3A_62 = arith.index_cast %parallel_loop3A_30 : i32 to index
        %parallel_loop3A_63 = arith.constant 64 : index
        %parallel_loop3A_64 = tpu.vector_load %arg11[%parallel_loop3A_62, %parallel_loop3A_63] {strides = array<i32>} : memref<128x128xf32, #tpu.memory_space<vmem>>, vector<16xf32>,
        %parallel_loop3A_65 = arith.mulf %parallel_loop3A_64, %parallel_loop3A_33 : vector<16xf32>
        %parallel_loop3A_66 = arith.index_cast %parallel_loop3A_30 : i32 to index
        %parallel_loop3A_67 = arith.constant 64 : index
        %parallel_loop3A_68 = tpu.vector_load %arg11[%parallel_loop3A_66, %parallel_loop3A_67] {strides = array<i32>} : memref<128x128xf32, #tpu.memory_space<vmem>>, vector<16xf32>,
        tpu.vector_store %arg11[%parallel_loop3A_66, %parallel_loop3A_67], %parallel_loop3A_65 {strides = array<i32>} : memref<128x128xf32, #tpu.memory_space<vmem>>, vector<16xf32>,
        %parallel_loop3A_69 = arith.index_cast %parallel_loop3A_30 : i32 to index
        %parallel_loop3A_70 = arith.constant 80 : index
        %parallel_loop3A_71 = tpu.vector_load %arg11[%parallel_loop3A_69, %parallel_loop3A_70] {strides = array<i32>} : memref<128x128xf32, #tpu.memory_space<vmem>>, vector<16xf32>,
        %parallel_loop3A_72 = arith.mulf %parallel_loop3A_71, %parallel_loop3A_33 : vector<16xf32>
        %parallel_loop3A_73 = arith.index_cast %parallel_loop3A_30 : i32 to index
        %parallel_loop3A_74 = arith.constant 80 : index
        %parallel_loop3A_75 = tpu.vector_load %arg11[%parallel_loop3A_73, %parallel_loop3A_74] {strides = array<i32>} : memref<128x128xf32, #tpu.memory_space<vmem>>, vector<16xf32>,
        tpu.vector_store %arg11[%parallel_loop3A_73, %parallel_loop3A_74], %parallel_loop3A_72 {strides = array<i32>} : memref<128x128xf32, #tpu.memory_space<vmem>>, vector<16xf32>,
        %parallel_loop3A_76 = arith.index_cast %parallel_loop3A_30 : i32 to index
        %parallel_loop3A_77 = arith.constant 96 : index
        %parallel_loop3A_78 = tpu.vector_load %arg11[%parallel_loop3A_76, %parallel_loop3A_77] {strides = array<i32>} : memref<128x128xf32, #tpu.memory_space<vmem>>, vector<16xf32>,
        %parallel_loop3A_79 = arith.mulf %parallel_loop3A_78, %parallel_loop3A_33 : vector<16xf32>
        %parallel_loop3A_80 = arith.index_cast %parallel_loop3A_30 : i32 to index
        %parallel_loop3A_81 = arith.constant 96 : index
        %parallel_loop3A_82 = tpu.vector_load %arg11[%parallel_loop3A_80, %parallel_loop3A_81] {strides = array<i32>} : memref<128x128xf32, #tpu.memory_space<vmem>>, vector<16xf32>,
        tpu.vector_store %arg11[%parallel_loop3A_80, %parallel_loop3A_81], %parallel_loop3A_79 {strides = array<i32>} : memref<128x128xf32, #tpu.memory_space<vmem>>, vector<16xf32>,
        %parallel_loop3A_83 = arith.index_cast %parallel_loop3A_30 : i32 to index
        %parallel_loop3A_84 = arith.constant 112 : index
        %parallel_loop3A_85 = tpu.vector_load %arg11[%parallel_loop3A_83, %parallel_loop3A_84] {strides = array<i32>} : memref<128x128xf32, #tpu.memory_space<vmem>>, vector<16xf32>,
        %parallel_loop3A_86 = arith.mulf %parallel_loop3A_85, %parallel_loop3A_33 : vector<16xf32>
        %parallel_loop3A_87 = arith.index_cast %parallel_loop3A_30 : i32 to index
        %parallel_loop3A_88 = arith.constant 112 : index
        %parallel_loop3A_89 = tpu.vector_load %arg11[%parallel_loop3A_87, %parallel_loop3A_88] {strides = array<i32>} : memref<128x128xf32, #tpu.memory_space<vmem>>, vector<16xf32>,
        tpu.vector_store %arg11[%parallel_loop3A_87, %parallel_loop3A_88], %parallel_loop3A_86 {strides = array<i32>} : memref<128x128xf32, #tpu.memory_space<vmem>>, vector<16xf32>,
      } {sc.loop_unroll_factor = 1 : i64, sc.parallel_access}
      "tpu.region"() ({
        %run_scoped3A = tpu.sem_alloc : memref<!tpu.dma_semaphore, #tpu.memory_space<semaphore_mem>>
        %dma_start3A_30 = arith.constant 0 : i32
        %dma_start3A_31 = tpu.memref_slice %arg9[%scan3A_15, %dma_start3A_30] : memref<79x128xi32, #tpu.memory_space<vmem>> -> memref<1x128xi32, #tpu.memory_space<vmem>>
        %dma_start3A_32 = tpu.memref_squeeze %dma_start3A_31 : memref<1x128xi32, #tpu.memory_space<vmem>> -> memref<128xi32, #tpu.memory_space<vmem>>
        %dma_start3A_33 = arith.constant 0 : i32
        %dma_start3A_34 = arith.constant 0 : i32
        %dma_start3A_35 = tpu.memref_slice %arg12[%dma_start3A_33, %dma_start3A_34] : memref<10240x128xf32, #tpu.memory_space<vmem_shared>> -> memref<10240x128xf32, #tpu.memory_space<vmem_shared>>
        tpu.enqueue_indirect_dma source(%arg11 : memref<128x128xf32, #tpu.memory_space<vmem>>) target(%dma_start3A_35 : memref<10240x128xf32, #tpu.memory_space<vmem_shared>>) offsets(%dma_start3A_32 : memref<128xi32, #tpu.memory_space<vmem>>) semaphore(%run_scoped3A : memref<!tpu.dma_semaphore, #tpu.memory_space<semaphore_mem>>) {add = true}
        %dma_wait3A_36 = arith.constant 0 : i32
        %dma_wait3A_37 = tpu.memref_slice %arg9[%scan3A_15, %dma_wait3A_36] : memref<79x128xi32, #tpu.memory_space<vmem>> -> memref<1x128xi32, #tpu.memory_space<vmem>>
        %dma_wait3A_38 = tpu.memref_squeeze %dma_wait3A_37 : memref<1x128xi32, #tpu.memory_space<vmem>> -> memref<128xi32, #tpu.memory_space<vmem>>
        %dma_wait3A_39 = arith.constant 0 : i32
        %dma_wait3A_40 = arith.constant 0 : i32
        %dma_wait3A_41 = tpu.memref_slice %arg12[%dma_wait3A_39, %dma_wait3A_40] : memref<10240x128xf32, #tpu.memory_space<vmem_shared>> -> memref<10240x128xf32, #tpu.memory_space<vmem_shared>>
        tpu.wait_indirect_dma semaphore(%run_scoped3A : memref<!tpu.dma_semaphore, #tpu.memory_space<semaphore_mem>>) src(%arg11 : memref<128x128xf32, #tpu.memory_space<vmem>>) dst(%dma_wait3A_41 : memref<10240x128xf32, #tpu.memory_space<vmem_shared>>)
        tpu.yield
      }) : () -> ()
    }
    %scan3A_9 = arith.constant 79 : i32
    %barrier3A_10 = arith.constant 0 : index
    tpu.barrier barrier_id(%barrier3A_10)
    %mul3A_11 = arith.constant 640 : i32
    %mul3A_12 = arith.muli %arg1, %mul3A_11 : i32
    %mul3A_13 = arith.constant 640 : i32
    %mul3A_14 = arith.muli %arg1, %mul3A_13 : i32
    "tpu.region"() ({
      %run_scoped3A = tpu.sem_alloc : memref<!tpu.dma_semaphore, #tpu.memory_space<semaphore_mem>>
      %dma_start3A = arith.constant 0 : i32
      %dma_start3A_15 = tpu.memref_slice %arg7[%arg0, %mul3A_14, %dma_start3A] : memref<2x10240x128xf32, #tpu.memory_space<hbm>> -> memref<1x640x128xf32, #tpu.memory_space<hbm>>
      %dma_start3A_16 = tpu.memref_squeeze %dma_start3A_15 : memref<1x640x128xf32, #tpu.memory_space<hbm>> -> memref<640x128xf32, #tpu.memory_space<hbm>>
      %dma_start3A_17 = arith.constant 0 : i32
      %dma_start3A_18 = tpu.memref_slice %arg12[%mul3A_12, %dma_start3A_17] : memref<10240x128xf32, #tpu.memory_space<vmem_shared>> -> memref<640x128xf32, #tpu.memory_space<vmem_shared>>
      tpu.enqueue_dma source(%dma_start3A_18 : memref<640x128xf32, #tpu.memory_space<vmem_shared>>) target(%dma_start3A_16 : memref<640x128xf32, #tpu.memory_space<hbm>>) target_semaphore(%run_scoped3A : memref<!tpu.dma_semaphore, #tpu.memory_space<semaphore_mem>>)
      %dma_wait3A = arith.constant 0 : i32
      %dma_wait3A_19 = tpu.memref_slice %arg7[%arg0, %mul3A_14, %dma_wait3A] : memref<2x10240x128xf32, #tpu.memory_space<hbm>> -> memref<1x640x128xf32, #tpu.memory_space<hbm>>
      %dma_wait3A_20 = tpu.memref_squeeze %dma_wait3A_19 : memref<1x640x128xf32, #tpu.memory_space<hbm>> -> memref<640x128xf32, #tpu.memory_space<hbm>>
      %dma_wait3A_21 = arith.constant 0 : i32
      %dma_wait3A_22 = tpu.memref_slice %arg12[%mul3A_12, %dma_wait3A_21] : memref<10240x128xf32, #tpu.memory_space<vmem_shared>> -> memref<640x128xf32, #tpu.memory_space<vmem_shared>>
      tpu.wait_dma2 semaphore(%run_scoped3A : memref<!tpu.dma_semaphore, #tpu.memory_space<semaphore_mem>>) src(%dma_wait3A_22 : memref<640x128xf32, #tpu.memory_space<vmem_shared>>) dst(%dma_wait3A_20 : memref<640x128xf32, #tpu.memory_space<hbm>>)
      tpu.yield
    }) : () -> ()
    return
  }
}

#map = affine_map<(d0, d1) -> (0, 0, 0)>
#map1 = affine_map<(d0, d1) -> (0, 0)>
module attributes {stable_mosaic.version = 14 : i64} {
  func.func @_conv_body(%arg0: i32, %arg1: i32, %arg2: memref<32x79x128xi32, #tpu.memory_space<hbm>>, %arg3: memref<32x79x128xi32, #tpu.memory_space<hbm>>, %arg4: memref<32x10112xf32, #tpu.memory_space<hbm>>, %arg5: memref<10240x128xf32, #tpu.memory_space<hbm>>, %arg6: memref<10240x128xf32, #tpu.memory_space<hbm>>, %arg7: memref<2x10240x128xf32, #tpu.memory_space<hbm>>, %arg8: memref<79x128xi32, #tpu.memory_space<vmem>>, %arg9: memref<79x128xi32, #tpu.memory_space<vmem>>, %arg10: memref<10112xf32, #tpu.memory_space<vmem>>, %arg11: memref<128x128xf32, #tpu.memory_space<vmem>>, %arg12: memref<10240x128xf32, #tpu.memory_space<vmem_shared>>, %arg13: memref<!tpu.dma_semaphore, #tpu.memory_space<semaphore_mem>>) attributes {dimension_semantics = [#tpu.dimension_semantics<core_parallel>, #tpu.dimension_semantics<subcore_parallel>], iteration_bounds = array<i64: 2, 16>, scalar_prefetch = 0 : i64, scratch_operands = 6 : i64, tpu.core_type = #tpu.core_type<sc_vector_subcore>, window_params = [{transform_indices = #map}, {transform_indices = #map}, {transform_indices = #map1}, {transform_indices = #map1}, {transform_indices = #map1}, {transform_indices = #map}]} {
    %mul3A = arith.constant 16 : i32
    %mul3A_0 = arith.muli %arg0, %mul3A : i32
    %add3A = arith.addi %mul3A_0, %arg1 : i32
    %mul3A_1 = arith.constant 640 : i32
    %mul3A_2 = arith.muli %arg1, %mul3A_1 : i32
    %mul3A_3 = arith.constant 640 : i32
    %mul3A_4 = arith.muli %arg1, %mul3A_3 : i32
    "tpu.region"() ({
      %run_scoped3A = tpu.sem_alloc : memref<!tpu.dma_semaphore, #tpu.memory_space<semaphore_mem>>
      %dma_start3A = arith.constant 0 : i32
      %dma_start3A_15 = tpu.memref_slice %arg12[%mul3A_4, %dma_start3A] : memref<10240x128xf32, #tpu.memory_space<vmem_shared>> -> memref<640x128xf32, #tpu.memory_space<vmem_shared>>
      %dma_start3A_16 = arith.constant 0 : i32
      %dma_start3A_17 = tpu.memref_slice %arg6[%mul3A_2, %dma_start3A_16] : memref<10240x128xf32, #tpu.memory_space<hbm>> -> memref<640x128xf32, #tpu.memory_space<hbm>>
      tpu.enqueue_dma source(%dma_start3A_17 : memref<640x128xf32, #tpu.memory_space<hbm>>) target(%dma_start3A_15 : memref<640x128xf32, #tpu.memory_space<vmem_shared>>) target_semaphore(%run_scoped3A : memref<!tpu.dma_semaphore, #tpu.memory_space<semaphore_mem>>)
      %dma_wait3A = arith.constant 0 : i32
      %dma_wait3A_18 = tpu.memref_slice %arg12[%mul3A_4, %dma_wait3A] : memref<10240x128xf32, #tpu.memory_space<vmem_shared>> -> memref<640x128xf32, #tpu.memory_space<vmem_shared>>
      %dma_wait3A_19 = arith.constant 0 : i32
      %dma_wait3A_20 = tpu.memref_slice %arg6[%mul3A_2, %dma_wait3A_19] : memref<10240x128xf32, #tpu.memory_space<hbm>> -> memref<640x128xf32, #tpu.memory_space<hbm>>
      tpu.wait_dma2 semaphore(%run_scoped3A : memref<!tpu.dma_semaphore, #tpu.memory_space<semaphore_mem>>) src(%dma_wait3A_20 : memref<640x128xf32, #tpu.memory_space<hbm>>) dst(%dma_wait3A_18 : memref<640x128xf32, #tpu.memory_space<vmem_shared>>)
      tpu.yield
    }) : () -> ()
    "tpu.region"() ({
      %run_scoped3A = tpu.sem_alloc : memref<!tpu.dma_semaphore, #tpu.memory_space<semaphore_mem>>
      %dma_start3A = arith.constant 0 : i32
      %dma_start3A_15 = arith.constant 0 : i32
      %dma_start3A_16 = tpu.memref_slice %arg2[%add3A, %dma_start3A, %dma_start3A_15] : memref<32x79x128xi32, #tpu.memory_space<hbm>> -> memref<1x79x128xi32, #tpu.memory_space<hbm>>
      %dma_start3A_17 = tpu.memref_squeeze %dma_start3A_16 : memref<1x79x128xi32, #tpu.memory_space<hbm>> -> memref<79x128xi32, #tpu.memory_space<hbm>>
      %dma_start3A_18 = arith.constant 0 : i32
      %dma_start3A_19 = arith.constant 0 : i32
      %dma_start3A_20 = tpu.memref_slice %arg2[%add3A, %dma_start3A_18, %dma_start3A_19] : memref<32x79x128xi32, #tpu.memory_space<hbm>> -> memref<1x79x128xi32, #tpu.memory_space<hbm>>
      %dma_start3A_21 = tpu.memref_squeeze %dma_start3A_20 : memref<1x79x128xi32, #tpu.memory_space<hbm>> -> memref<79x128xi32, #tpu.memory_space<hbm>>
      tpu.enqueue_dma source(%dma_start3A_21 : memref<79x128xi32, #tpu.memory_space<hbm>>) target(%arg8 : memref<79x128xi32, #tpu.memory_space<vmem>>) target_semaphore(%run_scoped3A : memref<!tpu.dma_semaphore, #tpu.memory_space<semaphore_mem>>)
      %dma_wait3A = arith.constant 0 : i32
      %dma_wait3A_22 = arith.constant 0 : i32
      %dma_wait3A_23 = tpu.memref_slice %arg2[%add3A, %dma_wait3A, %dma_wait3A_22] : memref<32x79x128xi32, #tpu.memory_space<hbm>> -> memref<1x79x128xi32, #tpu.memory_space<hbm>>
      %dma_wait3A_24 = tpu.memref_squeeze %dma_wait3A_23 : memref<1x79x128xi32, #tpu.memory_space<hbm>> -> memref<79x128xi32, #tpu.memory_space<hbm>>
      %dma_wait3A_25 = arith.constant 0 : i32
      %dma_wait3A_26 = arith.constant 0 : i32
      %dma_wait3A_27 = tpu.memref_slice %arg2[%add3A, %dma_wait3A_25, %dma_wait3A_26] : memref<32x79x128xi32, #tpu.memory_space<hbm>> -> memref<1x79x128xi32, #tpu.memory_space<hbm>>
      %dma_wait3A_28 = tpu.memref_squeeze %dma_wait3A_27 : memref<1x79x128xi32, #tpu.memory_space<hbm>> -> memref<79x128xi32, #tpu.memory_space<hbm>>
      tpu.wait_dma2 semaphore(%run_scoped3A : memref<!tpu.dma_semaphore, #tpu.memory_space<semaphore_mem>>) src(%dma_wait3A_28 : memref<79x128xi32, #tpu.memory_space<hbm>>) dst(%arg8 : memref<79x128xi32, #tpu.memory_space<vmem>>)
      tpu.yield
    }) : () -> ()
    "tpu.region"() ({
      %run_scoped3A = tpu.sem_alloc : memref<!tpu.dma_semaphore, #tpu.memory_space<semaphore_mem>>
      %dma_start3A = arith.constant 0 : i32
      %dma_start3A_15 = arith.constant 0 : i32
      %dma_start3A_16 = tpu.memref_slice %arg3[%add3A, %dma_start3A, %dma_start3A_15] : memref<32x79x128xi32, #tpu.memory_space<hbm>> -> memref<1x79x128xi32, #tpu.memory_space<hbm>>
      %dma_start3A_17 = tpu.memref_squeeze %dma_start3A_16 : memref<1x79x128xi32, #tpu.memory_space<hbm>> -> memref<79x128xi32, #tpu.memory_space<hbm>>
      %dma_start3A_18 = arith.constant 0 : i32
      %dma_start3A_19 = arith.constant 0 : i32
      %dma_start3A_20 = tpu.memref_slice %arg3[%add3A, %dma_start3A_18, %dma_start3A_19] : memref<32x79x128xi32, #tpu.memory_space<hbm>> -> memref<1x79x128xi32, #tpu.memory_space<hbm>>
      %dma_start3A_21 = tpu.memref_squeeze %dma_start3A_20 : memref<1x79x128xi32, #tpu.memory_space<hbm>> -> memref<79x128xi32, #tpu.memory_space<hbm>>
      tpu.enqueue_dma source(%dma_start3A_21 : memref<79x128xi32, #tpu.memory_space<hbm>>) target(%arg9 : memref<79x128xi32, #tpu.memory_space<vmem>>) target_semaphore(%run_scoped3A : memref<!tpu.dma_semaphore, #tpu.memory_space<semaphore_mem>>)
      %dma_wait3A = arith.constant 0 : i32
      %dma_wait3A_22 = arith.constant 0 : i32
      %dma_wait3A_23 = tpu.memref_slice %arg3[%add3A, %dma_wait3A, %dma_wait3A_22] : memref<32x79x128xi32, #tpu.memory_space<hbm>> -> memref<1x79x128xi32, #tpu.memory_space<hbm>>
      %dma_wait3A_24 = tpu.memref_squeeze %dma_wait3A_23 : memref<1x79x128xi32, #tpu.memory_space<hbm>> -> memref<79x128xi32, #tpu.memory_space<hbm>>
      %dma_wait3A_25 = arith.constant 0 : i32
      %dma_wait3A_26 = arith.constant 0 : i32
      %dma_wait3A_27 = tpu.memref_slice %arg3[%add3A, %dma_wait3A_25, %dma_wait3A_26] : memref<32x79x128xi32, #tpu.memory_space<hbm>> -> memref<1x79x128xi32, #tpu.memory_space<hbm>>
      %dma_wait3A_28 = tpu.memref_squeeze %dma_wait3A_27 : memref<1x79x128xi32, #tpu.memory_space<hbm>> -> memref<79x128xi32, #tpu.memory_space<hbm>>
      tpu.wait_dma2 semaphore(%run_scoped3A : memref<!tpu.dma_semaphore, #tpu.memory_space<semaphore_mem>>) src(%dma_wait3A_28 : memref<79x128xi32, #tpu.memory_space<hbm>>) dst(%arg9 : memref<79x128xi32, #tpu.memory_space<vmem>>)
      tpu.yield
    }) : () -> ()
    "tpu.region"() ({
      %run_scoped3A = tpu.sem_alloc : memref<!tpu.dma_semaphore, #tpu.memory_space<semaphore_mem>>
      %dma_start3A = arith.constant 0 : i32
      %dma_start3A_15 = tpu.memref_slice %arg4[%add3A, %dma_start3A] : memref<32x10112xf32, #tpu.memory_space<hbm>> -> memref<1x10112xf32, #tpu.memory_space<hbm>>
      %dma_start3A_16 = tpu.memref_squeeze %dma_start3A_15 : memref<1x10112xf32, #tpu.memory_space<hbm>> -> memref<10112xf32, #tpu.memory_space<hbm>>
      %dma_start3A_17 = arith.constant 0 : i32
      %dma_start3A_18 = tpu.memref_slice %arg4[%add3A, %dma_start3A_17] : memref<32x10112xf32, #tpu.memory_space<hbm>> -> memref<1x10112xf32, #tpu.memory_space<hbm>>
      %dma_start3A_19 = tpu.memref_squeeze %dma_start3A_18 : memref<1x10112xf32, #tpu.memory_space<hbm>> -> memref<10112xf32, #tpu.memory_space<hbm>>
      tpu.enqueue_dma source(%dma_start3A_19 : memref<10112xf32, #tpu.memory_space<hbm>>) target(%arg10 : memref<10112xf32, #tpu.memory_space<vmem>>) target_semaphore(%run_scoped3A : memref<!tpu.dma_semaphore, #tpu.memory_space<semaphore_mem>>)
      %dma_wait3A = arith.constant 0 : i32
      %dma_wait3A_20 = tpu.memref_slice %arg4[%add3A, %dma_wait3A] : memref<32x10112xf32, #tpu.memory_space<hbm>> -> memref<1x10112xf32, #tpu.memory_space<hbm>>
      %dma_wait3A_21 = tpu.memref_squeeze %dma_wait3A_20 : memref<1x10112xf32, #tpu.memory_space<hbm>> -> memref<10112xf32, #tpu.memory_space<hbm>>
      %dma_wait3A_22 = arith.constant 0 : i32
      %dma_wait3A_23 = tpu.memref_slice %arg4[%add3A, %dma_wait3A_22] : memref<32x10112xf32, #tpu.memory_space<hbm>> -> memref<1x10112xf32, #tpu.memory_space<hbm>>
      %dma_wait3A_24 = tpu.memref_squeeze %dma_wait3A_23 : memref<1x10112xf32, #tpu.memory_space<hbm>> -> memref<10112xf32, #tpu.memory_space<hbm>>
      tpu.wait_dma2 semaphore(%run_scoped3A : memref<!tpu.dma_semaphore, #tpu.memory_space<semaphore_mem>>) src(%dma_wait3A_24 : memref<10112xf32, #tpu.memory_space<hbm>>) dst(%arg10 : memref<10112xf32, #tpu.memory_space<vmem>>)
      tpu.yield
    }) : () -> ()
    %barrier3A = arith.constant 0 : index
    tpu.barrier barrier_id(%barrier3A)
    %scan3A = arith.constant 0 : i32
    %scan3A_5 = arith.constant 0 : i32
    %scan3A_6 = arith.constant 79 : i32
    %scan3A_7 = arith.addi %scan3A_5, %scan3A_6 : i32
    %scan3A_8 = arith.constant 1 : i32
    scf.for %scan3A_15 = %scan3A_5 to %scan3A_7 step %scan3A_8  : i32 {
      %dma_start3A = arith.constant 0 : i32
      %dma_start3A_16 = tpu.memref_slice %arg8[%scan3A_15, %dma_start3A] : memref<79x128xi32, #tpu.memory_space<vmem>> -> memref<1x128xi32, #tpu.memory_space<vmem>>
      %dma_start3A_17 = tpu.memref_squeeze %dma_start3A_16 : memref<1x128xi32, #tpu.memory_space<vmem>> -> memref<128xi32, #tpu.memory_space<vmem>>
      %dma_start3A_18 = arith.constant 0 : i32
      %dma_start3A_19 = arith.constant 0 : i32
      %dma_start3A_20 = tpu.memref_slice %arg5[%dma_start3A_18, %dma_start3A_19] : memref<10240x128xf32, #tpu.memory_space<hbm>> -> memref<10240x128xf32, #tpu.memory_space<hbm>>
      tpu.enqueue_indirect_dma source(%dma_start3A_20 : memref<10240x128xf32, #tpu.memory_space<hbm>>) target(%arg11 : memref<128x128xf32, #tpu.memory_space<vmem>>) offsets(%dma_start3A_17 : memref<128xi32, #tpu.memory_space<vmem>>) semaphore(%arg13 : memref<!tpu.dma_semaphore, #tpu.memory_space<semaphore_mem>>)
      %dma_wait3A = arith.constant 0 : i32
      %dma_wait3A_21 = tpu.memref_slice %arg8[%scan3A_15, %dma_wait3A] : memref<79x128xi32, #tpu.memory_space<vmem>> -> memref<1x128xi32, #tpu.memory_space<vmem>>
      %dma_wait3A_22 = tpu.memref_squeeze %dma_wait3A_21 : memref<1x128xi32, #tpu.memory_space<vmem>> -> memref<128xi32, #tpu.memory_space<vmem>>
      %dma_wait3A_23 = arith.constant 0 : i32
      %dma_wait3A_24 = arith.constant 0 : i32
      %dma_wait3A_25 = tpu.memref_slice %arg5[%dma_wait3A_23, %dma_wait3A_24] : memref<10240x128xf32, #tpu.memory_space<hbm>> -> memref<10240x128xf32, #tpu.memory_space<hbm>>
      tpu.wait_indirect_dma semaphore(%arg13 : memref<!tpu.dma_semaphore, #tpu.memory_space<semaphore_mem>>) src(%dma_wait3A_25 : memref<10240x128xf32, #tpu.memory_space<hbm>>) dst(%arg11 : memref<128x128xf32, #tpu.memory_space<vmem>>)
      %mul3A_26 = arith.constant 128 : i32
      %mul3A_27 = arith.muli %scan3A_15, %mul3A_26 : i32
      %parallel_loop3A = arith.constant 0 : i32
      %parallel_loop3A_28 = arith.constant 128 : i32
      %parallel_loop3A_29 = arith.constant 1 : i32
      scf.for %parallel_loop3A_30 = %parallel_loop3A to %parallel_loop3A_28 step %parallel_loop3A_29  : i32 {
        %parallel_loop3A_31 = arith.addi %mul3A_27, %parallel_loop3A_30 : i32
        %parallel_loop3A_32 = vector.broadcast %parallel_loop3A_31 : i32 to vector<16xi32>
        %parallel_loop3A_33 = tpu.vector_load_idx %arg10[%parallel_loop3A_32] : memref<10112xf32, #tpu.memory_space<vmem>>[vector<16xi32>], vector<16xf32>,
        %parallel_loop3A_34 = arith.index_cast %parallel_loop3A_30 : i32 to index
        %parallel_loop3A_35 = arith.constant 0 : index
        %parallel_loop3A_36 = tpu.vector_load %arg11[%parallel_loop3A_34, %parallel_loop3A_35] {strides = array<i32>} : memref<128x128xf32, #tpu.memory_space<vmem>>, vector<16xf32>,
        %parallel_loop3A_37 = arith.mulf %parallel_loop3A_36, %parallel_loop3A_33 : vector<16xf32>
        %parallel_loop3A_38 = arith.index_cast %parallel_loop3A_30 : i32 to index
        %parallel_loop3A_39 = arith.constant 0 : index
        %parallel_loop3A_40 = tpu.vector_load %arg11[%parallel_loop3A_38, %parallel_loop3A_39] {strides = array<i32>} : memref<128x128xf32, #tpu.memory_space<vmem>>, vector<16xf32>,
        tpu.vector_store %arg11[%parallel_loop3A_38, %parallel_loop3A_39], %parallel_loop3A_37 {strides = array<i32>} : memref<128x128xf32, #tpu.memory_space<vmem>>, vector<16xf32>,
        %parallel_loop3A_41 = arith.index_cast %parallel_loop3A_30 : i32 to index
        %parallel_loop3A_42 = arith.constant 16 : index
        %parallel_loop3A_43 = tpu.vector_load %arg11[%parallel_loop3A_41, %parallel_loop3A_42] {strides = array<i32>} : memref<128x128xf32, #tpu.memory_space<vmem>>, vector<16xf32>,
        %parallel_loop3A_44 = arith.mulf %parallel_loop3A_43, %parallel_loop3A_33 : vector<16xf32>
        %parallel_loop3A_45 = arith.index_cast %parallel_loop3A_30 : i32 to index
        %parallel_loop3A_46 = arith.constant 16 : index
        %parallel_loop3A_47 = tpu.vector_load %arg11[%parallel_loop3A_45, %parallel_loop3A_46] {strides = array<i32>} : memref<128x128xf32, #tpu.memory_space<vmem>>, vector<16xf32>,
        tpu.vector_store %arg11[%parallel_loop3A_45, %parallel_loop3A_46], %parallel_loop3A_44 {strides = array<i32>} : memref<128x128xf32, #tpu.memory_space<vmem>>, vector<16xf32>,
        %parallel_loop3A_48 = arith.index_cast %parallel_loop3A_30 : i32 to index
        %parallel_loop3A_49 = arith.constant 32 : index
        %parallel_loop3A_50 = tpu.vector_load %arg11[%parallel_loop3A_48, %parallel_loop3A_49] {strides = array<i32>} : memref<128x128xf32, #tpu.memory_space<vmem>>, vector<16xf32>,
        %parallel_loop3A_51 = arith.mulf %parallel_loop3A_50, %parallel_loop3A_33 : vector<16xf32>
        %parallel_loop3A_52 = arith.index_cast %parallel_loop3A_30 : i32 to index
        %parallel_loop3A_53 = arith.constant 32 : index
        %parallel_loop3A_54 = tpu.vector_load %arg11[%parallel_loop3A_52, %parallel_loop3A_53] {strides = array<i32>} : memref<128x128xf32, #tpu.memory_space<vmem>>, vector<16xf32>,
        tpu.vector_store %arg11[%parallel_loop3A_52, %parallel_loop3A_53], %parallel_loop3A_51 {strides = array<i32>} : memref<128x128xf32, #tpu.memory_space<vmem>>, vector<16xf32>,
        %parallel_loop3A_55 = arith.index_cast %parallel_loop3A_30 : i32 to index
        %parallel_loop3A_56 = arith.constant 48 : index
        %parallel_loop3A_57 = tpu.vector_load %arg11[%parallel_loop3A_55, %parallel_loop3A_56] {strides = array<i32>} : memref<128x128xf32, #tpu.memory_space<vmem>>, vector<16xf32>,
        %parallel_loop3A_58 = arith.mulf %parallel_loop3A_57, %parallel_loop3A_33 : vector<16xf32>
        %parallel_loop3A_59 = arith.index_cast %parallel_loop3A_30 : i32 to index
        %parallel_loop3A_60 = arith.constant 48 : index
        %parallel_loop3A_61 = tpu.vector_load %arg11[%parallel_loop3A_59, %parallel_loop3A_60] {strides = array<i32>} : memref<128x128xf32, #tpu.memory_space<vmem>>, vector<16xf32>,
        tpu.vector_store %arg11[%parallel_loop3A_59, %parallel_loop3A_60], %parallel_loop3A_58 {strides = array<i32>} : memref<128x128xf32, #tpu.memory_space<vmem>>, vector<16xf32>,
        %parallel_loop3A_62 = arith.index_cast %parallel_loop3A_30 : i32 to index
        %parallel_loop3A_63 = arith.constant 64 : index
        %parallel_loop3A_64 = tpu.vector_load %arg11[%parallel_loop3A_62, %parallel_loop3A_63] {strides = array<i32>} : memref<128x128xf32, #tpu.memory_space<vmem>>, vector<16xf32>,
        %parallel_loop3A_65 = arith.mulf %parallel_loop3A_64, %parallel_loop3A_33 : vector<16xf32>
        %parallel_loop3A_66 = arith.index_cast %parallel_loop3A_30 : i32 to index
        %parallel_loop3A_67 = arith.constant 64 : index
        %parallel_loop3A_68 = tpu.vector_load %arg11[%parallel_loop3A_66, %parallel_loop3A_67] {strides = array<i32>} : memref<128x128xf32, #tpu.memory_space<vmem>>, vector<16xf32>,
        tpu.vector_store %arg11[%parallel_loop3A_66, %parallel_loop3A_67], %parallel_loop3A_65 {strides = array<i32>} : memref<128x128xf32, #tpu.memory_space<vmem>>, vector<16xf32>,
        %parallel_loop3A_69 = arith.index_cast %parallel_loop3A_30 : i32 to index
        %parallel_loop3A_70 = arith.constant 80 : index
        %parallel_loop3A_71 = tpu.vector_load %arg11[%parallel_loop3A_69, %parallel_loop3A_70] {strides = array<i32>} : memref<128x128xf32, #tpu.memory_space<vmem>>, vector<16xf32>,
        %parallel_loop3A_72 = arith.mulf %parallel_loop3A_71, %parallel_loop3A_33 : vector<16xf32>
        %parallel_loop3A_73 = arith.index_cast %parallel_loop3A_30 : i32 to index
        %parallel_loop3A_74 = arith.constant 80 : index
        %parallel_loop3A_75 = tpu.vector_load %arg11[%parallel_loop3A_73, %parallel_loop3A_74] {strides = array<i32>} : memref<128x128xf32, #tpu.memory_space<vmem>>, vector<16xf32>,
        tpu.vector_store %arg11[%parallel_loop3A_73, %parallel_loop3A_74], %parallel_loop3A_72 {strides = array<i32>} : memref<128x128xf32, #tpu.memory_space<vmem>>, vector<16xf32>,
        %parallel_loop3A_76 = arith.index_cast %parallel_loop3A_30 : i32 to index
        %parallel_loop3A_77 = arith.constant 96 : index
        %parallel_loop3A_78 = tpu.vector_load %arg11[%parallel_loop3A_76, %parallel_loop3A_77] {strides = array<i32>} : memref<128x128xf32, #tpu.memory_space<vmem>>, vector<16xf32>,
        %parallel_loop3A_79 = arith.mulf %parallel_loop3A_78, %parallel_loop3A_33 : vector<16xf32>
        %parallel_loop3A_80 = arith.index_cast %parallel_loop3A_30 : i32 to index
        %parallel_loop3A_81 = arith.constant 96 : index
        %parallel_loop3A_82 = tpu.vector_load %arg11[%parallel_loop3A_80, %parallel_loop3A_81] {strides = array<i32>} : memref<128x128xf32, #tpu.memory_space<vmem>>, vector<16xf32>,
        tpu.vector_store %arg11[%parallel_loop3A_80, %parallel_loop3A_81], %parallel_loop3A_79 {strides = array<i32>} : memref<128x128xf32, #tpu.memory_space<vmem>>, vector<16xf32>,
        %parallel_loop3A_83 = arith.index_cast %parallel_loop3A_30 : i32 to index
        %parallel_loop3A_84 = arith.constant 112 : index
        %parallel_loop3A_85 = tpu.vector_load %arg11[%parallel_loop3A_83, %parallel_loop3A_84] {strides = array<i32>} : memref<128x128xf32, #tpu.memory_space<vmem>>, vector<16xf32>,
        %parallel_loop3A_86 = arith.mulf %parallel_loop3A_85, %parallel_loop3A_33 : vector<16xf32>
        %parallel_loop3A_87 = arith.index_cast %parallel_loop3A_30 : i32 to index
        %parallel_loop3A_88 = arith.constant 112 : index
        %parallel_loop3A_89 = tpu.vector_load %arg11[%parallel_loop3A_87, %parallel_loop3A_88] {strides = array<i32>} : memref<128x128xf32, #tpu.memory_space<vmem>>, vector<16xf32>,
        tpu.vector_store %arg11[%parallel_loop3A_87, %parallel_loop3A_88], %parallel_loop3A_86 {strides = array<i32>} : memref<128x128xf32, #tpu.memory_space<vmem>>, vector<16xf32>,
      } {sc.loop_unroll_factor = 1 : i64, sc.parallel_access}
      "tpu.region"() ({
        %run_scoped3A = tpu.sem_alloc : memref<!tpu.dma_semaphore, #tpu.memory_space<semaphore_mem>>
        %dma_start3A_30 = arith.constant 0 : i32
        %dma_start3A_31 = tpu.memref_slice %arg9[%scan3A_15, %dma_start3A_30] : memref<79x128xi32, #tpu.memory_space<vmem>> -> memref<1x128xi32, #tpu.memory_space<vmem>>
        %dma_start3A_32 = tpu.memref_squeeze %dma_start3A_31 : memref<1x128xi32, #tpu.memory_space<vmem>> -> memref<128xi32, #tpu.memory_space<vmem>>
        %dma_start3A_33 = arith.constant 0 : i32
        %dma_start3A_34 = arith.constant 0 : i32
        %dma_start3A_35 = tpu.memref_slice %arg12[%dma_start3A_33, %dma_start3A_34] : memref<10240x128xf32, #tpu.memory_space<vmem_shared>> -> memref<10240x128xf32, #tpu.memory_space<vmem_shared>>
        tpu.enqueue_indirect_dma source(%arg11 : memref<128x128xf32, #tpu.memory_space<vmem>>) target(%dma_start3A_35 : memref<10240x128xf32, #tpu.memory_space<vmem_shared>>) offsets(%dma_start3A_32 : memref<128xi32, #tpu.memory_space<vmem>>) semaphore(%run_scoped3A : memref<!tpu.dma_semaphore, #tpu.memory_space<semaphore_mem>>) {add = true}
        %dma_wait3A_36 = arith.constant 0 : i32
        %dma_wait3A_37 = tpu.memref_slice %arg9[%scan3A_15, %dma_wait3A_36] : memref<79x128xi32, #tpu.memory_space<vmem>> -> memref<1x128xi32, #tpu.memory_space<vmem>>
        %dma_wait3A_38 = tpu.memref_squeeze %dma_wait3A_37 : memref<1x128xi32, #tpu.memory_space<vmem>> -> memref<128xi32, #tpu.memory_space<vmem>>
        %dma_wait3A_39 = arith.constant 0 : i32
        %dma_wait3A_40 = arith.constant 0 : i32
        %dma_wait3A_41 = tpu.memref_slice %arg12[%dma_wait3A_39, %dma_wait3A_40] : memref<10240x128xf32, #tpu.memory_space<vmem_shared>> -> memref<10240x128xf32, #tpu.memory_space<vmem_shared>>
        tpu.wait_indirect_dma semaphore(%run_scoped3A : memref<!tpu.dma_semaphore, #tpu.memory_space<semaphore_mem>>) src(%arg11 : memref<128x128xf32, #tpu.memory_space<vmem>>) dst(%dma_wait3A_41 : memref<10240x128xf32, #tpu.memory_space<vmem_shared>>)
        tpu.yield
      }) : () -> ()
    }
    %scan3A_9 = arith.constant 79 : i32
    %barrier3A_10 = arith.constant 0 : index
    tpu.barrier barrier_id(%barrier3A_10)
    %mul3A_11 = arith.constant 640 : i32
    %mul3A_12 = arith.muli %arg1, %mul3A_11 : i32
    %mul3A_13 = arith.constant 640 : i32
    %mul3A_14 = arith.muli %arg1, %mul3A_13 : i32
    "tpu.region"() ({
      %run_scoped3A = tpu.sem_alloc : memref<!tpu.dma_semaphore, #tpu.memory_space<semaphore_mem>>
      %dma_start3A = arith.constant 0 : i32
      %dma_start3A_15 = tpu.memref_slice %arg7[%arg0, %mul3A_14, %dma_start3A] : memref<2x10240x128xf32, #tpu.memory_space<hbm>> -> memref<1x640x128xf32, #tpu.memory_space<hbm>>
      %dma_start3A_16 = tpu.memref_squeeze %dma_start3A_15 : memref<1x640x128xf32, #tpu.memory_space<hbm>> -> memref<640x128xf32, #tpu.memory_space<hbm>>
      %dma_start3A_17 = arith.constant 0 : i32
      %dma_start3A_18 = tpu.memref_slice %arg12[%mul3A_12, %dma_start3A_17] : memref<10240x128xf32, #tpu.memory_space<vmem_shared>> -> memref<640x128xf32, #tpu.memory_space<vmem_shared>>
      tpu.enqueue_dma source(%dma_start3A_18 : memref<640x128xf32, #tpu.memory_space<vmem_shared>>) target(%dma_start3A_16 : memref<640x128xf32, #tpu.memory_space<hbm>>) target_semaphore(%run_scoped3A : memref<!tpu.dma_semaphore, #tpu.memory_space<semaphore_mem>>)
      %dma_wait3A = arith.constant 0 : i32
      %dma_wait3A_19 = tpu.memref_slice %arg7[%arg0, %mul3A_14, %dma_wait3A] : memref<2x10240x128xf32, #tpu.memory_space<hbm>> -> memref<1x640x128xf32, #tpu.memory_space<hbm>>
      %dma_wait3A_20 = tpu.memref_squeeze %dma_wait3A_19 : memref<1x640x128xf32, #tpu.memory_space<hbm>> -> memref<640x128xf32, #tpu.memory_space<hbm>>
      %dma_wait3A_21 = arith.constant 0 : i32
      %dma_wait3A_22 = tpu.memref_slice %arg12[%mul3A_12, %dma_wait3A_21] : memref<10240x128xf32, #tpu.memory_space<vmem_shared>> -> memref<640x128xf32, #tpu.memory_space<vmem_shared>>
      tpu.wait_dma2 semaphore(%run_scoped3A : memref<!tpu.dma_semaphore, #tpu.memory_space<semaphore_mem>>) src(%dma_wait3A_22 : memref<640x128xf32, #tpu.memory_space<vmem_shared>>) dst(%dma_wait3A_20 : memref<640x128xf32, #tpu.memory_space<hbm>>)
      tpu.yield
    }) : () -> ()
    return
  }
}

module attributes {stable_mosaic.version = 14 : i64} {
  func.func @_ew_body(%arg0: i32, %arg1: memref<4096x64xf32, #tpu.memory_space<vmem>>, %arg2: memref<64x1xf32, #tpu.memory_space<vmem>>, %arg3: memref<1x1xf32, #tpu.memory_space<vmem>>, %arg4: memref<4096x1xf32, #tpu.memory_space<vmem>>) attributes {dimension_semantics = [#tpu.dimension_semantics<arbitrary>], iteration_bounds = array<i64: 79>, scalar_prefetch = 0 : i64, scratch_operands = 0 : i64, tpu.core_type = #tpu.core_type<tc>, window_params = [{transform_indices = @transform_0, window_bounds = array<i64: 4096, 64>}, {pipeline_mode = #tpu.pipeline_mode<synchronous>, transform_indices = @transform_1, window_bounds = array<i64: 64, 1>}, {pipeline_mode = #tpu.pipeline_mode<synchronous>, transform_indices = @transform_2, window_bounds = array<i64: 1, 1>}, {transform_indices = @transform_3, window_bounds = array<i64: 4096, 1>}]} {
    %get3A = arith.constant 0 : index
    %get3A_0 = arith.constant 0 : index
    %get3A_1 = vector.load %arg1[%get3A, %get3A_0] : memref<4096x64xf32, #tpu.memory_space<vmem>>, vector<4096x64xf32>
    %max3A = arith.constant 0.000000e+00 : f32
    %max3A_2 = vector.broadcast %max3A : f32 to vector<4096x64xf32>
    %max3A_3 = arith.maximumf %get3A_1, %max3A_2 : vector<4096x64xf32>
    %get3A_4 = arith.constant 0 : index
    %get3A_5 = arith.constant 0 : index
    %get3A_6 = vector.load %arg2[%get3A_4, %get3A_5] : memref<64x1xf32, #tpu.memory_space<vmem>>, vector<64x1xf32>
    %dot_general3A = arith.constant dense<0.000000e+00> : vector<4096x1xf32>
    %dot_general3A_7 = tpu.matmul %max3A_3, %get3A_6, %dot_general3A {dimension_numbers = #tpu.dot_dimension_numbers<[1], [0], [0], [1], [0, 0, 1, 1], [], []>, transpose_lhs_hint = false} : vector<4096x64xf32>, vector<64x1xf32>, vector<4096x1xf32> -> vector<4096x1xf32>
    %get3A_8 = arith.constant 0 : index
    %get3A_9 = arith.constant 0 : index
    %get3A_10 = vector.load %arg3[%get3A_8, %get3A_9] : memref<1x1xf32, #tpu.memory_space<vmem>>, vector<1x1xf32>
    %add3A = vector.broadcast %get3A_10 : vector<1x1xf32> to vector<4096x1xf32>
    %add3A_11 = arith.addf %dot_general3A_7, %add3A : vector<4096x1xf32>
    %mul3A = arith.constant 4096 : i32
    %mul3A_12 = arith.muli %arg0, %mul3A : i32
    %iota3A = tpu.iota {dimensions = array<i32: 0>} : vector<4096x1xi32>
    %add3A_13 = vector.broadcast %mul3A_12 : i32 to vector<4096x1xi32>
    %add3A_14 = arith.addi %add3A_13, %iota3A : vector<4096x1xi32>
    %lt3A = arith.constant 320000 : i32
    %lt3A_15 = vector.broadcast %lt3A : i32 to vector<4096x1xi32>
    %lt3A_16 = arith.cmpi slt, %add3A_14, %lt3A_15 : vector<4096x1xi32>
    %logistic3A = arith.negf %add3A_11 : vector<4096x1xf32>
    %logistic3A_17 = math.exp %logistic3A : vector<4096x1xf32>
    %logistic3A_18 = arith.constant 1.000000e+00 : f32
    %logistic3A_19 = vector.broadcast %logistic3A_18 : f32 to vector<4096x1xf32>
    %logistic3A_20 = arith.addf %logistic3A_19, %logistic3A_17 : vector<4096x1xf32>
    %logistic3A_21 = arith.divf %logistic3A_19, %logistic3A_20 : vector<4096x1xf32>
    %jit3A = arith.constant 0.000000e+00 : f32
    %broadcast_in_dim3A = vector.broadcast %jit3A : f32 to vector<4096x1xf32>
    %select_n3A = arith.select %lt3A_16, %logistic3A_21, %broadcast_in_dim3A : vector<4096x1xi1>, vector<4096x1xf32>
    %swap3A = arith.constant 0 : index
    %swap3A_22 = arith.constant 0 : index
    %swap3A_23 = vector.load %arg4[%swap3A, %swap3A_22] : memref<4096x1xf32, #tpu.memory_space<vmem>>, vector<4096x1xf32>
    tpu.vector_store %arg4[%swap3A, %swap3A_22], %select_n3A {strides = array<i32>} : memref<4096x1xf32, #tpu.memory_space<vmem>>, vector<4096x1xf32>,
    return
  }
  func.func @transform_0(%arg0: i32) -> (i32, i32) {
    %c0_i32 = arith.constant 0 : i32
    %c0_i32_0 = arith.constant 0 : i32
    return %arg0, %c0_i32 : i32, i32
  }
  func.func @transform_1(%arg0: i32) -> (i32, i32) {
    %c0_i32 = arith.constant 0 : i32
    %c0_i32_0 = arith.constant 0 : i32
    %c0_i32_1 = arith.constant 0 : i32
    return %c0_i32, %c0_i32_0 : i32, i32
  }
  func.func @transform_2(%arg0: i32) -> (i32, i32) {
    %c0_i32 = arith.constant 0 : i32
    %c0_i32_0 = arith.constant 0 : i32
    %c0_i32_1 = arith.constant 0 : i32
    return %c0_i32, %c0_i32_0 : i32, i32
  }
  func.func @transform_3(%arg0: i32) -> (i32, i32) {
    %c0_i32 = arith.constant 0 : i32
    %c0_i32_0 = arith.constant 0 : i32
    return %arg0, %c0_i32 : i32, i32
  }
}

module attributes {stable_mosaic.version = 14 : i64} {
  func.func @_mm_body(%arg0: i32, %arg1: memref<1024x128xf32, #tpu.memory_space<vmem>>, %arg2: memref<128x128xf32, #tpu.memory_space<vmem>>, %arg3: memref<1x128xf32, #tpu.memory_space<vmem>>, %arg4: memref<128x128xf32, #tpu.memory_space<vmem>>, %arg5: memref<1024x128xf32, #tpu.memory_space<vmem>>, %arg6: memref<1024x128xf32, #tpu.memory_space<vmem>>) attributes {dimension_semantics = [#tpu.dimension_semantics<arbitrary>], iteration_bounds = array<i64: 10>, scalar_prefetch = 0 : i64, scratch_operands = 0 : i64, tpu.core_type = #tpu.core_type<tc>, window_params = [{transform_indices = @transform_0, window_bounds = array<i64: 1024, 128>}, {pipeline_mode = #tpu.pipeline_mode<synchronous>, transform_indices = @transform_1, window_bounds = array<i64: 128, 128>}, {pipeline_mode = #tpu.pipeline_mode<synchronous>, transform_indices = @transform_2, window_bounds = array<i64: 1, 128>}, {pipeline_mode = #tpu.pipeline_mode<synchronous>, transform_indices = @transform_3, window_bounds = array<i64: 128, 128>}, {transform_indices = @transform_4, window_bounds = array<i64: 1024, 128>}, {transform_indices = @transform_5, window_bounds = array<i64: 1024, 128>}]} {
    %get3A = arith.constant 0 : index
    %get3A_0 = arith.constant 0 : index
    %get3A_1 = vector.load %arg1[%get3A, %get3A_0] : memref<1024x128xf32, #tpu.memory_space<vmem>>, vector<1024x128xf32>
    %get3A_2 = arith.constant 0 : index
    %get3A_3 = arith.constant 0 : index
    %get3A_4 = vector.load %arg2[%get3A_2, %get3A_3] : memref<128x128xf32, #tpu.memory_space<vmem>>, vector<128x128xf32>
    %dot_general3A = arith.constant dense<0.000000e+00> : vector<1024x128xf32>
    %dot_general3A_5 = tpu.matmul %get3A_1, %get3A_4, %dot_general3A {dimension_numbers = #tpu.dot_dimension_numbers<[1], [0], [0], [1], [0, 0, 1, 1], [], []>, transpose_lhs_hint = false} : vector<1024x128xf32>, vector<128x128xf32>, vector<1024x128xf32> -> vector<1024x128xf32>
    %get3A_6 = arith.constant 0 : index
    %get3A_7 = arith.constant 0 : index
    %get3A_8 = vector.load %arg3[%get3A_6, %get3A_7] : memref<1x128xf32, #tpu.memory_space<vmem>>, vector<1x128xf32>
    %add3A = vector.broadcast %get3A_8 : vector<1x128xf32> to vector<1024x128xf32>
    %add3A_9 = arith.addf %dot_general3A_5, %add3A : vector<1024x128xf32>
    %swap3A = arith.constant 0 : index
    %swap3A_10 = arith.constant 0 : index
    %swap3A_11 = vector.load %arg5[%swap3A, %swap3A_10] : memref<1024x128xf32, #tpu.memory_space<vmem>>, vector<1024x128xf32>
    tpu.vector_store %arg5[%swap3A, %swap3A_10], %add3A_9 {strides = array<i32>} : memref<1024x128xf32, #tpu.memory_space<vmem>>, vector<1024x128xf32>,
    %get3A_12 = arith.constant 0 : index
    %get3A_13 = arith.constant 0 : index
    %get3A_14 = vector.load %arg4[%get3A_12, %get3A_13] : memref<128x128xf32, #tpu.memory_space<vmem>>, vector<128x128xf32>
    %dot_general3A_15 = arith.constant dense<0.000000e+00> : vector<1024x128xf32>
    %dot_general3A_16 = tpu.matmul %get3A_1, %get3A_14, %dot_general3A_15 {dimension_numbers = #tpu.dot_dimension_numbers<[1], [0], [0], [1], [0, 0, 1, 1], [], []>, transpose_lhs_hint = false} : vector<1024x128xf32>, vector<128x128xf32>, vector<1024x128xf32> -> vector<1024x128xf32>
    %swap3A_17 = arith.constant 0 : index
    %swap3A_18 = arith.constant 0 : index
    %swap3A_19 = vector.load %arg6[%swap3A_17, %swap3A_18] : memref<1024x128xf32, #tpu.memory_space<vmem>>, vector<1024x128xf32>
    tpu.vector_store %arg6[%swap3A_17, %swap3A_18], %dot_general3A_16 {strides = array<i32>} : memref<1024x128xf32, #tpu.memory_space<vmem>>, vector<1024x128xf32>,
    return
  }
  func.func @transform_0(%arg0: i32) -> (i32, i32) {
    %c0_i32 = arith.constant 0 : i32
    %c0_i32_0 = arith.constant 0 : i32
    return %arg0, %c0_i32 : i32, i32
  }
  func.func @transform_1(%arg0: i32) -> (i32, i32) {
    %c0_i32 = arith.constant 0 : i32
    %c0_i32_0 = arith.constant 0 : i32
    %c0_i32_1 = arith.constant 0 : i32
    return %c0_i32, %c0_i32_0 : i32, i32
  }
  func.func @transform_2(%arg0: i32) -> (i32, i32) {
    %c0_i32 = arith.constant 0 : i32
    %c0_i32_0 = arith.constant 0 : i32
    %c0_i32_1 = arith.constant 0 : i32
    return %c0_i32, %c0_i32_0 : i32, i32
  }
  func.func @transform_3(%arg0: i32) -> (i32, i32) {
    %c0_i32 = arith.constant 0 : i32
    %c0_i32_0 = arith.constant 0 : i32
    %c0_i32_1 = arith.constant 0 : i32
    return %c0_i32, %c0_i32_0 : i32, i32
  }
  func.func @transform_4(%arg0: i32) -> (i32, i32) {
    %c0_i32 = arith.constant 0 : i32
    %c0_i32_0 = arith.constant 0 : i32
    return %arg0, %c0_i32 : i32, i32
  }
  func.func @transform_5(%arg0: i32) -> (i32, i32) {
    %c0_i32 = arith.constant 0 : i32
    %c0_i32_0 = arith.constant 0 : i32
    return %arg0, %c0_i32 : i32, i32
  }
}

module attributes {stable_mosaic.version = 14 : i64} {
  func.func @_dinv_body(%arg0: i32, %arg1: memref<32x1024xf32, #tpu.memory_space<vmem>>, %arg2: memref<1024x128xf32, #tpu.memory_space<vmem>>, %arg3: memref<1024x1xf32, #tpu.memory_space<vmem>>, %arg4: memref<1024x128xf32, #tpu.memory_space<vmem>>) attributes {dimension_semantics = [#tpu.dimension_semantics<arbitrary>], iteration_bounds = array<i64: 10>, scalar_prefetch = 0 : i64, scratch_operands = 0 : i64, tpu.core_type = #tpu.core_type<tc>, window_params = [{transform_indices = @transform_0, window_bounds = array<i64: 32, 1024>}, {transform_indices = @transform_1, window_bounds = array<i64: 1024, 128>}, {transform_indices = @transform_2, window_bounds = array<i64: 1024, 1>}, {transform_indices = @transform_3, window_bounds = array<i64: 1024, 128>}]} {
    %get3A = arith.constant 0 : index
    %get3A_0 = arith.constant 0 : index
    %get3A_1 = vector.load %arg1[%get3A, %get3A_0] : memref<32x1024xf32, #tpu.memory_space<vmem>>, vector<32x1024xf32>
    %reduce_sum3A = arith.constant dense<0.000000e+00> : vector<1024xf32>
    %reduce_sum3A_2 = vector.multi_reduction <add>, %get3A_1, %reduce_sum3A [0] : vector<32x1024xf32> to vector<1024xf32>
    %broadcast_in_dim3A = vector.shape_cast %reduce_sum3A_2 : vector<1024xf32> to vector<1024x1xf32>
    %add3A = arith.constant 1.000000e+00 : f32
    %add3A_3 = vector.broadcast %add3A : f32 to vector<1024x1xf32>
    %add3A_4 = arith.addf %broadcast_in_dim3A, %add3A_3 : vector<1024x1xf32>
    %mul3A = arith.constant 1024 : i32
    %mul3A_5 = arith.muli %arg0, %mul3A : i32
    %iota3A = tpu.iota {dimensions = array<i32: 0>} : vector<1024x1xi32>
    %add3A_6 = vector.broadcast %mul3A_5 : i32 to vector<1024x1xi32>
    %add3A_7 = arith.addi %add3A_6, %iota3A : vector<1024x1xi32>
    %lt3A = arith.constant 10000 : i32
    %lt3A_8 = vector.broadcast %lt3A : i32 to vector<1024x1xi32>
    %lt3A_9 = arith.cmpi slt, %add3A_7, %lt3A_8 : vector<1024x1xi32>
    %rsqrt3A = math.rsqrt %add3A_4 : vector<1024x1xf32>
    %jit3A = arith.constant 0.000000e+00 : f32
    %broadcast_in_dim3A_10 = vector.broadcast %jit3A : f32 to vector<1024x1xf32>
    %select_n3A = arith.select %lt3A_9, %rsqrt3A, %broadcast_in_dim3A_10 : vector<1024x1xi1>, vector<1024x1xf32>
    %swap3A = arith.constant 0 : index
    %swap3A_11 = arith.constant 0 : index
    %swap3A_12 = vector.load %arg3[%swap3A, %swap3A_11] : memref<1024x1xf32, #tpu.memory_space<vmem>>, vector<1024x1xf32>
    tpu.vector_store %arg3[%swap3A, %swap3A_11], %select_n3A {strides = array<i32>} : memref<1024x1xf32, #tpu.memory_space<vmem>>, vector<1024x1xf32>,
    %get3A_13 = arith.constant 0 : index
    %get3A_14 = arith.constant 0 : index
    %get3A_15 = vector.load %arg2[%get3A_13, %get3A_14] : memref<1024x128xf32, #tpu.memory_space<vmem>>, vector<1024x128xf32>
    %mul3A_16 = vector.broadcast %select_n3A : vector<1024x1xf32> to vector<1024x128xf32>
    %mul3A_17 = arith.mulf %mul3A_16, %get3A_15 : vector<1024x128xf32>
    %swap3A_18 = arith.constant 0 : index
    %swap3A_19 = arith.constant 0 : index
    %swap3A_20 = vector.load %arg4[%swap3A_18, %swap3A_19] : memref<1024x128xf32, #tpu.memory_space<vmem>>, vector<1024x128xf32>
    tpu.vector_store %arg4[%swap3A_18, %swap3A_19], %mul3A_17 {strides = array<i32>} : memref<1024x128xf32, #tpu.memory_space<vmem>>, vector<1024x128xf32>,
    return
  }
  func.func @transform_0(%arg0: i32) -> (i32, i32) {
    %c0_i32 = arith.constant 0 : i32
    %c0_i32_0 = arith.constant 0 : i32
    return %c0_i32, %arg0 : i32, i32
  }
  func.func @transform_1(%arg0: i32) -> (i32, i32) {
    %c0_i32 = arith.constant 0 : i32
    %c0_i32_0 = arith.constant 0 : i32
    return %arg0, %c0_i32 : i32, i32
  }
  func.func @transform_2(%arg0: i32) -> (i32, i32) {
    %c0_i32 = arith.constant 0 : i32
    %c0_i32_0 = arith.constant 0 : i32
    return %arg0, %c0_i32 : i32, i32
  }
  func.func @transform_3(%arg0: i32) -> (i32, i32) {
    %c0_i32 = arith.constant 0 : i32
    %c0_i32_0 = arith.constant 0 : i32
    return %arg0, %c0_i32 : i32, i32
  }
}

module attributes {stable_mosaic.version = 14 : i64} {
  func.func @_post_body(%arg0: i32, %arg1: memref<2x1024x128xf32, #tpu.memory_space<vmem>>, %arg2: memref<1024x1xf32, #tpu.memory_space<vmem>>, %arg3: memref<1024x128xf32, #tpu.memory_space<vmem>>, %arg4: memref<1x128xf32, #tpu.memory_space<vmem>>, %arg5: memref<128x128xf32, #tpu.memory_space<vmem>>, %arg6: memref<1024x128xf32, #tpu.memory_space<vmem>>, %arg7: memref<1024x128xf32, #tpu.memory_space<vmem>>) attributes {dimension_semantics = [#tpu.dimension_semantics<arbitrary>], iteration_bounds = array<i64: 10>, scalar_prefetch = 0 : i64, scratch_operands = 0 : i64, tpu.core_type = #tpu.core_type<tc>, window_params = [{transform_indices = @transform_0, window_bounds = array<i64: 2, 1024, 128>}, {transform_indices = @transform_1, window_bounds = array<i64: 1024, 1>}, {transform_indices = @transform_2, window_bounds = array<i64: 1024, 128>}, {pipeline_mode = #tpu.pipeline_mode<synchronous>, transform_indices = @transform_3, window_bounds = array<i64: 1, 128>}, {pipeline_mode = #tpu.pipeline_mode<synchronous>, transform_indices = @transform_4, window_bounds = array<i64: 128, 128>}, {transform_indices = @transform_5, window_bounds = array<i64: 1024, 128>}, {transform_indices = @transform_6, window_bounds = array<i64: 1024, 128>}]} {
    %get3A = arith.constant 0 : index
    %get3A_0 = arith.constant 0 : index
    %get3A_1 = vector.load %arg2[%get3A, %get3A_0] : memref<1024x1xf32, #tpu.memory_space<vmem>>, vector<1024x1xf32>
    %get3A_2 = arith.constant 0 : index
    %get3A_3 = arith.constant 0 : index
    %get3A_4 = arith.constant 0 : index
    %get3A_5 = vector.load %arg1[%get3A_2, %get3A_3, %get3A_4] : memref<2x1024x128xf32, #tpu.memory_space<vmem>>, vector<1x1024x128xf32>
    %get3A_6 = vector.shape_cast %get3A_5 : vector<1x1024x128xf32> to vector<1024x128xf32>
    %get3A_7 = arith.constant 1 : index
    %get3A_8 = arith.constant 0 : index
    %get3A_9 = arith.constant 0 : index
    %get3A_10 = vector.load %arg1[%get3A_7, %get3A_8, %get3A_9] : memref<2x1024x128xf32, #tpu.memory_space<vmem>>, vector<1x1024x128xf32>
    %get3A_11 = vector.shape_cast %get3A_10 : vector<1x1024x128xf32> to vector<1024x128xf32>
    %add3A = arith.addf %get3A_6, %get3A_11 : vector<1024x128xf32>
    %mul3A = vector.broadcast %get3A_1 : vector<1024x1xf32> to vector<1024x128xf32>
    %mul3A_12 = arith.mulf %mul3A, %add3A : vector<1024x128xf32>
    %mul3A_13 = arith.mulf %get3A_1, %get3A_1 : vector<1024x1xf32>
    %get3A_14 = arith.constant 0 : index
    %get3A_15 = arith.constant 0 : index
    %get3A_16 = vector.load %arg3[%get3A_14, %get3A_15] : memref<1024x128xf32, #tpu.memory_space<vmem>>, vector<1024x128xf32>
    %mul3A_17 = vector.broadcast %mul3A_13 : vector<1024x1xf32> to vector<1024x128xf32>
    %mul3A_18 = arith.mulf %mul3A_17, %get3A_16 : vector<1024x128xf32>
    %add3A_19 = arith.addf %mul3A_12, %mul3A_18 : vector<1024x128xf32>
    %get3A_20 = arith.constant 0 : index
    %get3A_21 = arith.constant 0 : index
    %get3A_22 = vector.load %arg4[%get3A_20, %get3A_21] : memref<1x128xf32, #tpu.memory_space<vmem>>, vector<1x128xf32>
    %add3A_23 = vector.broadcast %get3A_22 : vector<1x128xf32> to vector<1024x128xf32>
    %add3A_24 = arith.addf %add3A_19, %add3A_23 : vector<1024x128xf32>
    %max3A = arith.constant 0.000000e+00 : f32
    %max3A_25 = vector.broadcast %max3A : f32 to vector<1024x128xf32>
    %max3A_26 = arith.maximumf %add3A_24, %max3A_25 : vector<1024x128xf32>
    %get3A_27 = arith.constant 0 : index
    %get3A_28 = arith.constant 0 : index
    %get3A_29 = vector.load %arg5[%get3A_27, %get3A_28] : memref<128x128xf32, #tpu.memory_space<vmem>>, vector<128x128xf32>
    %dot_general3A = arith.constant dense<0.000000e+00> : vector<1024x128xf32>
    %dot_general3A_30 = tpu.matmul %max3A_26, %get3A_29, %dot_general3A {dimension_numbers = #tpu.dot_dimension_numbers<[1], [0], [0], [1], [0, 0, 1, 1], [], []>, transpose_lhs_hint = false} : vector<1024x128xf32>, vector<128x128xf32>, vector<1024x128xf32> -> vector<1024x128xf32>
    %swap3A = arith.constant 0 : index
    %swap3A_31 = arith.constant 0 : index
    %swap3A_32 = vector.load %arg6[%swap3A, %swap3A_31] : memref<1024x128xf32, #tpu.memory_space<vmem>>, vector<1024x128xf32>
    tpu.vector_store %arg6[%swap3A, %swap3A_31], %dot_general3A_30 {strides = array<i32>} : memref<1024x128xf32, #tpu.memory_space<vmem>>, vector<1024x128xf32>,
    %mul3A_33 = vector.broadcast %get3A_1 : vector<1024x1xf32> to vector<1024x128xf32>
    %mul3A_34 = arith.mulf %mul3A_33, %dot_general3A_30 : vector<1024x128xf32>
    %swap3A_35 = arith.constant 0 : index
    %swap3A_36 = arith.constant 0 : index
    %swap3A_37 = vector.load %arg7[%swap3A_35, %swap3A_36] : memref<1024x128xf32, #tpu.memory_space<vmem>>, vector<1024x128xf32>
    tpu.vector_store %arg7[%swap3A_35, %swap3A_36], %mul3A_34 {strides = array<i32>} : memref<1024x128xf32, #tpu.memory_space<vmem>>, vector<1024x128xf32>,
    return
  }
  func.func @transform_0(%arg0: i32) -> (i32, i32, i32) {
    %c0_i32 = arith.constant 0 : i32
    %c0_i32_0 = arith.constant 0 : i32
    %c0_i32_1 = arith.constant 0 : i32
    return %c0_i32, %arg0, %c0_i32_0 : i32, i32, i32
  }
  func.func @transform_1(%arg0: i32) -> (i32, i32) {
    %c0_i32 = arith.constant 0 : i32
    %c0_i32_0 = arith.constant 0 : i32
    return %arg0, %c0_i32 : i32, i32
  }
  func.func @transform_2(%arg0: i32) -> (i32, i32) {
    %c0_i32 = arith.constant 0 : i32
    %c0_i32_0 = arith.constant 0 : i32
    return %arg0, %c0_i32 : i32, i32
  }
  func.func @transform_3(%arg0: i32) -> (i32, i32) {
    %c0_i32 = arith.constant 0 : i32
    %c0_i32_0 = arith.constant 0 : i32
    %c0_i32_1 = arith.constant 0 : i32
    return %c0_i32, %c0_i32_0 : i32, i32
  }
  func.func @transform_4(%arg0: i32) -> (i32, i32) {
    %c0_i32 = arith.constant 0 : i32
    %c0_i32_0 = arith.constant 0 : i32
    %c0_i32_1 = arith.constant 0 : i32
    return %c0_i32, %c0_i32_0 : i32, i32
  }
  func.func @transform_5(%arg0: i32) -> (i32, i32) {
    %c0_i32 = arith.constant 0 : i32
    %c0_i32_0 = arith.constant 0 : i32
    return %arg0, %c0_i32 : i32, i32
  }
  func.func @transform_6(%arg0: i32) -> (i32, i32) {
    %c0_i32 = arith.constant 0 : i32
    %c0_i32_0 = arith.constant 0 : i32
    return %arg0, %c0_i32 : i32, i32
  }
}

module attributes {stable_mosaic.version = 14 : i64} {
  func.func @_final_body(%arg0: memref<2x10240x128xf32, #tpu.memory_space<vmem>>, %arg1: memref<10240x1xf32, #tpu.memory_space<vmem>>, %arg2: memref<10240x128xf32, #tpu.memory_space<vmem>>, %arg3: memref<1x128xf32, #tpu.memory_space<vmem>>, %arg4: memref<128x1xf32, #tpu.memory_space<vmem>>, %arg5: memref<1x1xf32, #tpu.memory_space<vmem>>, %arg6: memref<1x1xf32, #tpu.memory_space<vmem>>) attributes {dimension_semantics = [], scalar_prefetch = 0 : i64, scratch_operands = 0 : i64, tpu.core_type = #tpu.core_type<tc>} {
    %get3A = arith.constant 0 : index
    %get3A_0 = arith.constant 0 : index
    %get3A_1 = vector.load %arg1[%get3A, %get3A_0] : memref<10240x1xf32, #tpu.memory_space<vmem>>, vector<10240x1xf32>
    %get3A_2 = arith.constant 0 : index
    %get3A_3 = arith.constant 0 : index
    %get3A_4 = arith.constant 0 : index
    %get3A_5 = vector.load %arg0[%get3A_2, %get3A_3, %get3A_4] : memref<2x10240x128xf32, #tpu.memory_space<vmem>>, vector<1x10240x128xf32>
    %get3A_6 = vector.shape_cast %get3A_5 : vector<1x10240x128xf32> to vector<10240x128xf32>
    %get3A_7 = arith.constant 1 : index
    %get3A_8 = arith.constant 0 : index
    %get3A_9 = arith.constant 0 : index
    %get3A_10 = vector.load %arg0[%get3A_7, %get3A_8, %get3A_9] : memref<2x10240x128xf32, #tpu.memory_space<vmem>>, vector<1x10240x128xf32>
    %get3A_11 = vector.shape_cast %get3A_10 : vector<1x10240x128xf32> to vector<10240x128xf32>
    %add3A = arith.addf %get3A_6, %get3A_11 : vector<10240x128xf32>
    %mul3A = vector.broadcast %get3A_1 : vector<10240x1xf32> to vector<10240x128xf32>
    %mul3A_12 = arith.mulf %mul3A, %add3A : vector<10240x128xf32>
    %mul3A_13 = arith.mulf %get3A_1, %get3A_1 : vector<10240x1xf32>
    %get3A_14 = arith.constant 0 : index
    %get3A_15 = arith.constant 0 : index
    %get3A_16 = vector.load %arg2[%get3A_14, %get3A_15] : memref<10240x128xf32, #tpu.memory_space<vmem>>, vector<10240x128xf32>
    %mul3A_17 = vector.broadcast %mul3A_13 : vector<10240x1xf32> to vector<10240x128xf32>
    %mul3A_18 = arith.mulf %mul3A_17, %get3A_16 : vector<10240x128xf32>
    %add3A_19 = arith.addf %mul3A_12, %mul3A_18 : vector<10240x128xf32>
    %get3A_20 = arith.constant 0 : index
    %get3A_21 = arith.constant 0 : index
    %get3A_22 = vector.load %arg3[%get3A_20, %get3A_21] : memref<1x128xf32, #tpu.memory_space<vmem>>, vector<1x128xf32>
    %add3A_23 = vector.broadcast %get3A_22 : vector<1x128xf32> to vector<10240x128xf32>
    %add3A_24 = arith.addf %add3A_19, %add3A_23 : vector<10240x128xf32>
    %max3A = arith.constant 0.000000e+00 : f32
    %max3A_25 = vector.broadcast %max3A : f32 to vector<10240x128xf32>
    %max3A_26 = arith.maximumf %add3A_24, %max3A_25 : vector<10240x128xf32>
    %iota3A = tpu.iota {dimensions = array<i32: 0>} : vector<10240x1xi32>
    %lt3A = arith.constant 10000 : i32
    %lt3A_27 = vector.broadcast %lt3A : i32 to vector<10240x1xi32>
    %lt3A_28 = arith.cmpi slt, %iota3A, %lt3A_27 : vector<10240x1xi32>
    %jit3A = arith.constant 0.000000e+00 : f32
    %broadcast_in_dim3A = vector.shape_cast %lt3A_28 : vector<10240x1xi1> to vector<10240x1xi1>
    %broadcast_in_dim3A_29 = vector.broadcast %broadcast_in_dim3A : vector<10240x1xi1> to vector<10240x128xi1>
    %broadcast_in_dim3A_30 = vector.broadcast %jit3A : f32 to vector<10240x128xf32>
    %select_n3A = arith.select %broadcast_in_dim3A_29, %max3A_26, %broadcast_in_dim3A_30 : vector<10240x128xi1>, vector<10240x128xf32>
    %reduce_sum3A = arith.constant dense<0.000000e+00> : vector<128xf32>
    %reduce_sum3A_31 = vector.multi_reduction <add>, %select_n3A, %reduce_sum3A [0] : vector<10240x128xf32> to vector<128xf32>
    %broadcast_in_dim3A_32 = vector.shape_cast %reduce_sum3A_31 : vector<128xf32> to vector<1x128xf32>
    %div3A = arith.constant 1.000000e+04 : f32
    %div3A_33 = vector.broadcast %div3A : f32 to vector<1x128xf32>
    %div3A_34 = arith.divf %broadcast_in_dim3A_32, %div3A_33 : vector<1x128xf32>
    %get3A_35 = arith.constant 0 : index
    %get3A_36 = arith.constant 0 : index
    %get3A_37 = vector.load %arg4[%get3A_35, %get3A_36] : memref<128x1xf32, #tpu.memory_space<vmem>>, vector<128x1xf32>
    %dot_general3A = arith.constant dense<0.000000e+00> : vector<1x1xf32>
    %dot_general3A_38 = tpu.matmul %div3A_34, %get3A_37, %dot_general3A {dimension_numbers = #tpu.dot_dimension_numbers<[1], [0], [0], [1], [0, 0, 1, 1], [], []>, transpose_lhs_hint = false} : vector<1x128xf32>, vector<128x1xf32>, vector<1x1xf32> -> vector<1x1xf32>
    %get3A_39 = arith.constant 0 : index
    %get3A_40 = arith.constant 0 : index
    %get3A_41 = vector.load %arg5[%get3A_39, %get3A_40] : memref<1x1xf32, #tpu.memory_space<vmem>>, vector<1x1xf32>
    %add3A_42 = arith.addf %dot_general3A_38, %get3A_41 : vector<1x1xf32>
    %logistic3A = arith.negf %add3A_42 : vector<1x1xf32>
    %logistic3A_43 = math.exp %logistic3A : vector<1x1xf32>
    %logistic3A_44 = arith.constant 1.000000e+00 : f32
    %logistic3A_45 = vector.broadcast %logistic3A_44 : f32 to vector<1x1xf32>
    %logistic3A_46 = arith.addf %logistic3A_45, %logistic3A_43 : vector<1x1xf32>
    %logistic3A_47 = arith.divf %logistic3A_45, %logistic3A_46 : vector<1x1xf32>
    %swap3A = arith.constant 0 : index
    %swap3A_48 = arith.constant 0 : index
    %swap3A_49 = vector.load %arg6[%swap3A, %swap3A_48] : memref<1x1xf32, #tpu.memory_space<vmem>>, vector<1x1xf32>
    tpu.vector_store %arg6[%swap3A, %swap3A_48], %logistic3A_47 {strides = array<i32>} : memref<1x1xf32, #tpu.memory_space<vmem>>, vector<1x1xf32>,
    return
  }
}

</mosaic_0001>

<sc_bundles>
// kernel: kernel.12.cloned.1.call-start
scs
__scs_entry_jumppad:
0x0: {  	(pc) =	sbr.rel $0x88, $3  }
0x1: {  	(tag) =	ssettag $0x0;
	lr =	simm.s32 $0x1  }
0x2: {  	[smem:$0x3F94] =	sst lr;
	_ =	strace $0xD0000000  }
0x3: {  	_ = 	snop  }
0x4: {  	_ = 	snop  }
0x5: {  	_ = 	snop  }
0x6: {  	_ = 	snop  }
0x7: {  	_ = 	snop  }
__scs_overlays_trampoline_lowered:
0x8: {  	[smem:$0x3FA3] =	sst s0  }
0x9: {  	[smem:$0x3FA4] =	sst s1  }
0xa: {  	[smem:$0x3FA5] =	sst s2  }
0xb: {  	[smem:$0x3FA6] =	sst s3  }
0xc: {  	[smem:$0x3FA7] =	sst s4  }
0xd: {  	[smem:$0x3FA8] =	sst s5  }
0xe: {  	[smem:$0x3FA9] =	sst s6  }
0xf: {  	[smem:$0x3FAA] =	sst s7  }
0x10: {  	[smem:$0x3FAB] =	sst s8  }
0x11: {  	[smem:$0x3FAC] =	sst s9;
	s0 =	simm.s32 @!p0 $0x0  }
0x12: {  	s1 =	sld [smem:$0x3F92];
	s0 =	simm.s32 @p0 $0x1  }
0x13: {  	[smem:$0x3FAD] =	sst s0;
	s0 =	simm.s32 @!p1 $0x0  }
0x14: {  	s2 =	sld [smem:$0x3F91];
	s0 =	simm.s32 @p1 $0x1  }
0x15: {  	[smem:$0x3FAE] =	sst s0;
	s0 =	simm.s32 @!p2 $0x0  }
0x16: {  	s3 =	sld [smem:$0x3FDB];
	s0 =	simm.s32 @p2 $0x1  }
0x17: {  	s4 =	simm.s32 $0x1BF5;
	[smem:$0x3FB0] =	sst s0  }
0x18: {  	s0 =	sld [smem:$0x3F93];
	_ =	swait.ge [sflag:s4], $0x0  }
0x19: {  	s7 =	sld [smem:$0x3F94]  }
0x1a: {  	s8 =	sadd.s32 $0xFFFFE003, lr  }
0x1b: {  	s9 =	sadd.s32 $0xFFFFFEF7, lr;
	s5 =	simm.s32 $0xFFFFFFFF;
	p2 =	slt.u32 s8, $0xFFFFF086  }
0x1c: {  	p1 =	slt.u32 s9, $0xF7A;
	s5 =	simm.s32 @!p2 $0x0  }
0x1d: {  	s5 =	simm.s32 @p1 $0x1;
	p0 =	seq.s32 s7, s2  }
0x1e: {  	s7 =	smul.u32 @!p0 $0xF7A, s2;
	p2 =	seq.s32 @!p0 s5, $0x0  }
0x1f: {  	s9 =	smul.u32 $0xF7A, s1;
	s8 =	simm.s32 @!p0 $0x1BF5;
	p2 =	por !p2, p0  }
0x20: {  	[sflag:s8] =	ssyncset.s32 @!p0 $0xFFFFF086;
	s6 =	sadd.s32 @!p0 s3, s7;
	s7 =	simm.s32 @!p0 $0x108  }
0x21: {  	s3 =	sadd.s32 s3, s9;
	s6 =	sadd.s32 @!p0 $0x88, s6;
	s7 =	simm.s32 @p2 $0x1082  }
0x22: {  	[simem:s7], [sflag:s8] =	dma.local @!p0 [hbm:s6], $0xF7A  }
0x23: {  	s9 =	sor.u32 $0xD0000000, s2;
	s6 =	simm.s32 $0x108;
	_ =	swait.ge @!p0 [sflag:s8], $0x0  }
0x24: {  	s3 =	sadd.s32 $0x88, s3;
	s6 =	simm.s32 @!p1 $0x1082;
	[sflag:s4] =	ssyncset.s32 $0xFFFFF086  }
0x25: {  	[simem:s6], [sflag:s4] =	dma.local [hbm:s3], $0xF7A  }
0x26: {  	[smem:$0x3F94] =	sst s1;
	(tag) =	ssettag s2;
	_ =	strace s9  }
0x27: {  	s1 =	sld [smem:$0x3FA4]  }
0x28: {  	s2 =	sld [smem:$0x3FA5]  }
0x29: {  	s4 =	sld [smem:$0x3FA7]  }
0x2a: {  	p0 =	seq.s32 s5, $0x0;
	s5 =	sld [smem:$0x3FA8]  }
0x2b: {  	s6 =	sld [smem:$0x3FA9]  }
0x2c: {  	s7 =	sld [smem:$0x3FAA]  }
0x2d: {  	s3 =	simm.s32 $0x108;
	s8 =	sld [smem:$0x3FAB]  }
0x2e: {  	s3 =	simm.s32 @!p0 $0x1082;
	s9 =	sld [smem:$0x3FAC]  }
0x2f: {  	lr =	sadd.s32 s0, s3;
	s0 =	sld [smem:$0x3FA3]  }
0x30: {  	s3 =	sld [smem:$0x3FA6]  }
0x31: {  	[smem:$0x3FAF] =	sst s10  }
0x32: {  	s10 =	sld [smem:$0x3FAD];
	_ =	sdelay $0x3  }
0x33: {  	p0 =	seq.s32 s10, $0x1;
	s10 =	sld [smem:$0x3FAF];
	_ =	sdelay $0x3  }
0x34: {  	[smem:$0x3FAF] =	sst s10  }
0x35: {  	s10 =	sld [smem:$0x3FAE];
	_ =	sdelay $0x3  }
0x36: {  	p1 =	seq.s32 s10, $0x1;
	s10 =	sld [smem:$0x3FAF];
	_ =	sdelay $0x3  }
0x37: {  	[smem:$0x3FAF] =	sst s10  }
0x38: {  	s10 =	sld [smem:$0x3FB0]  }
0x39: {  	_ = 	snop;
	(pc) =	sbr.ind lr, $3  }
0x3a: {  	_ = 	snop  }
0x3b: {  	_ = 	snop  }
0x3c: {  	p2 =	seq.s32 s10, $0x1;
	s10 =	sld [smem:$0x3FAF]  }
0x3d: {  	_ =	shalt  }
0x3e: {  	_ =	shalt  }
0x3f: {  	_ =	shalt  }
0x40: {  	_ =	shalt  }
0x41: {  	_ =	shalt  }
0x42: {  	_ =	shalt  }
0x43: {  	_ =	shalt  }
0x44: {  	_ =	shalt  }
0x45: {  	_ =	shalt  }
0x46: {  	_ =	shalt  }
0x47: {  	_ =	shalt  }
0x48: {  	_ =	shalt  }
0x49: {  	_ =	shalt  }
0x4a: {  	_ =	shalt  }
0x4b: {  	_ =	shalt  }
0x4c: {  	_ =	shalt  }
0x4d: {  	_ =	shalt  }
0x4e: {  	_ =	shalt  }
0x4f: {  	_ =	shalt  }
0x50: {  	_ =	shalt  }
0x51: {  	_ =	shalt  }
0x52: {  	_ =	shalt  }
0x53: {  	_ =	shalt  }
0x54: {  	_ =	shalt  }
0x55: {  	_ =	shalt  }
0x56: {  	_ =	shalt  }
0x57: {  	_ =	shalt  }
0x58: {  	_ =	shalt  }
0x59: {  	_ =	shalt  }
0x5a: {  	_ =	shalt  }
0x5b: {  	_ =	shalt  }
0x5c: {  	_ =	shalt  }
0x5d: {  	_ =	shalt  }
0x5e: {  	_ =	shalt  }
0x5f: {  	_ =	shalt  }
0x60: {  	_ =	shalt  }
0x61: {  	_ =	shalt  }
0x62: {  	_ =	shalt  }
0x63: {  	_ =	shalt  }
0x64: {  	_ =	shalt  }
0x65: {  	_ =	shalt  }
0x66: {  	_ =	shalt  }
0x67: {  	_ =	shalt  }
0x68: {  	_ =	shalt  }
0x69: {  	_ =	shalt  }
0x6a: {  	_ =	shalt  }
0x6b: {  	_ =	shalt  }
0x6c: {  	_ =	shalt  }
0x6d: {  	_ =	shalt  }
0x6e: {  	_ =	shalt  }
0x6f: {  	_ =	shalt  }
0x70: {  	_ =	shalt  }
0x71: {  	_ =	shalt  }
0x72: {  	_ =	shalt  }
0x73: {  	_ =	shalt  }
0x74: {  	_ =	shalt  }
0x75: {  	_ =	shalt  }
0x76: {  	_ =	shalt  }
0x77: {  	_ =	shalt  }
0x78: {  	_ =	shalt  }
0x79: {  	_ =	shalt  }
0x7a: {  	_ =	shalt  }
0x7b: {  	_ =	shalt  }
0x7c: {  	_ =	shalt  }
0x7d: {  	_ =	shalt  }
0x7e: {  	_ =	shalt  }
0x7f: {  	_ =	shalt  }
0x80: {  	_ =	shalt  }
0x81: {  	_ =	shalt  }
0x82: {  	_ =	shalt  }
0x83: {  	_ =	shalt  }
0x84: {  	_ =	shalt  }
0x85: {  	_ =	shalt  }
0x86: {  	_ =	shalt  }
0x87: {  	_ =	shalt  }
.Lfunc_end0:
.L_simem_size_0:
called_computation_lowered:
.L_overlay_start_0:
0x88: {  	s2 =	sld [smem:$0x3FD9]  }
0x89: {  	s3 =	sld [smem:$0x3FFE];
	_ =	sdelay $0x1  }
0x8a: {  	s1 =	srdreg.scid  }
0x8b: {  	s0 =	sand.u32 $0x1, s1  }
0x8c: {  	s17 =	sshll.u32 s0, $0xA;
	s2 =	sadd.s32 s3, s2  }
0x8d: {  	s2 =	sadd.s32 s2, s17  }
0x8e: {  	[smem:$0x3FBB] =	sst s2  }
0x8f: {  	_ = 	snop  }
0x90: {  	s2 =	sld [smem:$0x3FC7];
	(tm) =	ssettm $0x1  }
0x91: {  	s18 =	sld [smem:$0x3FFB];
	_ =	sdelay $0x3  }
0x92: {  	_ =	strace s18  }
0x93: {  	s3 =	sld [smem:$0x3FFC];
	_ =	sdelay $0x3  }
0x94: {  	_ =	strace s3  }
0x95: {  	s3 =	sld [smem:$0x3FFD];
	_ =	sdelay $0x3  }
0x96: {  	_ =	strace s3  }
0x97: {  	_ =	strace $0x8FFFFFFF  }
0x98: {  	s19 =	sld [smem:$0x3FDB];
	_ =	sdelay $0x1  }
0x99: {  	s4 =	simm.s32 $_scs_section_size  }
0x9a: {  	s5 =	simm.s32 $_size__tile_overlayer_lowered;
	s6 =	simm.s32 $_tile_overlayer_lowered  }
0x9b: {  	s22 =	simm.s32 $0x1BFF;
	s21 =	sshll.u32 s6, $0x1;
	s3 =	sadd.s32 s4, s19  }
0x9c: {  	s7 =	simm.s32 $0x0;
	s20 =	sshll.u32 s5, $0x1;
	s5 =	sadd.s32 s21, s3  }
0x9d: {  	[timem:s7], [sflag:s22] =	dma.local [hbm:s5], s20  }
0x9e: {  	_ =	swait.ge [sflag:s22], s20  }
0x9f: {  	s4 =	ssub.s32 $0x0, s20;
	[sflag:s22] =	ssyncset.done $0x0  }
0xa0: {  	[sflag:s22] =	ssyncadd.s32 s4;
	_ =	sdelay $0x1  }
0xa1: {  	s23 =	simm.s32 $0x1B8B  }
0xa2: {  	_ =	swait.ge [sflag:s23], $0x1  }
0xa3: {  	[sflag:s23] =	ssyncset.done $0x0  }
0xa4: {  	s25 =	simm.s32 $0x1B8E;
	s24 =	sld [smem:$0x3FFE];
	[sflag:s23] =	ssyncadd.s32 $0xFFFFFFFF  }
0xa5: {  	s26 =	simm.s32 $execute0_lowered;
	[smem:$0x3FD2] =	sst s25  }
0xa6: {  	s5 =	sshll.u32 s26, $0x1;
	_ =	strace $0x80000046;
	[dreg:$0x1] =	wrdreg $0xFFFFFFFF  }
0xa7: {  	s28 =	simm.s32 $_size_execute0_lowered;
	s3 =	sadd.s32 s3, s5;
	[dreg:$0x0] =	wrdreg $0x0  }
0xa8: {  	s5 =	sshll.u32 s28, $0x1;
	[dreg:$0x2] =	wrdreg s3  }
0xa9: {  	[dreg:$0x3] =	wrdreg s5  }
0xaa: {  	[dreg:$0x4] =	wrdreg $0xC0  }
0xab: {  	_ =	task [dreg:s7], $0x5FFFF  }
0xac: {  	[dreg:$0x1] =	wrdreg $0xFFFFFFFF  }
0xad: {  	[dreg:$0x0] =	wrdreg $0x60  }
0xae: {  	[dreg:$0x2] =	wrdreg s24  }
0xaf: {  	[dreg:$0x3] =	wrdreg s2  }
0xb0: {  	[dreg:$0x4] =	wrdreg $0x9  }
0xb1: {  	_ =	task.clear_ibuf [dreg:s7], $0x5FFFF;
	_ =	strace $0x90000046  }
0xb2: {  	s29 =	simm.s32 $0x9;
	_ =	strace $0x80000048  }
0xb3: {  	_ =	swait.ge [sflag:s29], $0x1  }
0xb4: {  	[sflag:s29] =	ssyncadd.s32 $0xFFFFFFFF  }
0xb5: {  	_ =	strace $0x90000048  }
0xb6: {  	_ =	sfence  }
0xb7: {  	s30 =	sld [smem:$0x0];
	_ =	sdelay $0x2  }
0xb8: {  	s31 =	sshll.u32 s1, $0xD;
	s1 =	sshrl.u32 s1, $0x2  }
0xb9: {  	s3 =	sand.u32 $0x4000, s31;
	s1 =	sadd.s32 s1, s30  }
0xba: {  	s0 =	sor.u32 s3, s0;
	s1 =	sshll.u32 s1, $0x11  }
0xbb: {  	s0 =	sor.u32 s1, s0  }
0xbc: {  	s0 =	sadd.s32 $0x8F2B, s0  }
0xbd: {  	[sflag:s0] =	ssyncadd.remote.s32 $0x1  }
0xbe: {  	_ =	sfence.sel $0xFFFF  }
0xbf: {  	[dreg:$0x0] =	wrdreg $0xFFFFFFFF;
	(pc) =	sbr.abs _section_cstart, $3  }
0xc0: {  	[dreg:$0x1] =	wrdreg $0xFFFFFFFF  }
0xc1: {  	_ =	task.clear_ibuf [dreg:s7], $0x2FFFF;
	_ =	strace $0x9FFFFFFF  }
0xc2: {  	(tm) =	ssettm $0x7FFFFFFF  }
0xc3: {  	_ =	shalt  }
tec
execute0_lowered:
.L_overlay_start_1:
0x0: {  	(tag) =	ssettag $0x1  }
0x1: {  	s0 =	srdreg.scid  }
0x2: {  	s14 =	sand.u32 $0x1, s0  }
0x3: {  	s0 =	stileid.u32;
	s1 =	sshll.u32 s14, $0x4  }
0x4: {  	s10 =	sor.u32 s0, s1  }
0x5: {  	s8 =	rddreg [dreg:$0x0];
	s3 =	sshll.u32 s0, $0x7;
	s1 =	sshll.u32 s10, $0x7  }
0x6: {  	s2 =	rddreg [dreg:$0x1];
	s11 =	sand.u32 $0x380, s3;
	s4 =	sand.u32 $0xC00, s1  }
0x7: {  	s5 =	simm.s32 $0x2;
	s3 =	simm.s32 $0x0;
	s4 =	sor.u32 s11, s4  }
0x8: {  	s12 =	sadd.s32 $0x3600, s8;
	[smem:$0x7FF] =	sst s3;
	s4 =	sshrl.u32 s4, $0x3  }
0x9: {  	s1 =	rddreg [dreg:$0x2];
	_ =	strace $0x80000047;
	s4 =	sadd.s32 s12, s4  }
0xa: {  	[tilespmem:s3], [sflag:$0x2] =	stream.linear.gather [hbm4b:s4+s3], $0x80, $0x38;
	[tilespmem:$0x4080] =	vst v63  }
0xb: {  	_ =	swait.ge [sflag:s5], $0x80  }
0xc: {  	[sflag:s5] =	ssyncset.done $0x0  }
0xd: {  	s6 =	simm.s32 $0x80;
	s7 =	simm.s32 $0x1;
	[sflag:s5] =	ssyncadd.s32 $0xFFFFFF80  }
0xe: {  	[tilespmem:s6], [sflag:$0x1] =	stream.indirect.gather [hbm4b:s2+s6], $0x80, s3, s6, $0xb8;
	[tilespmem:$0x4080] =	vst v63  }
0xf: {  	s16 =	sadd.s32 $0x3C00, s8;
	s13 =	sor.u32 $0x20, s10;
	_ =	swait.ge [sflag:s7], $0x4000  }
0x10: {  	s31 =	sshll.u32 s10, $0xB;
	s9 =	sshll.u32 s13, $0x7;
	[sflag:s7] =	ssyncset.done $0x0  }
0x11: {  	s8 =	sadd.s32 s16, s31;
	s9 =	sand.u32 $0x1C00, s9;
	[sflag:s7] =	ssyncadd.s32 $0xFFFFC000  }
0x12: {  	[hbm4b:s8+s3] =	stream.linear.scatter [tilespmem:s6], [sflag:$0x2], $0x4000, $0x38;
	[tilespmem:$0x4080] =	vst v63  }
0x13: {  	s9 =	sor.u32 s11, s9;
	_ =	swait.ge [sflag:s5], $0x4000  }
0x14: {  	s9 =	sshrl.u32 s9, $0x3;
	[sflag:s5] =	ssyncset.done $0x0  }
0x15: {  	s9 =	sadd.s32 s12, s9;
	[sflag:s5] =	ssyncadd.s32 $0xFFFFC000  }
0x16: {  	[tilespmem:s3], [sflag:$0x2] =	stream.linear.gather [hbm4b:s9+s3], $0x80, $0x38;
	[tilespmem:$0x4080] =	vst v63  }
0x17: {  	_ =	swait.ge [sflag:s5], $0x80  }
0x18: {  	[sflag:s5] =	ssyncset.done $0x0  }
0x19: {  	p0 =	sne.s32 s14, $0x0;
	s18 =	ssub.s32 $0x2, s14;
	[sflag:s5] =	ssyncadd.s32 $0xFFFFFF80  }
0x1a: {  	[tilespmem:s6], [sflag:$0x1] =	stream.indirect.gather [hbm4b:s2+s6], $0x80, s3, s6, $0xb8;
	[tilespmem:$0x4080] =	vst v63  }
0x1b: {  	s19 =	sshrl.u32 s18, $0x1;
	s17 =	sor.u32 $0x40, s10;
	_ =	swait.ge [sflag:s7], $0x4000  }
0x1c: {  	s10 =	sshll.u32 s17, $0x7;
	s13 =	sshll.u32 s13, $0xB;
	[sflag:s7] =	ssyncset.done $0x0  }
0x1d: {  	s15 =	sand.u32 $0x2400, s10;
	s10 =	sadd.s32 s16, s13;
	[sflag:s7] =	ssyncadd.s32 $0xFFFFC000  }
0x1e: {  	[hbm4b:s10+s3] =	stream.linear.scatter [tilespmem:s6], [sflag:$0x2], $0x4000, $0x38;
	[tilespmem:$0x4080] =	vst v63  }
0x1f: {  	s14 =	simm.s32 @!p0 $0x80;
	s11 =	sor.u32 s11, s15;
	_ =	swait.ge [sflag:s5], $0x4000  }
0x20: {  	s13 =	simm.s32 @!p0 $0x0;
	s11 =	sshrl.u32 s11, $0x3;
	[sflag:s5] =	ssyncset.done $0x0  }
0x21: {  	s11 =	sadd.s32 s12, s11;
	s12 =	simm.s32 @!p0 $0x2;
	[sflag:s5] =	ssyncadd.s32 $0xFFFFC000  }
0x22: {  	[tilespmem:s13], [sflag:$0x2] =	stream.linear.gather @!p0 [hbm4b:s11+s13], $0x80, $0x38;
	[tilespmem:$0x4080] =	vst v63  }
0x23: {  	s18 =	ssub.s32 s18, s19;
	s17 =	sshll.u32 s17, $0xB;
	_ =	swait.ge @!p0 [sflag:s12], $0x80  }
0x24: {  	s18 =	smax.u32 s18, $0x1;
	s16 =	sadd.s32 s16, s17;
	[sflag:s12] =	ssyncset.done @!p0 $0x0  }
0x25: {  	s17 =	sadd.s32 $0xFFFFFFFF, s18;
	s15 =	simm.s32 @!p0 $0x1;
	[sflag:s12] =	ssyncadd.s32 @!p0 $0xFFFFFF80  }
0x26: {  	[tilespmem:s14], [sflag:$0x1] =	stream.indirect.gather @!p0 [hbm4b:s2+s14], $0x80, s13, s14, $0xb8;
	[tilespmem:$0x4080] =	vst v63  }
0x27: {  	p1 =	sne.s32 s17, $0x0;
	_ =	swait.ge @!p0 [sflag:s15], $0x4000  }
.Ltmp0:
0x28: {  	[sflag:s15] =	ssyncset.done @!p0 $0x0;
	(pc) =	sbr.rel @!p1 .LBB2_2-.Ltmp0, $4  }
0x29: {  	[sflag:s15] =	ssyncadd.s32 @!p0 $0xFFFFC000  }
0x2a: {  	[hbm4b:s16+s13] =	stream.linear.scatter @!p0 [tilespmem:s14], [sflag:$0x2], $0x4000, $0x38;
	[tilespmem:$0x4080] =	vst v63  }
0x2b: {  	_ =	swait.ge @!p0 [sflag:s12], $0x4000  }
0x2c: {  	[sflag:s12] =	ssyncset.done @!p0 $0x0  }
.LBB2_1:
0x2d: {  	s17 =	sadd.s32 $0xFFFFFFFF, s17;
	[sflag:s12] =	ssyncadd.s32 @!p0 $0xFFFFC000  }
0x2e: {  	[tilespmem:s3], [sflag:$0x2] =	stream.linear.gather [hbm4b:s4+s3], $0x80, $0x38;
	[tilespmem:$0x4080] =	vst v63  }
0x2f: {  	p1 =	sne.s32 s17, $0x0;
	_ =	swait.ge [sflag:s5], $0x80  }
0x30: {  	[sflag:s5] =	ssyncset.done $0x0  }
0x31: {  	[sflag:s5] =	ssyncadd.s32 $0xFFFFFF80  }
0x32: {  	[tilespmem:s6], [sflag:$0x1] =	stream.indirect.gather [hbm4b:s2+s6], $0x80, s3, s6, $0xb8;
	[tilespmem:$0x4080] =	vst v63  }
0x33: {  	_ =	swait.ge [sflag:s7], $0x4000  }
0x34: {  	[sflag:s7] =	ssyncset.done $0x0  }
0x35: {  	[sflag:s7] =	ssyncadd.s32 $0xFFFFC000  }
0x36: {  	[hbm4b:s8+s3] =	stream.linear.scatter [tilespmem:s6], [sflag:$0x2], $0x4000, $0x38;
	[tilespmem:$0x4080] =	vst v63  }
0x37: {  	_ =	swait.ge [sflag:s5], $0x4000  }
0x38: {  	[sflag:s5] =	ssyncset.done $0x0  }
0x39: {  	[sflag:s5] =	ssyncadd.s32 $0xFFFFC000  }
0x3a: {  	[tilespmem:s3], [sflag:$0x2] =	stream.linear.gather [hbm4b:s9+s3], $0x80, $0x38;
	[tilespmem:$0x4080] =	vst v63  }
0x3b: {  	_ =	swait.ge [sflag:s5], $0x80  }
0x3c: {  	[sflag:s5] =	ssyncset.done $0x0  }
0x3d: {  	[sflag:s5] =	ssyncadd.s32 $0xFFFFFF80  }
0x3e: {  	[tilespmem:s6], [sflag:$0x1] =	stream.indirect.gather [hbm4b:s2+s6], $0x80, s3, s6, $0xb8;
	[tilespmem:$0x4080] =	vst v63  }
0x3f: {  	_ =	swait.ge [sflag:s7], $0x4000  }
0x40: {  	[sflag:s7] =	ssyncset.done $0x0  }
0x41: {  	[sflag:s7] =	ssyncadd.s32 $0xFFFFC000  }
0x42: {  	[hbm4b:s10+s3] =	stream.linear.scatter [tilespmem:s6], [sflag:$0x2], $0x4000, $0x38;
	[tilespmem:$0x4080] =	vst v63  }
0x43: {  	_ =	swait.ge [sflag:s5], $0x4000  }
0x44: {  	[sflag:s5] =	ssyncset.done $0x0  }
0x45: {  	[sflag:s5] =	ssyncadd.s32 $0xFFFFC000  }
0x46: {  	[tilespmem:s13], [sflag:$0x2] =	stream.linear.gather @!p0 [hbm4b:s11+s13], $0x80, $0x38;
	[tilespmem:$0x4080] =	vst v63  }
0x47: {  	_ =	swait.ge @!p0 [sflag:s12], $0x80  }
0x48: {  	[sflag:s12] =	ssyncset.done @!p0 $0x0  }
0x49: {  	[sflag:s12] =	ssyncadd.s32 @!p0 $0xFFFFFF80  }
0x4a: {  	[tilespmem:s14], [sflag:$0x1] =	stream.indirect.gather @!p0 [hbm4b:s2+s14], $0x80, s13, s14, $0xb8;
	[tilespmem:$0x4080] =	vst v63  }
0x4b: {  	_ =	swait.ge @!p0 [sflag:s15], $0x4000  }
.Ltmp1:
0x4c: {  	[sflag:s15] =	ssyncset.done @!p0 $0x0;
	(pc) =	sbr.rel @p1 .LBB2_1-.Ltmp1, $4  }
0x4d: {  	[sflag:s15] =	ssyncadd.s32 @!p0 $0xFFFFC000  }
0x4e: {  	[hbm4b:s16+s13] =	stream.linear.scatter @!p0 [tilespmem:s14], [sflag:$0x2], $0x4000, $0x38;
	[tilespmem:$0x4080] =	vst v63  }
0x4f: {  	_ =	swait.ge @!p0 [sflag:s12], $0x4000  }
0x50: {  	[sflag:s12] =	ssyncset.done @!p0 $0x0  }
.LBB2_2:
0x51: {  	[sflag:s12] =	ssyncadd.s32 @!p0 $0xFFFFC000  }
0x52: {  	_ =	sfence.sel $0x180000  }
0x53: {  	[bflag:$0x0] =	sbarrier.arrive $0xFFFF  }
0x54: {  	p0 =	sne.s32 s0, $0x0;
	_ =	strace $0x90000047  }
0x55: {  	s0 =	sadd.s32 @!p0 $0x100000, s1;
	[bflag:$0x2] =	sbarrier.arrive $0xFFFF  }
0x56: {  	[sflag:s0] =	ssyncadd.tile.s32 @!p0 $0x1;
	_ =	shalt  }
.Lfunc_end2:
_tile_overlayer_lowered:
.L_overlay_start_2:
0x57: {  	(tag) =	ssettag $0x2  }
0x58: {  	s0 =	rddreg [dreg:$0x0];
	s2 =	stileid.u32  }
0x59: {  	s1 =	rddreg [dreg:$0x1];
	p0 =	sne.s32 s2, $0x0  }
0x5a: {  	s3 =	rddreg [dreg:$0x2];
	[bflag:$0x3] =	sbarrier.arrive $0xFFFF;
	s2 =	simm.s32 @!p0 $0x1C02  }
0x5b: {  	[timem:s3], [sflag:s2] =	dma.local @!p0 [hbm:s0], s1  }
0x5c: {  	s0 =	simm.s32 @!p0 $0x2  }
0x5d: {  	_ =	swait.ge @!p0 [sflag:s0], s1  }
0x5e: {  	s1 =	ssub.s32 @!p0 $0x0, s1;
	[sflag:s0] =	ssyncset.done @!p0 $0x0  }
0x5f: {  	[sflag:s0] =	ssyncadd.s32 @!p0 s1  }
0x60: {  	[bflag:$0x3] =	sbarrier.arrive $0xFFFF  }
0x61: {  	_ =	shalt  }

// kernel: kernel.15.cloned.1.call-start
scs
__scs_entry_jumppad:
0x0: {  	(pc) =	sbr.rel $0x88, $3  }
0x1: {  	(tag) =	ssettag $0x0;
	lr =	simm.s32 $0x1  }
0x2: {  	[smem:$0x3F94] =	sst lr;
	_ =	strace $0xD0000000  }
0x3: {  	_ = 	snop  }
0x4: {  	_ = 	snop  }
0x5: {  	_ = 	snop  }
0x6: {  	_ = 	snop  }
0x7: {  	_ = 	snop  }
__scs_overlays_trampoline_lowered:
0x8: {  	[smem:$0x3FA3] =	sst s0  }
0x9: {  	[smem:$0x3FA4] =	sst s1  }
0xa: {  	[smem:$0x3FA5] =	sst s2  }
0xb: {  	[smem:$0x3FA6] =	sst s3  }
0xc: {  	[smem:$0x3FA7] =	sst s4  }
0xd: {  	[smem:$0x3FA8] =	sst s5  }
0xe: {  	[smem:$0x3FA9] =	sst s6  }
0xf: {  	[smem:$0x3FAA] =	sst s7  }
0x10: {  	[smem:$0x3FAB] =	sst s8  }
0x11: {  	[smem:$0x3FAC] =	sst s9;
	s0 =	simm.s32 @!p0 $0x0  }
0x12: {  	s1 =	sld [smem:$0x3F92];
	s0 =	simm.s32 @p0 $0x1  }
0x13: {  	[smem:$0x3FAD] =	sst s0;
	s0 =	simm.s32 @!p1 $0x0  }
0x14: {  	s2 =	sld [smem:$0x3F91];
	s0 =	simm.s32 @p1 $0x1  }
0x15: {  	[smem:$0x3FAE] =	sst s0;
	s0 =	simm.s32 @!p2 $0x0  }
0x16: {  	s3 =	sld [smem:$0x3FDB];
	s0 =	simm.s32 @p2 $0x1  }
0x17: {  	s4 =	simm.s32 $0x1BF5;
	[smem:$0x3FB0] =	sst s0  }
0x18: {  	s0 =	sld [smem:$0x3F93];
	_ =	swait.ge [sflag:s4], $0x0  }
0x19: {  	s7 =	sld [smem:$0x3F94]  }
0x1a: {  	s8 =	sadd.s32 $0xFFFFE003, lr  }
0x1b: {  	s9 =	sadd.s32 $0xFFFFFEF7, lr;
	s5 =	simm.s32 $0xFFFFFFFF;
	p2 =	slt.u32 s8, $0xFFFFF086  }
0x1c: {  	p1 =	slt.u32 s9, $0xF7A;
	s5 =	simm.s32 @!p2 $0x0  }
0x1d: {  	s5 =	simm.s32 @p1 $0x1;
	p0 =	seq.s32 s7, s2  }
0x1e: {  	s7 =	smul.u32 @!p0 $0xF7A, s2;
	p2 =	seq.s32 @!p0 s5, $0x0  }
0x1f: {  	s9 =	smul.u32 $0xF7A, s1;
	s8 =	simm.s32 @!p0 $0x1BF5;
	p2 =	por !p2, p0  }
0x20: {  	[sflag:s8] =	ssyncset.s32 @!p0 $0xFFFFF086;
	s6 =	sadd.s32 @!p0 s3, s7;
	s7 =	simm.s32 @!p0 $0x108  }
0x21: {  	s3 =	sadd.s32 s3, s9;
	s6 =	sadd.s32 @!p0 $0x88, s6;
	s7 =	simm.s32 @p2 $0x1082  }
0x22: {  	[simem:s7], [sflag:s8] =	dma.local @!p0 [hbm:s6], $0xF7A  }
0x23: {  	s9 =	sor.u32 $0xD0000000, s2;
	s6 =	simm.s32 $0x108;
	_ =	swait.ge @!p0 [sflag:s8], $0x0  }
0x24: {  	s3 =	sadd.s32 $0x88, s3;
	s6 =	simm.s32 @!p1 $0x1082;
	[sflag:s4] =	ssyncset.s32 $0xFFFFF086  }
0x25: {  	[simem:s6], [sflag:s4] =	dma.local [hbm:s3], $0xF7A  }
0x26: {  	[smem:$0x3F94] =	sst s1;
	(tag) =	ssettag s2;
	_ =	strace s9  }
0x27: {  	s1 =	sld [smem:$0x3FA4]  }
0x28: {  	s2 =	sld [smem:$0x3FA5]  }
0x29: {  	s4 =	sld [smem:$0x3FA7]  }
0x2a: {  	p0 =	seq.s32 s5, $0x0;
	s5 =	sld [smem:$0x3FA8]  }
0x2b: {  	s6 =	sld [smem:$0x3FA9]  }
0x2c: {  	s7 =	sld [smem:$0x3FAA]  }
0x2d: {  	s3 =	simm.s32 $0x108;
	s8 =	sld [smem:$0x3FAB]  }
0x2e: {  	s3 =	simm.s32 @!p0 $0x1082;
	s9 =	sld [smem:$0x3FAC]  }
0x2f: {  	lr =	sadd.s32 s0, s3;
	s0 =	sld [smem:$0x3FA3]  }
0x30: {  	s3 =	sld [smem:$0x3FA6]  }
0x31: {  	[smem:$0x3FAF] =	sst s10  }
0x32: {  	s10 =	sld [smem:$0x3FAD];
	_ =	sdelay $0x3  }
0x33: {  	p0 =	seq.s32 s10, $0x1;
	s10 =	sld [smem:$0x3FAF];
	_ =	sdelay $0x3  }
0x34: {  	[smem:$0x3FAF] =	sst s10  }
0x35: {  	s10 =	sld [smem:$0x3FAE];
	_ =	sdelay $0x3  }
0x36: {  	p1 =	seq.s32 s10, $0x1;
	s10 =	sld [smem:$0x3FAF];
	_ =	sdelay $0x3  }
0x37: {  	[smem:$0x3FAF] =	sst s10  }
0x38: {  	s10 =	sld [smem:$0x3FB0]  }
0x39: {  	_ = 	snop;
	(pc) =	sbr.ind lr, $3  }
0x3a: {  	_ = 	snop  }
0x3b: {  	_ = 	snop  }
0x3c: {  	p2 =	seq.s32 s10, $0x1;
	s10 =	sld [smem:$0x3FAF]  }
0x3d: {  	_ =	shalt  }
0x3e: {  	_ =	shalt  }
0x3f: {  	_ =	shalt  }
0x40: {  	_ =	shalt  }
0x41: {  	_ =	shalt  }
0x42: {  	_ =	shalt  }
0x43: {  	_ =	shalt  }
0x44: {  	_ =	shalt  }
0x45: {  	_ =	shalt  }
0x46: {  	_ =	shalt  }
0x47: {  	_ =	shalt  }
0x48: {  	_ =	shalt  }
0x49: {  	_ =	shalt  }
0x4a: {  	_ =	shalt  }
0x4b: {  	_ =	shalt  }
0x4c: {  	_ =	shalt  }
0x4d: {  	_ =	shalt  }
0x4e: {  	_ =	shalt  }
0x4f: {  	_ =	shalt  }
0x50: {  	_ =	shalt  }
0x51: {  	_ =	shalt  }
0x52: {  	_ =	shalt  }
0x53: {  	_ =	shalt  }
0x54: {  	_ =	shalt  }
0x55: {  	_ =	shalt  }
0x56: {  	_ =	shalt  }
0x57: {  	_ =	shalt  }
0x58: {  	_ =	shalt  }
0x59: {  	_ =	shalt  }
0x5a: {  	_ =	shalt  }
0x5b: {  	_ =	shalt  }
0x5c: {  	_ =	shalt  }
0x5d: {  	_ =	shalt  }
0x5e: {  	_ =	shalt  }
0x5f: {  	_ =	shalt  }
0x60: {  	_ =	shalt  }
0x61: {  	_ =	shalt  }
0x62: {  	_ =	shalt  }
0x63: {  	_ =	shalt  }
0x64: {  	_ =	shalt  }
0x65: {  	_ =	shalt  }
0x66: {  	_ =	shalt  }
0x67: {  	_ =	shalt  }
0x68: {  	_ =	shalt  }
0x69: {  	_ =	shalt  }
0x6a: {  	_ =	shalt  }
0x6b: {  	_ =	shalt  }
0x6c: {  	_ =	shalt  }
0x6d: {  	_ =	shalt  }
0x6e: {  	_ =	shalt  }
0x6f: {  	_ =	shalt  }
0x70: {  	_ =	shalt  }
0x71: {  	_ =	shalt  }
0x72: {  	_ =	shalt  }
0x73: {  	_ =	shalt  }
0x74: {  	_ =	shalt  }
0x75: {  	_ =	shalt  }
0x76: {  	_ =	shalt  }
0x77: {  	_ =	shalt  }
0x78: {  	_ =	shalt  }
0x79: {  	_ =	shalt  }
0x7a: {  	_ =	shalt  }
0x7b: {  	_ =	shalt  }
0x7c: {  	_ =	shalt  }
0x7d: {  	_ =	shalt  }
0x7e: {  	_ =	shalt  }
0x7f: {  	_ =	shalt  }
0x80: {  	_ =	shalt  }
0x81: {  	_ =	shalt  }
0x82: {  	_ =	shalt  }
0x83: {  	_ =	shalt  }
0x84: {  	_ =	shalt  }
0x85: {  	_ =	shalt  }
0x86: {  	_ =	shalt  }
0x87: {  	_ =	shalt  }
.Lfunc_end0:
.L_simem_size_0:
called_computation.1_lowered:
.L_overlay_start_0:
0x88: {  	s2 =	sld [smem:$0x3FD9]  }
0x89: {  	s3 =	sld [smem:$0x3FFE];
	_ =	sdelay $0x1  }
0x8a: {  	s1 =	srdreg.scid  }
0x8b: {  	s0 =	sand.u32 $0x1, s1  }
0x8c: {  	s16 =	sshll.u32 s0, $0xA;
	s2 =	sadd.s32 s3, s2  }
0x8d: {  	s2 =	sadd.s32 s2, s16  }
0x8e: {  	[smem:$0x3FBB] =	sst s2  }
0x8f: {  	_ = 	snop  }
0x90: {  	(tm) =	ssettm $0x1  }
0x91: {  	s17 =	sld [smem:$0x3FFB];
	_ =	sdelay $0x3  }
0x92: {  	_ =	strace s17  }
0x93: {  	s2 =	sld [smem:$0x3FFC];
	_ =	sdelay $0x3  }
0x94: {  	_ =	strace s2  }
0x95: {  	s2 =	sld [smem:$0x3FFD];
	_ =	sdelay $0x3  }
0x96: {  	_ =	strace s2  }
0x97: {  	_ =	strace $0x8FFFFFFF  }
0x98: {  	s18 =	sld [smem:$0x3FDB];
	_ =	sdelay $0x1  }
0x99: {  	s19 =	simm.s32 $_scs_section_size  }
0x9a: {  	s4 =	simm.s32 $_size__tile_overlayer_lowered;
	s5 =	simm.s32 $_tile_overlayer_lowered  }
0x9b: {  	s22 =	simm.s32 $0x1BFF;
	s21 =	sshll.u32 s5, $0x1;
	s2 =	sadd.s32 s19, s18  }
0x9c: {  	s6 =	simm.s32 $0x0;
	s20 =	sshll.u32 s4, $0x1;
	s4 =	sadd.s32 s21, s2  }
0x9d: {  	[timem:s6], [sflag:s22] =	dma.local [hbm:s4], s20  }
0x9e: {  	_ =	swait.ge [sflag:s22], s20  }
0x9f: {  	s3 =	ssub.s32 $0x0, s20;
	[sflag:s22] =	ssyncset.done $0x0  }
0xa0: {  	[sflag:s22] =	ssyncadd.s32 s3;
	_ =	sdelay $0x1  }
0xa1: {  	s23 =	simm.s32 $0x1B8B  }
0xa2: {  	_ =	swait.ge [sflag:s23], $0x1  }
0xa3: {  	[sflag:s23] =	ssyncset.done $0x0  }
0xa4: {  	s25 =	simm.s32 $0x1B8E;
	s24 =	sld [smem:$0x3FFE];
	[sflag:s23] =	ssyncadd.s32 $0xFFFFFFFF  }
0xa5: {  	s26 =	simm.s32 $execute0_lowered;
	[smem:$0x3FD2] =	sst s25  }
0xa6: {  	s4 =	sshll.u32 s26, $0x1;
	_ =	strace $0x80000049;
	[dreg:$0x1] =	wrdreg $0xFFFFFFFF  }
0xa7: {  	s28 =	simm.s32 $_size_execute0_lowered;
	s2 =	sadd.s32 s2, s4;
	[dreg:$0x0] =	wrdreg $0x0  }
0xa8: {  	s4 =	sshll.u32 s28, $0x1;
	[dreg:$0x2] =	wrdreg s2  }
0xa9: {  	[dreg:$0x3] =	wrdreg s4  }
0xaa: {  	[dreg:$0x4] =	wrdreg $0xC0  }
0xab: {  	_ =	task [dreg:s6], $0x5FFFF  }
0xac: {  	[dreg:$0x1] =	wrdreg $0xFFFFFFFF  }
0xad: {  	[dreg:$0x0] =	wrdreg $0x60  }
0xae: {  	[dreg:$0x2] =	wrdreg s24  }
0xaf: {  	[dreg:$0x3] =	wrdreg $0x9  }
0xb0: {  	_ =	task.clear_ibuf [dreg:s6], $0x4FFFF;
	_ =	strace $0x90000049  }
0xb1: {  	s29 =	simm.s32 $0x9;
	_ =	strace $0x8000004B  }
0xb2: {  	_ =	swait.ge [sflag:s29], $0x1  }
0xb3: {  	[sflag:s29] =	ssyncadd.s32 $0xFFFFFFFF  }
0xb4: {  	_ =	strace $0x9000004B  }
0xb5: {  	_ =	sfence  }
0xb6: {  	s30 =	sld [smem:$0x0];
	_ =	sdelay $0x2  }
0xb7: {  	s31 =	sshll.u32 s1, $0xD;
	s1 =	sshrl.u32 s1, $0x2  }
0xb8: {  	s3 =	sand.u32 $0x4000, s31;
	s1 =	sadd.s32 s1, s30  }
0xb9: {  	s0 =	sor.u32 s3, s0;
	s1 =	sshll.u32 s1, $0x11  }
0xba: {  	s0 =	sor.u32 s1, s0  }
0xbb: {  	s0 =	sadd.s32 $0x8F2B, s0  }
0xbc: {  	[sflag:s0] =	ssyncadd.remote.s32 $0x1  }
0xbd: {  	_ =	sfence.sel $0xFFFF  }
0xbe: {  	[dreg:$0x0] =	wrdreg $0xFFFFFFFF;
	(pc) =	sbr.abs _section_cstart, $3  }
0xbf: {  	[dreg:$0x1] =	wrdreg $0xFFFFFFFF  }
0xc0: {  	_ =	task.clear_ibuf [dreg:s6], $0x2FFFF;
	_ =	strace $0x9FFFFFFF  }
0xc1: {  	(tm) =	ssettm $0x7FFFFFFF  }
tec
execute0_lowered:
.L_overlay_start_1:
0x0: {  	(tag) =	ssettag $0x1  }
0x1: {  	s0 =	srdreg.scid;
	s4 =	rddreg [dreg:$0x0]  }
0x2: {  	s2 =	simm.s32 $0x0;
	s10 =	simm.s32 $0x2800;
	s11 =	simm.s32 $0x80  }
0x3: {  	s12 =	simm.s32 $0x5000;
	s13 =	simm.s32 $0x9000;
	s3 =	sand.u32 $0x1, s0  }
0x4: {  	s14 =	simm.s32 $0x1;
	s0 =	stileid.u32;
	s1 =	sshll.u32 s3, $0x4  }
0x5: {  	s15 =	simm.s32 $0xD000;
	s16 =	simm.s32 $0x0;
	s7 =	sor.u32 s0, s1  }
0x6: {  	[smem:$0x7FF] =	sst s2;
	s6 =	ssub.s32 $0x2, s3;
	s5 =	smul.u32 $0x500, s7  }
0x7: {  	s3 =	sadd.s32 $0x3600, s4;
	s1 =	rddreg [dreg:$0x1];
	s31 =	sshrl.u32 s6, $0x1  }
0x8: {  	_ =	strace $0x8000004A;
	s9 =	ssub.s32 s6, s31;
	s8 =	sadd.s32 s5, s4  }
0x9: {  	s7 =	smul.u32 $0x13C000, s7;
	s4 =	sadd.s32 $0x67C00, s4;
	s5 =	sadd.s32 $0x35C00, s8  }
0xa: {  	s6 =	sadd.s32 $0x2BC00, s8;
	s8 =	smax.u32 s9, $0x1;
	s9 =	simm.s32 $0x2  }
.LBB2_1:
0xb: {  	[tilespmem:s2], [sflag:$0x2] =	stream.linear.gather [hbm4b:s5+s2], $0x2780, $0x38;
	[tilespmem:$0x11000] =	vst v63  }
0xc: {  	_ =	swait.ge [sflag:s9], $0x2780  }
0xd: {  	[sflag:s9] =	ssyncset.done $0x0  }
0xe: {  	[sflag:s9] =	ssyncadd.s32 $0xFFFFD880  }
0xf: {  	[tilespmem:s10], [sflag:$0x2] =	stream.linear.gather [hbm4b:s6+s2], $0x2780, $0x38;
	[tilespmem:$0x11000] =	vst v63  }
0x10: {  	_ =	swait.ge [sflag:s9], $0x2780  }
0x11: {  	[sflag:s9] =	ssyncset.done $0x0  }
0x12: {  	s17 =	simm.s32 $0x0;
	[sflag:s9] =	ssyncadd.s32 $0xFFFFD880  }
.LBB2_2:
0x13: {  	s18 =	sshll.u32 s17, $0x7  }
0x14: {  	[tilespmem:s12], [sflag:$0x1] =	stream.indirect.gather [hbm4b:s3+s11], $0x80, s18, s11, $0xb8;
	[tilespmem:$0x11000] =	vst v63  }
0x15: {  	s18 =	sadd.s32 $0x2800, s18  }
0x16: {  	[tilespmem:s13], [sflag:$0x1] =	stream.indirect.gather [hbm4b:s3+s11], $0x80, s18, s11, $0xb8;
	[tilespmem:$0x11000] =	vst v63  }
0x17: {  	_ =	swait.ge [sflag:s14], $0x4000  }
0x18: {  	[sflag:s14] =	ssyncset.done $0x0  }
0x19: {  	[sflag:s14] =	ssyncadd.s32 $0xFFFFC000  }
0x1a: {  	_ =	swait.ge [sflag:s14], $0x4000  }
0x1b: {  	[sflag:s14] =	ssyncset.done $0x0  }
0x1c: {  	s18 =	simm.s32 $0x0;
	[sflag:s14] =	ssyncadd.s32 $0xFFFFC000  }
0x1d: {  	v2 =	vld [tilespmem:s18+$0x5030]  }
0x1e: {  	v4 =	vld [tilespmem:s18+$0x9070]  }
0x1f: {  	v5 =	vld [tilespmem:s18+$0x5000]  }
0x20: {  	v6 =	vld [tilespmem:s18+$0x9040]  }
0x21: {  	v1 =	vld [tilespmem:s18+$0x5010]  }
0x22: {  	v3 =	vld [tilespmem:s18+$0x9050]  }
0x23: {  	v0 =	vld [tilespmem:s18+$0x5020];
	v7 =	vadd.f32 v4, v2  }
0x24: {  	s19 =	simm.s32 $0x80;
	v4 =	vld [tilespmem:s18+$0x9060]  }
0x25: {  	s20 =	simm.s32 $0x400;
	v2 =	vld [tilespmem:s19+$0x5030];
	v5 =	vadd.f32 v6, v5;
	[tilespmem:s18+$0xD030] =	vst v7  }
.LBB2_3:
0x26: {  	p0 =	sne.s32 s20, $0xFE00;
	v6 =	vld [tilespmem:s19+$0x9070]  }
0x27: {  	v7 =	vld [tilespmem:s19+$0x5000];
	[tilespmem:s18+$0xD000] =	vst v5;
	v3 =	vadd.f32 v3, v1  }
0x28: {  	v5 =	vld [tilespmem:s19+$0x9040]  }
.Ltmp0:
0x29: {  	v1 =	vld [tilespmem:s19+$0x5010];
	[tilespmem:s18+$0xD010] =	vst v3;
	v4 =	vadd.f32 v4, v0;
	(pc) =	sbr.rel @p0 .LBB2_3-.Ltmp0, $4  }
0x2a: {  	v3 =	vld [tilespmem:s19+$0x9050]  }
0x2b: {  	v0 =	vld [tilespmem:s19+$0x5020];
	v6 =	vadd.f32 v6, v2;
	[tilespmem:s18+$0xD020] =	vst v4;
	s18 =	smov.u32 s19  }
0x2c: {  	s19 =	sshra.s32 s20, $0x2;
	v4 =	vld [tilespmem:s18+$0x9060]  }
0x2d: {  	s20 =	sadd.s32 $0x200, s20;
	v2 =	vld [tilespmem:s19+$0x5030];
	v5 =	vadd.f32 v5, v7;
	[tilespmem:s18+$0xD030] =	vst v6  }
0x2e: {  	v6 =	vld [tilespmem:s19+$0x9070]  }
0x2f: {  	v7 =	vld [tilespmem:s19+$0x5000]  }
0x30: {  	v8 =	vld [tilespmem:s19+$0x9040]  }
0x31: {  	v9 =	vld [tilespmem:s19+$0x5010]  }
0x32: {  	v10 =	vld [tilespmem:s19+$0x9050]  }
0x33: {  	v11 =	vld [tilespmem:s19+$0x5020]  }
0x34: {  	v59 =	vld [tilespmem:s19+$0x9060];
	v1 =	vadd.f32 v3, v1  }
0x35: {  	[tilespmem:s18+$0xD000] =	vst v5;
	v0 =	vadd.f32 v4, v0  }
0x36: {  	[tilespmem:s18+$0xD010] =	vst v1;
	v60 =	vadd.f32 v6, v2  }
0x37: {  	[tilespmem:s18+$0xD020] =	vst v0;
	v61 =	vadd.f32 v8, v7  }
0x38: {  	s31 =	sshll.u32 s17, $0xE;
	v62 =	vadd.f32 v10, v9;
	[tilespmem:s19+$0xD030] =	vst v60  }
0x39: {  	s17 =	sadd.s32 $0x1, s17;
	v63 =	vadd.f32 v59, v11;
	s18 =	sadd.s32 s7, s31;
	[tilespmem:s19+$0xD000] =	vst v61  }
0x3a: {  	p0 =	sne.s32 s17, $0x4F;
	s18 =	sshrl.u32 s18, $0x3;
	[tilespmem:s19+$0xD010] =	vst v62  }
.Ltmp1:
0x3b: {  	[tilespmem:s19+$0xD020] =	vst v63;
	s18 =	sadd.s32 s4, s18;
	(pc) =	sbr.rel @p0 .LBB2_2-.Ltmp1, $4  }
0x3c: {  	[hbm4b:s18+s2] =	stream.linear.scatter [tilespmem:s15], [sflag:$0x2], $0x4000, $0x38;
	[tilespmem:$0x11000] =	vst v63  }
0x3d: {  	_ =	swait.ge [sflag:s9], $0x4000  }
0x3e: {  	[sflag:s9] =	ssyncset.done $0x0  }
0x3f: {  	[sflag:s9] =	ssyncadd.s32 $0xFFFFC000  }
0x40: {  	s16 =	sadd.s32 $0x1, s16  }
0x41: {  	p0 =	sne.s32 s16, s8  }
.Ltmp2:
0x42: {  	_ = 	snop;
	(pc) =	sbr.rel @p0 .LBB2_1-.Ltmp2, $1  }
0x43: {  	_ =	sdelay $0x3  }
0x44: {  	_ =	sfence.sel $0x180000  }
0x45: {  	[bflag:$0x0] =	sbarrier.arrive $0xFFFF  }
0x46: {  	p0 =	sne.s32 s0, $0x0;
	_ =	strace $0x9000004A  }
0x47: {  	s0 =	sadd.s32 @!p0 $0x100000, s1;
	[bflag:$0x2] =	sbarrier.arrive $0xFFFF  }
0x48: {  	[sflag:s0] =	ssyncadd.tile.s32 @!p0 $0x1;
	_ =	shalt  }
.Lfunc_end2:
_tile_overlayer_lowered:
.L_overlay_start_2:
0x49: {  	(tag) =	ssettag $0x2  }
0x4a: {  	s0 =	rddreg [dreg:$0x0];
	s2 =	stileid.u32  }
0x4b: {  	s1 =	rddreg [dreg:$0x1];
	p0 =	sne.s32 s2, $0x0  }
0x4c: {  	s3 =	rddreg [dreg:$0x2];
	[bflag:$0x3] =	sbarrier.arrive $0xFFFF;
	s2 =	simm.s32 @!p0 $0x1C02  }
0x4d: {  	[timem:s3], [sflag:s2] =	dma.local @!p0 [hbm:s0], s1  }
0x4e: {  	s0 =	simm.s32 @!p0 $0x2  }
0x4f: {  	_ =	swait.ge @!p0 [sflag:s0], s1  }
0x50: {  	s1 =	ssub.s32 @!p0 $0x0, s1;
	[sflag:s0] =	ssyncset.done @!p0 $0x0  }
0x51: {  	[sflag:s0] =	ssyncadd.s32 @!p0 s1  }
0x52: {  	[bflag:$0x3] =	sbarrier.arrive $0xFFFF  }
0x53: {  	_ =	shalt  }

// kernel: kernel.18.cloned.1.call-start
scs
__scs_entry_jumppad:
0x0: {  	(pc) =	sbr.rel $0x88, $3  }
0x1: {  	(tag) =	ssettag $0x0;
	lr =	simm.s32 $0x1  }
0x2: {  	[smem:$0x3F94] =	sst lr;
	_ =	strace $0xD0000000  }
0x3: {  	_ = 	snop  }
0x4: {  	_ = 	snop  }
0x5: {  	_ = 	snop  }
0x6: {  	_ = 	snop  }
0x7: {  	_ = 	snop  }
__scs_overlays_trampoline_lowered:
0x8: {  	[smem:$0x3FA3] =	sst s0  }
0x9: {  	[smem:$0x3FA4] =	sst s1  }
0xa: {  	[smem:$0x3FA5] =	sst s2  }
0xb: {  	[smem:$0x3FA6] =	sst s3  }
0xc: {  	[smem:$0x3FA7] =	sst s4  }
0xd: {  	[smem:$0x3FA8] =	sst s5  }
0xe: {  	[smem:$0x3FA9] =	sst s6  }
0xf: {  	[smem:$0x3FAA] =	sst s7  }
0x10: {  	[smem:$0x3FAB] =	sst s8  }
0x11: {  	[smem:$0x3FAC] =	sst s9;
	s0 =	simm.s32 @!p0 $0x0  }
0x12: {  	s1 =	sld [smem:$0x3F92];
	s0 =	simm.s32 @p0 $0x1  }
0x13: {  	[smem:$0x3FAD] =	sst s0;
	s0 =	simm.s32 @!p1 $0x0  }
0x14: {  	s2 =	sld [smem:$0x3F91];
	s0 =	simm.s32 @p1 $0x1  }
0x15: {  	[smem:$0x3FAE] =	sst s0;
	s0 =	simm.s32 @!p2 $0x0  }
0x16: {  	s3 =	sld [smem:$0x3FDB];
	s0 =	simm.s32 @p2 $0x1  }
0x17: {  	s4 =	simm.s32 $0x1BF5;
	[smem:$0x3FB0] =	sst s0  }
0x18: {  	s0 =	sld [smem:$0x3F93];
	_ =	swait.ge [sflag:s4], $0x0  }
0x19: {  	s7 =	sld [smem:$0x3F94]  }
0x1a: {  	s8 =	sadd.s32 $0xFFFFE003, lr  }
0x1b: {  	s9 =	sadd.s32 $0xFFFFFEF7, lr;
	s5 =	simm.s32 $0xFFFFFFFF;
	p2 =	slt.u32 s8, $0xFFFFF086  }
0x1c: {  	p1 =	slt.u32 s9, $0xF7A;
	s5 =	simm.s32 @!p2 $0x0  }
0x1d: {  	s5 =	simm.s32 @p1 $0x1;
	p0 =	seq.s32 s7, s2  }
0x1e: {  	s7 =	smul.u32 @!p0 $0xF7A, s2;
	p2 =	seq.s32 @!p0 s5, $0x0  }
0x1f: {  	s9 =	smul.u32 $0xF7A, s1;
	s8 =	simm.s32 @!p0 $0x1BF5;
	p2 =	por !p2, p0  }
0x20: {  	[sflag:s8] =	ssyncset.s32 @!p0 $0xFFFFF086;
	s6 =	sadd.s32 @!p0 s3, s7;
	s7 =	simm.s32 @!p0 $0x108  }
0x21: {  	s3 =	sadd.s32 s3, s9;
	s6 =	sadd.s32 @!p0 $0x88, s6;
	s7 =	simm.s32 @p2 $0x1082  }
0x22: {  	[simem:s7], [sflag:s8] =	dma.local @!p0 [hbm:s6], $0xF7A  }
0x23: {  	s9 =	sor.u32 $0xD0000000, s2;
	s6 =	simm.s32 $0x108;
	_ =	swait.ge @!p0 [sflag:s8], $0x0  }
0x24: {  	s3 =	sadd.s32 $0x88, s3;
	s6 =	simm.s32 @!p1 $0x1082;
	[sflag:s4] =	ssyncset.s32 $0xFFFFF086  }
0x25: {  	[simem:s6], [sflag:s4] =	dma.local [hbm:s3], $0xF7A  }
0x26: {  	[smem:$0x3F94] =	sst s1;
	(tag) =	ssettag s2;
	_ =	strace s9  }
0x27: {  	s1 =	sld [smem:$0x3FA4]  }
0x28: {  	s2 =	sld [smem:$0x3FA5]  }
0x29: {  	s4 =	sld [smem:$0x3FA7]  }
0x2a: {  	p0 =	seq.s32 s5, $0x0;
	s5 =	sld [smem:$0x3FA8]  }
0x2b: {  	s6 =	sld [smem:$0x3FA9]  }
0x2c: {  	s7 =	sld [smem:$0x3FAA]  }
0x2d: {  	s3 =	simm.s32 $0x108;
	s8 =	sld [smem:$0x3FAB]  }
0x2e: {  	s3 =	simm.s32 @!p0 $0x1082;
	s9 =	sld [smem:$0x3FAC]  }
0x2f: {  	lr =	sadd.s32 s0, s3;
	s0 =	sld [smem:$0x3FA3]  }
0x30: {  	s3 =	sld [smem:$0x3FA6]  }
0x31: {  	[smem:$0x3FAF] =	sst s10  }
0x32: {  	s10 =	sld [smem:$0x3FAD];
	_ =	sdelay $0x3  }
0x33: {  	p0 =	seq.s32 s10, $0x1;
	s10 =	sld [smem:$0x3FAF];
	_ =	sdelay $0x3  }
0x34: {  	[smem:$0x3FAF] =	sst s10  }
0x35: {  	s10 =	sld [smem:$0x3FAE];
	_ =	sdelay $0x3  }
0x36: {  	p1 =	seq.s32 s10, $0x1;
	s10 =	sld [smem:$0x3FAF];
	_ =	sdelay $0x3  }
0x37: {  	[smem:$0x3FAF] =	sst s10  }
0x38: {  	s10 =	sld [smem:$0x3FB0]  }
0x39: {  	_ = 	snop;
	(pc) =	sbr.ind lr, $3  }
0x3a: {  	_ = 	snop  }
0x3b: {  	_ = 	snop  }
0x3c: {  	p2 =	seq.s32 s10, $0x1;
	s10 =	sld [smem:$0x3FAF]  }
0x3d: {  	_ =	shalt  }
0x3e: {  	_ =	shalt  }
0x3f: {  	_ =	shalt  }
0x40: {  	_ =	shalt  }
0x41: {  	_ =	shalt  }
0x42: {  	_ =	shalt  }
0x43: {  	_ =	shalt  }
0x44: {  	_ =	shalt  }
0x45: {  	_ =	shalt  }
0x46: {  	_ =	shalt  }
0x47: {  	_ =	shalt  }
0x48: {  	_ =	shalt  }
0x49: {  	_ =	shalt  }
0x4a: {  	_ =	shalt  }
0x4b: {  	_ =	shalt  }
0x4c: {  	_ =	shalt  }
0x4d: {  	_ =	shalt  }
0x4e: {  	_ =	shalt  }
0x4f: {  	_ =	shalt  }
0x50: {  	_ =	shalt  }
0x51: {  	_ =	shalt  }
0x52: {  	_ =	shalt  }
0x53: {  	_ =	shalt  }
0x54: {  	_ =	shalt  }
0x55: {  	_ =	shalt  }
0x56: {  	_ =	shalt  }
0x57: {  	_ =	shalt  }
0x58: {  	_ =	shalt  }
0x59: {  	_ =	shalt  }
0x5a: {  	_ =	shalt  }
0x5b: {  	_ =	shalt  }
0x5c: {  	_ =	shalt  }
0x5d: {  	_ =	shalt  }
0x5e: {  	_ =	shalt  }
0x5f: {  	_ =	shalt  }
0x60: {  	_ =	shalt  }
0x61: {  	_ =	shalt  }
0x62: {  	_ =	shalt  }
0x63: {  	_ =	shalt  }
0x64: {  	_ =	shalt  }
0x65: {  	_ =	shalt  }
0x66: {  	_ =	shalt  }
0x67: {  	_ =	shalt  }
0x68: {  	_ =	shalt  }
0x69: {  	_ =	shalt  }
0x6a: {  	_ =	shalt  }
0x6b: {  	_ =	shalt  }
0x6c: {  	_ =	shalt  }
0x6d: {  	_ =	shalt  }
0x6e: {  	_ =	shalt  }
0x6f: {  	_ =	shalt  }
0x70: {  	_ =	shalt  }
0x71: {  	_ =	shalt  }
0x72: {  	_ =	shalt  }
0x73: {  	_ =	shalt  }
0x74: {  	_ =	shalt  }
0x75: {  	_ =	shalt  }
0x76: {  	_ =	shalt  }
0x77: {  	_ =	shalt  }
0x78: {  	_ =	shalt  }
0x79: {  	_ =	shalt  }
0x7a: {  	_ =	shalt  }
0x7b: {  	_ =	shalt  }
0x7c: {  	_ =	shalt  }
0x7d: {  	_ =	shalt  }
0x7e: {  	_ =	shalt  }
0x7f: {  	_ =	shalt  }
0x80: {  	_ =	shalt  }
0x81: {  	_ =	shalt  }
0x82: {  	_ =	shalt  }
0x83: {  	_ =	shalt  }
0x84: {  	_ =	shalt  }
0x85: {  	_ =	shalt  }
0x86: {  	_ =	shalt  }
0x87: {  	_ =	shalt  }
.Lfunc_end0:
.L_simem_size_0:
called_computation.2_lowered:
.L_overlay_start_0:
0x88: {  	s2 =	sld [smem:$0x3FD9]  }
0x89: {  	s3 =	sld [smem:$0x3FFE];
	_ =	sdelay $0x1  }
0x8a: {  	s1 =	srdreg.scid  }
0x8b: {  	s0 =	sand.u32 $0x1, s1  }
0x8c: {  	s16 =	sshll.u32 s0, $0xA;
	s2 =	sadd.s32 s3, s2  }
0x8d: {  	s2 =	sadd.s32 s2, s16  }
0x8e: {  	[smem:$0x3FBB] =	sst s2  }
0x8f: {  	_ = 	snop  }
0x90: {  	(tm) =	ssettm $0x1  }
0x91: {  	s17 =	sld [smem:$0x3FFB];
	_ =	sdelay $0x3  }
0x92: {  	_ =	strace s17  }
0x93: {  	s2 =	sld [smem:$0x3FFC];
	_ =	sdelay $0x3  }
0x94: {  	_ =	strace s2  }
0x95: {  	s2 =	sld [smem:$0x3FFD];
	_ =	sdelay $0x3  }
0x96: {  	_ =	strace s2  }
0x97: {  	_ =	strace $0x8FFFFFFF  }
0x98: {  	s18 =	sld [smem:$0x3FDB];
	_ =	sdelay $0x1  }
0x99: {  	s19 =	simm.s32 $_scs_section_size  }
0x9a: {  	s4 =	simm.s32 $_size__tile_overlayer_lowered;
	s5 =	simm.s32 $_tile_overlayer_lowered  }
0x9b: {  	s22 =	simm.s32 $0x1BFF;
	s21 =	sshll.u32 s5, $0x1;
	s2 =	sadd.s32 s19, s18  }
0x9c: {  	s6 =	simm.s32 $0x0;
	s20 =	sshll.u32 s4, $0x1;
	s4 =	sadd.s32 s21, s2  }
0x9d: {  	[timem:s6], [sflag:s22] =	dma.local [hbm:s4], s20  }
0x9e: {  	_ =	swait.ge [sflag:s22], s20  }
0x9f: {  	s3 =	ssub.s32 $0x0, s20;
	[sflag:s22] =	ssyncset.done $0x0  }
0xa0: {  	[sflag:s22] =	ssyncadd.s32 s3;
	_ =	sdelay $0x1  }
0xa1: {  	s23 =	simm.s32 $0x1B8B  }
0xa2: {  	_ =	swait.ge [sflag:s23], $0x1  }
0xa3: {  	[sflag:s23] =	ssyncset.done $0x0  }
0xa4: {  	s25 =	simm.s32 $0x1B8E;
	s24 =	sld [smem:$0x3FFE];
	[sflag:s23] =	ssyncadd.s32 $0xFFFFFFFF  }
0xa5: {  	s26 =	simm.s32 $execute0_lowered;
	[smem:$0x3FD2] =	sst s25  }
0xa6: {  	s4 =	sshll.u32 s26, $0x1;
	_ =	strace $0x8000004C;
	[dreg:$0x1] =	wrdreg $0xFFFFFFFF  }
0xa7: {  	s28 =	simm.s32 $_size_execute0_lowered;
	s2 =	sadd.s32 s2, s4;
	[dreg:$0x0] =	wrdreg $0x0  }
0xa8: {  	s4 =	sshll.u32 s28, $0x1;
	[dreg:$0x2] =	wrdreg s2  }
0xa9: {  	[dreg:$0x3] =	wrdreg s4  }
0xaa: {  	[dreg:$0x4] =	wrdreg $0xC0  }
0xab: {  	_ =	task [dreg:s6], $0x5FFFF  }
0xac: {  	[dreg:$0x1] =	wrdreg $0xFFFFFFFF  }
0xad: {  	[dreg:$0x0] =	wrdreg $0x60  }
0xae: {  	[dreg:$0x2] =	wrdreg s24  }
0xaf: {  	[dreg:$0x3] =	wrdreg $0x9  }
0xb0: {  	_ =	task.clear_ibuf [dreg:s6], $0x4FFFF;
	_ =	strace $0x9000004C  }
0xb1: {  	s29 =	simm.s32 $0x9;
	_ =	strace $0x8000004E  }
0xb2: {  	_ =	swait.ge [sflag:s29], $0x1  }
0xb3: {  	[sflag:s29] =	ssyncadd.s32 $0xFFFFFFFF  }
0xb4: {  	_ =	strace $0x9000004E  }
0xb5: {  	_ =	sfence  }
0xb6: {  	s30 =	sld [smem:$0x0];
	_ =	sdelay $0x2  }
0xb7: {  	s31 =	sshll.u32 s1, $0xD;
	s1 =	sshrl.u32 s1, $0x2  }
0xb8: {  	s3 =	sand.u32 $0x4000, s31;
	s1 =	sadd.s32 s1, s30  }
0xb9: {  	s0 =	sor.u32 s3, s0;
	s1 =	sshll.u32 s1, $0x11  }
0xba: {  	s0 =	sor.u32 s1, s0  }
0xbb: {  	s0 =	sadd.s32 $0x8F2B, s0  }
0xbc: {  	[sflag:s0] =	ssyncadd.remote.s32 $0x1  }
0xbd: {  	_ =	sfence.sel $0xFFFF  }
0xbe: {  	[dreg:$0x0] =	wrdreg $0xFFFFFFFF;
	(pc) =	sbr.abs _section_cstart, $3  }
0xbf: {  	[dreg:$0x1] =	wrdreg $0xFFFFFFFF  }
0xc0: {  	_ =	task.clear_ibuf [dreg:s6], $0x2FFFF;
	_ =	strace $0x9FFFFFFF  }
0xc1: {  	(tm) =	ssettm $0x7FFFFFFF  }
tec
execute0_lowered:
.L_overlay_start_1:
0x0: {  	(tag) =	ssettag $0x1  }
0x1: {  	s0 =	srdreg.scid  }
0x2: {  	s4 =	rddreg [dreg:$0x0];
	s1 =	stileid.u32  }
0x3: {  	s10 =	simm.s32 $0x2800;
	s11 =	simm.s32 $0x80;
	s3 =	sand.u32 $0x1, s0  }
0x4: {  	s12 =	simm.s32 $0x400;
	s13 =	simm.s32 $0x0;
	s2 =	sshll.u32 s3, $0x4  }
0x5: {  	s0 =	rddreg [dreg:$0x1];
	s7 =	sshll.u32 s1, $0x7;
	s5 =	sor.u32 s1, s2  }
0x6: {  	s7 =	sand.u32 $0x380, s7;
	s6 =	smul.u32 $0x500, s5;
	s5 =	sshrl.u32 s5, $0x3  }
0x7: {  	s31 =	ssub.s32 $0x2, s3;
	s2 =	simm.s32 $0x0;
	s5 =	smul.u32 $0x14000, s5  }
0x8: {  	s3 =	sadd.s32 $0xD600, s4;
	s8 =	sshrl.u32 s31, $0x1;
	[smem:$0x7FF] =	sst s2  }
0x9: {  	_ =	strace $0x8000004D;
	s6 =	sadd.s32 s6, s4;
	s5 =	sor.u32 s7, s5  }
0xa: {  	s7 =	ssub.s32 s31, s8;
	s8 =	simm.s32 $0x5000;
	s5 =	sshrl.u32 s5, $0x3  }
0xb: {  	s7 =	smax.u32 s7, $0x1;
	s9 =	sadd.s32 s5, s4;
	s4 =	sadd.s32 $0x2BC00, s6  }
0xc: {  	s5 =	sadd.s32 $0x3600, s6;
	s6 =	sadd.s32 $0xDC00, s9;
	s9 =	simm.s32 $0x1  }
.LBB2_1:
0xd: {  	[tilespmem:s8], [sflag:$0x1] =	stream.linear.gather [hbm4b:s3+s2], $0x2800, $0x38;
	[tilespmem:$0x7800] =	vst v63  }
0xe: {  	_ =	swait.ge [sflag:s9], $0x2800  }
0xf: {  	[sflag:s9] =	ssyncset.done $0x0  }
0x10: {  	[sflag:s9] =	ssyncadd.s32 $0xFFFFD800  }
0x11: {  	[tilespmem:s2], [sflag:$0x1] =	stream.linear.gather [hbm4b:s4+s2], $0x2780, $0x38;
	[tilespmem:$0x7800] =	vst v63  }
0x12: {  	_ =	swait.ge [sflag:s9], $0x2780  }
0x13: {  	[sflag:s9] =	ssyncset.done $0x0  }
0x14: {  	[sflag:s9] =	ssyncadd.s32 $0xFFFFD880  }
0x15: {  	[tilespmem:s10], [sflag:$0x1] =	stream.linear.gather [hbm4b:s5+s2], $0x2780, $0x38;
	[tilespmem:$0x7800] =	vst v63  }
0x16: {  	_ =	swait.ge [sflag:s9], $0x2780  }
0x17: {  	[sflag:s9] =	ssyncset.done $0x0  }
0x18: {  	s15 =	simm.s32 $0x0;
	s14 =	simm.s32 $0x40;
	[sflag:s9] =	ssyncadd.s32 $0xFFFFD880  }
.LBB2_2:
0x19: {  	p0 =	sne.s32 s14, $0x9DC0;
	v0 =	vld [tilespmem:s15+$0x0];
	_ =	sdelay $0x2  }
0x1a: {  	v1 =	vld [tilespmem:s15+$0x2800]  }
.Ltmp0:
0x1b: {  	(pc) =	sbr.rel @p0 .LBB2_2-.Ltmp0, $2  }
0x1c: {  	_ =	sdelay $0x2  }
0x1d: {  	s15 =	sshra.s32 s14, $0x2;
	s14 =	sadd.s32 $0x40, s14;
	[tilespmem:v0+s8+$0x0] =	vst.idx.add.f32.msk $0xffff, v1  }
0x1e: {  	v0 =	vld [tilespmem:s15+$0x0];
	_ =	sdelay $0x2  }
0x1f: {  	v1 =	vld [tilespmem:s15+$0x2800];
	_ =	sdelay $0x2  }
0x20: {  	s13 =	sadd.s32 $0x1, s13  }
0x21: {  	p0 =	sne.s32 s13, s7  }
.Ltmp1:
0x22: {  	[tilespmem:v0+s8+$0x0] =	vst.idx.add.f32.msk $0xffff, v1;
	(pc) =	sbr.rel @p0 .LBB2_1-.Ltmp1, $4  }
0x23: {  	[hbm4b:s6+s11] =	stream.strided.scatter [tilespmem:s8], [sflag:$0x1], $0x2800, s12, s11, $0x38;
	[tilespmem:$0x7800] =	vst v63  }
0x24: {  	_ =	swait.ge [sflag:s9], $0x2800  }
0x25: {  	[sflag:s9] =	ssyncset.done $0x0  }
0x26: {  	[sflag:s9] =	ssyncadd.s32 $0xFFFFD800  }
0x27: {  	_ =	sfence.sel $0x180000  }
0x28: {  	[bflag:$0x0] =	sbarrier.arrive $0xFFFF  }
0x29: {  	p0 =	sne.s32 s1, $0x0;
	_ =	strace $0x9000004D  }
0x2a: {  	s0 =	sadd.s32 @!p0 $0x100000, s0;
	[bflag:$0x2] =	sbarrier.arrive $0xFFFF  }
0x2b: {  	[sflag:s0] =	ssyncadd.tile.s32 @!p0 $0x1;
	_ =	shalt  }
.Lfunc_end2:
_tile_overlayer_lowered:
.L_overlay_start_2:
0x2c: {  	(tag) =	ssettag $0x2  }
0x2d: {  	s0 =	rddreg [dreg:$0x0];
	s2 =	stileid.u32  }
0x2e: {  	s1 =	rddreg [dreg:$0x1];
	p0 =	sne.s32 s2, $0x0  }
0x2f: {  	s3 =	rddreg [dreg:$0x2];
	[bflag:$0x3] =	sbarrier.arrive $0xFFFF;
	s2 =	simm.s32 @!p0 $0x1C01  }
0x30: {  	[timem:s3], [sflag:s2] =	dma.local @!p0 [hbm:s0], s1  }
0x31: {  	s0 =	simm.s32 @!p0 $0x1  }
0x32: {  	_ =	swait.ge @!p0 [sflag:s0], s1  }
0x33: {  	s1 =	ssub.s32 @!p0 $0x0, s1;
	[sflag:s0] =	ssyncset.done @!p0 $0x0  }
0x34: {  	[sflag:s0] =	ssyncadd.s32 @!p0 s1  }
0x35: {  	[bflag:$0x3] =	sbarrier.arrive $0xFFFF  }
0x36: {  	_ =	shalt  }

// kernel: kernel.21.cloned.1.call-start
scs
__scs_entry_jumppad:
0x0: {  	(pc) =	sbr.rel $0x88, $3  }
0x1: {  	(tag) =	ssettag $0x0;
	lr =	simm.s32 $0x1  }
0x2: {  	[smem:$0x3F94] =	sst lr;
	_ =	strace $0xD0000000  }
0x3: {  	_ = 	snop  }
0x4: {  	_ = 	snop  }
0x5: {  	_ = 	snop  }
0x6: {  	_ = 	snop  }
0x7: {  	_ = 	snop  }
__scs_overlays_trampoline_lowered:
0x8: {  	[smem:$0x3FA3] =	sst s0  }
0x9: {  	[smem:$0x3FA4] =	sst s1  }
0xa: {  	[smem:$0x3FA5] =	sst s2  }
0xb: {  	[smem:$0x3FA6] =	sst s3  }
0xc: {  	[smem:$0x3FA7] =	sst s4  }
0xd: {  	[smem:$0x3FA8] =	sst s5  }
0xe: {  	[smem:$0x3FA9] =	sst s6  }
0xf: {  	[smem:$0x3FAA] =	sst s7  }
0x10: {  	[smem:$0x3FAB] =	sst s8  }
0x11: {  	[smem:$0x3FAC] =	sst s9;
	s0 =	simm.s32 @!p0 $0x0  }
0x12: {  	s1 =	sld [smem:$0x3F92];
	s0 =	simm.s32 @p0 $0x1  }
0x13: {  	[smem:$0x3FAD] =	sst s0;
	s0 =	simm.s32 @!p1 $0x0  }
0x14: {  	s2 =	sld [smem:$0x3F91];
	s0 =	simm.s32 @p1 $0x1  }
0x15: {  	[smem:$0x3FAE] =	sst s0;
	s0 =	simm.s32 @!p2 $0x0  }
0x16: {  	s3 =	sld [smem:$0x3FDB];
	s0 =	simm.s32 @p2 $0x1  }
0x17: {  	s4 =	simm.s32 $0x1BF5;
	[smem:$0x3FB0] =	sst s0  }
0x18: {  	s0 =	sld [smem:$0x3F93];
	_ =	swait.ge [sflag:s4], $0x0  }
0x19: {  	s7 =	sld [smem:$0x3F94]  }
0x1a: {  	s8 =	sadd.s32 $0xFFFFE003, lr  }
0x1b: {  	s9 =	sadd.s32 $0xFFFFFEF7, lr;
	s5 =	simm.s32 $0xFFFFFFFF;
	p2 =	slt.u32 s8, $0xFFFFF086  }
0x1c: {  	p1 =	slt.u32 s9, $0xF7A;
	s5 =	simm.s32 @!p2 $0x0  }
0x1d: {  	s5 =	simm.s32 @p1 $0x1;
	p0 =	seq.s32 s7, s2  }
0x1e: {  	s7 =	smul.u32 @!p0 $0xF7A, s2;
	p2 =	seq.s32 @!p0 s5, $0x0  }
0x1f: {  	s9 =	smul.u32 $0xF7A, s1;
	s8 =	simm.s32 @!p0 $0x1BF5;
	p2 =	por !p2, p0  }
0x20: {  	[sflag:s8] =	ssyncset.s32 @!p0 $0xFFFFF086;
	s6 =	sadd.s32 @!p0 s3, s7;
	s7 =	simm.s32 @!p0 $0x108  }
0x21: {  	s3 =	sadd.s32 s3, s9;
	s6 =	sadd.s32 @!p0 $0x88, s6;
	s7 =	simm.s32 @p2 $0x1082  }
0x22: {  	[simem:s7], [sflag:s8] =	dma.local @!p0 [hbm:s6], $0xF7A  }
0x23: {  	s9 =	sor.u32 $0xD0000000, s2;
	s6 =	simm.s32 $0x108;
	_ =	swait.ge @!p0 [sflag:s8], $0x0  }
0x24: {  	s3 =	sadd.s32 $0x88, s3;
	s6 =	simm.s32 @!p1 $0x1082;
	[sflag:s4] =	ssyncset.s32 $0xFFFFF086  }
0x25: {  	[simem:s6], [sflag:s4] =	dma.local [hbm:s3], $0xF7A  }
0x26: {  	[smem:$0x3F94] =	sst s1;
	(tag) =	ssettag s2;
	_ =	strace s9  }
0x27: {  	s1 =	sld [smem:$0x3FA4]  }
0x28: {  	s2 =	sld [smem:$0x3FA5]  }
0x29: {  	s4 =	sld [smem:$0x3FA7]  }
0x2a: {  	p0 =	seq.s32 s5, $0x0;
	s5 =	sld [smem:$0x3FA8]  }
0x2b: {  	s6 =	sld [smem:$0x3FA9]  }
0x2c: {  	s7 =	sld [smem:$0x3FAA]  }
0x2d: {  	s3 =	simm.s32 $0x108;
	s8 =	sld [smem:$0x3FAB]  }
0x2e: {  	s3 =	simm.s32 @!p0 $0x1082;
	s9 =	sld [smem:$0x3FAC]  }
0x2f: {  	lr =	sadd.s32 s0, s3;
	s0 =	sld [smem:$0x3FA3]  }
0x30: {  	s3 =	sld [smem:$0x3FA6]  }
0x31: {  	[smem:$0x3FAF] =	sst s10  }
0x32: {  	s10 =	sld [smem:$0x3FAD];
	_ =	sdelay $0x3  }
0x33: {  	p0 =	seq.s32 s10, $0x1;
	s10 =	sld [smem:$0x3FAF];
	_ =	sdelay $0x3  }
0x34: {  	[smem:$0x3FAF] =	sst s10  }
0x35: {  	s10 =	sld [smem:$0x3FAE];
	_ =	sdelay $0x3  }
0x36: {  	p1 =	seq.s32 s10, $0x1;
	s10 =	sld [smem:$0x3FAF];
	_ =	sdelay $0x3  }
0x37: {  	[smem:$0x3FAF] =	sst s10  }
0x38: {  	s10 =	sld [smem:$0x3FB0]  }
0x39: {  	_ = 	snop;
	(pc) =	sbr.ind lr, $3  }
0x3a: {  	_ = 	snop  }
0x3b: {  	_ = 	snop  }
0x3c: {  	p2 =	seq.s32 s10, $0x1;
	s10 =	sld [smem:$0x3FAF]  }
0x3d: {  	_ =	shalt  }
0x3e: {  	_ =	shalt  }
0x3f: {  	_ =	shalt  }
0x40: {  	_ =	shalt  }
0x41: {  	_ =	shalt  }
0x42: {  	_ =	shalt  }
0x43: {  	_ =	shalt  }
0x44: {  	_ =	shalt  }
0x45: {  	_ =	shalt  }
0x46: {  	_ =	shalt  }
0x47: {  	_ =	shalt  }
0x48: {  	_ =	shalt  }
0x49: {  	_ =	shalt  }
0x4a: {  	_ =	shalt  }
0x4b: {  	_ =	shalt  }
0x4c: {  	_ =	shalt  }
0x4d: {  	_ =	shalt  }
0x4e: {  	_ =	shalt  }
0x4f: {  	_ =	shalt  }
0x50: {  	_ =	shalt  }
0x51: {  	_ =	shalt  }
0x52: {  	_ =	shalt  }
0x53: {  	_ =	shalt  }
0x54: {  	_ =	shalt  }
0x55: {  	_ =	shalt  }
0x56: {  	_ =	shalt  }
0x57: {  	_ =	shalt  }
0x58: {  	_ =	shalt  }
0x59: {  	_ =	shalt  }
0x5a: {  	_ =	shalt  }
0x5b: {  	_ =	shalt  }
0x5c: {  	_ =	shalt  }
0x5d: {  	_ =	shalt  }
0x5e: {  	_ =	shalt  }
0x5f: {  	_ =	shalt  }
0x60: {  	_ =	shalt  }
0x61: {  	_ =	shalt  }
0x62: {  	_ =	shalt  }
0x63: {  	_ =	shalt  }
0x64: {  	_ =	shalt  }
0x65: {  	_ =	shalt  }
0x66: {  	_ =	shalt  }
0x67: {  	_ =	shalt  }
0x68: {  	_ =	shalt  }
0x69: {  	_ =	shalt  }
0x6a: {  	_ =	shalt  }
0x6b: {  	_ =	shalt  }
0x6c: {  	_ =	shalt  }
0x6d: {  	_ =	shalt  }
0x6e: {  	_ =	shalt  }
0x6f: {  	_ =	shalt  }
0x70: {  	_ =	shalt  }
0x71: {  	_ =	shalt  }
0x72: {  	_ =	shalt  }
0x73: {  	_ =	shalt  }
0x74: {  	_ =	shalt  }
0x75: {  	_ =	shalt  }
0x76: {  	_ =	shalt  }
0x77: {  	_ =	shalt  }
0x78: {  	_ =	shalt  }
0x79: {  	_ =	shalt  }
0x7a: {  	_ =	shalt  }
0x7b: {  	_ =	shalt  }
0x7c: {  	_ =	shalt  }
0x7d: {  	_ =	shalt  }
0x7e: {  	_ =	shalt  }
0x7f: {  	_ =	shalt  }
0x80: {  	_ =	shalt  }
0x81: {  	_ =	shalt  }
0x82: {  	_ =	shalt  }
0x83: {  	_ =	shalt  }
0x84: {  	_ =	shalt  }
0x85: {  	_ =	shalt  }
0x86: {  	_ =	shalt  }
0x87: {  	_ =	shalt  }
.Lfunc_end0:
.L_simem_size_0:
called_computation.3_lowered:
.L_overlay_start_0:
0x88: {  	s2 =	sld [smem:$0x3FD9]  }
0x89: {  	s3 =	sld [smem:$0x3FFE];
	_ =	sdelay $0x1  }
0x8a: {  	s1 =	srdreg.scid  }
0x8b: {  	s0 =	sand.u32 $0x1, s1  }
0x8c: {  	s16 =	sshll.u32 s0, $0xA;
	s2 =	sadd.s32 s3, s2  }
0x8d: {  	s2 =	sadd.s32 s2, s16  }
0x8e: {  	[smem:$0x3FBB] =	sst s2  }
0x8f: {  	_ = 	snop  }
0x90: {  	(tm) =	ssettm $0x1  }
0x91: {  	s17 =	sld [smem:$0x3FFB];
	_ =	sdelay $0x3  }
0x92: {  	_ =	strace s17  }
0x93: {  	s2 =	sld [smem:$0x3FFC];
	_ =	sdelay $0x3  }
0x94: {  	_ =	strace s2  }
0x95: {  	s2 =	sld [smem:$0x3FFD];
	_ =	sdelay $0x3  }
0x96: {  	_ =	strace s2  }
0x97: {  	_ =	strace $0x8FFFFFFF  }
0x98: {  	s18 =	sld [smem:$0x3FDB];
	_ =	sdelay $0x1  }
0x99: {  	s19 =	simm.s32 $_scs_section_size  }
0x9a: {  	s4 =	simm.s32 $_size__tile_overlayer_lowered;
	s5 =	simm.s32 $_tile_overlayer_lowered  }
0x9b: {  	s22 =	simm.s32 $0x1BFF;
	s21 =	sshll.u32 s5, $0x1;
	s2 =	sadd.s32 s19, s18  }
0x9c: {  	s6 =	simm.s32 $0x0;
	s20 =	sshll.u32 s4, $0x1;
	s4 =	sadd.s32 s21, s2  }
0x9d: {  	[timem:s6], [sflag:s22] =	dma.local [hbm:s4], s20  }
0x9e: {  	_ =	swait.ge [sflag:s22], s20  }
0x9f: {  	s3 =	ssub.s32 $0x0, s20;
	[sflag:s22] =	ssyncset.done $0x0  }
0xa0: {  	[sflag:s22] =	ssyncadd.s32 s3;
	_ =	sdelay $0x1  }
0xa1: {  	s23 =	simm.s32 $0x1B8B  }
0xa2: {  	_ =	swait.ge [sflag:s23], $0x1  }
0xa3: {  	[sflag:s23] =	ssyncset.done $0x0  }
0xa4: {  	s25 =	simm.s32 $0x1B8E;
	s24 =	sld [smem:$0x3FFE];
	[sflag:s23] =	ssyncadd.s32 $0xFFFFFFFF  }
0xa5: {  	s26 =	simm.s32 $execute0_lowered;
	[smem:$0x3FD2] =	sst s25  }
0xa6: {  	s4 =	sshll.u32 s26, $0x1;
	_ =	strace $0x8000004F;
	[dreg:$0x1] =	wrdreg $0xFFFFFFFF  }
0xa7: {  	s28 =	simm.s32 $_size_execute0_lowered;
	s2 =	sadd.s32 s2, s4;
	[dreg:$0x0] =	wrdreg $0x0  }
0xa8: {  	s4 =	sshll.u32 s28, $0x1;
	[dreg:$0x2] =	wrdreg s2  }
0xa9: {  	[dreg:$0x3] =	wrdreg s4  }
0xaa: {  	[dreg:$0x4] =	wrdreg $0xC0  }
0xab: {  	_ =	task [dreg:s6], $0x5FFFF  }
0xac: {  	[dreg:$0x1] =	wrdreg $0xFFFFFFFF  }
0xad: {  	[dreg:$0x0] =	wrdreg $0x60  }
0xae: {  	[dreg:$0x2] =	wrdreg s24  }
0xaf: {  	[dreg:$0x3] =	wrdreg $0xB7800  }
0xb0: {  	[dreg:$0x4] =	wrdreg $0x9  }
0xb1: {  	_ =	task.clear_ibuf [dreg:s6], $0x5FFFF;
	_ =	strace $0x9000004F  }
0xb2: {  	s29 =	simm.s32 $0x9;
	_ =	strace $0x80000051  }
0xb3: {  	_ =	swait.ge [sflag:s29], $0x1  }
0xb4: {  	[sflag:s29] =	ssyncadd.s32 $0xFFFFFFFF  }
0xb5: {  	_ =	strace $0x90000051  }
0xb6: {  	_ =	sfence  }
0xb7: {  	s30 =	sld [smem:$0x0];
	_ =	sdelay $0x2  }
0xb8: {  	s31 =	sshll.u32 s1, $0xD;
	s1 =	sshrl.u32 s1, $0x2  }
0xb9: {  	s3 =	sand.u32 $0x4000, s31;
	s1 =	sadd.s32 s1, s30  }
0xba: {  	s0 =	sor.u32 s3, s0;
	s1 =	sshll.u32 s1, $0x11  }
0xbb: {  	s0 =	sor.u32 s1, s0  }
0xbc: {  	s0 =	sadd.s32 $0x8F2B, s0  }
0xbd: {  	[sflag:s0] =	ssyncadd.remote.s32 $0x1  }
0xbe: {  	_ =	sfence.sel $0xFFFF  }
0xbf: {  	[dreg:$0x0] =	wrdreg $0xFFFFFFFF;
	(pc) =	sbr.abs _section_cstart, $3  }
0xc0: {  	[dreg:$0x1] =	wrdreg $0xFFFFFFFF  }
0xc1: {  	_ =	task.clear_ibuf [dreg:s6], $0x2FFFF;
	_ =	strace $0x9FFFFFFF  }
0xc2: {  	(tm) =	ssettm $0x7FFFFFFF  }
0xc3: {  	_ =	shalt  }
tec
execute0_lowered:
.L_overlay_start_1:
0x0: {  	(tag) =	ssettag $0x1  }
0x1: {  	s6 =	rddreg [dreg:$0x0]  }
0x2: {  	s0 =	srdreg.scid;
	s2 =	rddreg [dreg:$0x1]  }
0x3: {  	s3 =	simm.s32 $0x0;
	s15 =	simm.s32 $0x80;
	s16 =	simm.s32 $0x400  }
0x4: {  	s17 =	simm.s32 $0x5000;
	s18 =	simm.s32 $0x7780;
	s19 =	simm.s32 $0x1  }
0x5: {  	s20 =	simm.s32 $0x0;
	s5 =	sand.u32 $0x1, s0;
	s0 =	stileid.u32  }
0x6: {  	[smem:$0x7FF] =	sst s3;
	s1 =	sshll.u32 s5, $0x4;
	s25 =	smul.u32 $0x14000, s0  }
0x7: {  	s8 =	sshll.u32 s0, $0x7;
	s28 =	smul.u32 $0x140000, s5;
	s5 =	ssub.s32 $0x2, s5  }
0x8: {  	s29 =	smul.u32 $0x50000, s0;
	s31 =	sshll.u32 s0, $0x6;
	s4 =	sor.u32 s0, s1  }
0x9: {  	s1 =	rddreg [dreg:$0x2];
	s8 =	sand.u32 $0x380, s8;
	_ =	strace $0x80000050  }
0xa: {  	s12 =	sshrl.u32 s5, $0x1;
	s7 =	sshrl.u32 s4, $0x3;
	s4 =	smul.u32 $0x500, s4  }
0xb: {  	s11 =	sshrl.u32 s25, $0x3;
	s12 =	ssub.s32 s5, s12;
	s30 =	sshrl.u32 s29, $0x2  }
0xc: {  	s7 =	smul.u32 $0x13C00, s7;
	s11 =	sadd.s32 s11, s6;
	s14 =	sadd.s32 s30, s2  }
0xd: {  	s9 =	sadd.s32 s4, s6;
	s4 =	sadd.s32 $0x3FC00, s6;
	s5 =	sadd.s32 $0x67C00, s11  }
0xe: {  	s11 =	smax.u32 s12, $0x1;
	s12 =	sshrl.u32 s14, $0x3;
	s7 =	sor.u32 s8, s7  }
0xf: {  	s14 =	simm.s32 $0x2800;
	s26 =	sshrl.u32 s7, $0x3;
	s7 =	sadd.s32 s25, s28  }
0x10: {  	s8 =	sadd.s32 $0x2BC00, s9;
	s10 =	sadd.s32 s26, s6;
	s7 =	sshrl.u32 s7, $0x3  }
0x11: {  	s13 =	sadd.s32 s7, s6;
	s6 =	sor.u32 $0x1C02, s31;
	s7 =	sadd.s32 $0x35C00, s9  }
0x12: {  	s9 =	sadd.s32 $0x17C00, s10;
	s10 =	sadd.s32 $0x8FC00, s13;
	s13 =	simm.s32 $0x2  }
.LBB2_1:
0x13: {  	[spmem:s12], [sflag:s6] =	dma.local [hbm:s5], $0x2800  }
0x14: {  	_ =	swait.ge [sflag:s13], $0x2800  }
0x15: {  	[sflag:s13] =	ssyncset.done $0x0  }
0x16: {  	[sflag:s13] =	ssyncadd.s32 $0xFFFFD800  }
0x17: {  	[tilespmem:s3], [sflag:$0x2] =	stream.linear.gather [hbm4b:s7+s3], $0x2780, $0x38;
	[tilespmem:$0x1F780] =	vst v63  }
0x18: {  	_ =	swait.ge [sflag:s13], $0x2780  }
0x19: {  	[sflag:s13] =	ssyncset.done $0x0  }
0x1a: {  	[sflag:s13] =	ssyncadd.s32 $0xFFFFD880  }
0x1b: {  	[tilespmem:s14], [sflag:$0x2] =	stream.linear.gather [hbm4b:s8+s3], $0x2780, $0x38;
	[tilespmem:$0x1F780] =	vst v63  }
0x1c: {  	_ =	swait.ge [sflag:s13], $0x2780  }
0x1d: {  	[sflag:s13] =	ssyncset.done $0x0  }
0x1e: {  	[sflag:s13] =	ssyncadd.s32 $0xFFFFD880  }
0x1f: {  	[tilespmem:s17], [sflag:$0x2] =	stream.strided.gather [hbm4b:s9+s15], $0x2780, s16, s15, $0x38;
	[tilespmem:$0x1F780] =	vst v63  }
0x20: {  	_ =	swait.ge [sflag:s13], $0x2780  }
0x21: {  	[sflag:s13] =	ssyncset.done $0x0  }
0x22: {  	[sflag:s13] =	ssyncadd.s32 $0xFFFFD880  }
0x23: {  	s21 =	simm.s32 $0x0;
	s22 =	simm.s32 $0x0;
	[bflag:$0x0] =	sbarrier.arrive $0xFFFF  }
.LBB2_2:
0x24: {  	s24 =	sadd.s32 $0x0, s21  }
0x25: {  	s23 =	sshll.u32 s22, $0x7;
	v0 =	vmov s24  }
0x26: {  	[tilespmem:s18], [sflag:$0x1] =	stream.indirect.gather [hbm4b:s4+s15], $0x80, s23, s15, $0xb8;
	[tilespmem:$0x1F780] =	vst v63  }
0x27: {  	_ =	swait.ge [sflag:s19], $0x4000  }
0x28: {  	[sflag:s19] =	ssyncset.done $0x0  }
0x29: {  	[sflag:s19] =	ssyncadd.s32 $0xFFFFC000  }
0x2a: {  	s25 =	simm.s32 $0x77C0;
	v1 =	vld.idx.msk [tilespmem:v0+s17+$0x0], $0xffff  }
0x2b: {  	v0 =	vld [tilespmem:s25+$0x30]  }
0x2c: {  	v2 =	vld [tilespmem:s25+$0xFFFFFFC0]  }
0x2d: {  	s31 =	sadd.s32 $0x1, s21;
	v3 =	vld [tilespmem:s25+$0xFFFFFFD0]  }
0x2e: {  	v5 =	vmov s31;
	v6 =	vld [tilespmem:s25+$0xFFFFFFF0]  }
0x2f: {  	v4 =	vld [tilespmem:s25+$0xFFFFFFE0]  }
0x30: {  	v7 =	vld [tilespmem:s25+$0x0];
	v0 =	vmul.f32 v0, v1  }
0x31: {  	v8 =	vld [tilespmem:s25+$0x10];
	v9 =	vmul.f32 v2, v1  }
0x32: {  	v2 =	vld [tilespmem:s25+$0x20];
	v3 =	vmul.f32 v3, v1;
	[tilespmem:s25+$0x30] =	vst v0  }
0x33: {  	s24 =	simm.s32 $0x7840;
	v63 =	vmul.f32 v6, v1;
	v0 =	vld.idx.msk [tilespmem:v5+s17+$0x0], $0xffff;
	[tilespmem:s25+$0xFFFFFFC0] =	vst v9  }
0x34: {  	v5 =	vmul.f32 v4, v1;
	v4 =	vld [tilespmem:s24+$0x30];
	[tilespmem:s25+$0xFFFFFFD0] =	vst v3  }
0x35: {  	v6 =	vmul.f32 v7, v1;
	v3 =	vld [tilespmem:s24+$0xFFFFFFC0];
	[tilespmem:s25+$0xFFFFFFF0] =	vst v63  }
0x36: {  	s28 =	sadd.s32 $0x2, s21;
	s26 =	simm.s32 $0x3;
	v7 =	vmul.f32 v8, v1;
	[tilespmem:s25+$0xFFFFFFE0] =	vst v5;
	v5 =	vld [tilespmem:s24+$0xFFFFFFD0]  }
.LBB2_3:
0x37: {  	p0 =	sne.s32 s26, $0x7F;
	v8 =	vmov s28;
	v9 =	vld [tilespmem:s24+$0xFFFFFFE0];
	[tilespmem:s25+$0x0] =	vst v6;
	v2 =	vmul.f32 v2, v1  }
0x38: {  	v6 =	vld [tilespmem:s24+$0xFFFFFFF0];
	[tilespmem:s25+$0x10] =	vst v7  }
0x39: {  	v1 =	vmov v0;
	v7 =	vld [tilespmem:s24+$0x0];
	v4 =	vmul.f32 v4, v0;
	[tilespmem:s25+$0x20] =	vst v2;
	s25 =	smov.u32 s24  }
0x3a: {  	v3 =	vmul.f32 v3, v1;
	v10 =	vld [tilespmem:s24+$0x10]  }
.Ltmp0:
0x3b: {  	v5 =	vmul.f32 v5, v1;
	v2 =	vld [tilespmem:s24+$0x20];
	[tilespmem:s24+$0x30] =	vst v4;
	(pc) =	sbr.rel @p0 .LBB2_3-.Ltmp0, $4  }
0x3c: {  	s24 =	sadd.s32 $0x80, s24;
	v0 =	vld.idx.msk [tilespmem:v8+s17+$0x0], $0xffff;
	[tilespmem:s25+$0xFFFFFFC0] =	vst v3;
	v8 =	vmul.f32 v9, v1  }
0x3d: {  	v4 =	vld [tilespmem:s24+$0x30];
	[tilespmem:s25+$0xFFFFFFD0] =	vst v5;
	v9 =	vmul.f32 v6, v1  }
0x3e: {  	v3 =	vld [tilespmem:s24+$0xFFFFFFC0];
	[tilespmem:s25+$0xFFFFFFE0] =	vst v8;
	v6 =	vmul.f32 v7, v1  }
0x3f: {  	s28 =	sadd.s32 s26, s21;
	s26 =	sadd.s32 $0x1, s26;
	v5 =	vld [tilespmem:s24+$0xFFFFFFD0];
	[tilespmem:s25+$0xFFFFFFF0] =	vst v9;
	v7 =	vmul.f32 v10, v1  }
0x40: {  	v9 =	vld [tilespmem:s24+$0xFFFFFFE0]  }
0x41: {  	v8 =	vmov s28;
	v10 =	vld [tilespmem:s24+$0xFFFFFFF0]  }
0x42: {  	[tilespmem:s25+$0x0] =	vst v6;
	v1 =	vmul.f32 v2, v1;
	v40 =	vld [tilespmem:s24+$0x0]  }
0x43: {  	v41 =	vld [tilespmem:s24+$0x10];
	[tilespmem:s25+$0x10] =	vst v7;
	v4 =	vmul.f32 v4, v0  }
0x44: {  	v43 =	vld [tilespmem:s24+$0x20];
	s31 =	sadd.s32 $0x80, s24;
	[tilespmem:s25+$0x20] =	vst v1;
	v42 =	vmul.f32 v3, v0  }
0x45: {  	v46 =	vld [tilespmem:s31+$0x30];
	v5 =	vmul.f32 v5, v0;
	[tilespmem:s24+$0x30] =	vst v4  }
0x46: {  	v44 =	vld.idx.msk [tilespmem:v8+s17+$0x0], $0xffff;
	[tilespmem:s24+$0xFFFFFFC0] =	vst v42;
	v45 =	vmul.f32 v9, v0  }
0x47: {  	v48 =	vld [tilespmem:s31+$0xFFFFFFC0];
	v47 =	vmul.f32 v10, v0;
	[tilespmem:s24+$0xFFFFFFD0] =	vst v5  }
0x48: {  	v50 =	vld [tilespmem:s31+$0xFFFFFFD0];
	v49 =	vmul.f32 v40, v0;
	[tilespmem:s24+$0xFFFFFFE0] =	vst v45  }
0x49: {  	v52 =	vld [tilespmem:s31+$0xFFFFFFE0];
	v51 =	vmul.f32 v41, v0;
	[tilespmem:s24+$0xFFFFFFF0] =	vst v47  }
0x4a: {  	v54 =	vld [tilespmem:s31+$0xFFFFFFF0];
	v53 =	vmul.f32 v43, v0;
	[tilespmem:s24+$0x0] =	vst v49  }
0x4b: {  	v55 =	vld [tilespmem:s31+$0x0];
	[tilespmem:s24+$0x10] =	vst v51;
	v56 =	vmul.f32 v46, v44  }
0x4c: {  	v58 =	vld [tilespmem:s31+$0x10];
	[tilespmem:s24+$0x20] =	vst v53;
	v57 =	vmul.f32 v48, v44  }
0x4d: {  	v59 =	vld [tilespmem:s31+$0x20];
	v2 =	vmul.f32 v50, v44;
	[tilespmem:s31+$0x30] =	vst v56  }
0x4e: {  	v60 =	vmul.f32 v52, v44;
	[tilespmem:s31+$0xFFFFFFC0] =	vst v57  }
0x4f: {  	v1 =	vmul.f32 v54, v44;
	[tilespmem:s31+$0xFFFFFFD0] =	vst v2  }
0x50: {  	v61 =	vmul.f32 v55, v44;
	[tilespmem:s31+$0xFFFFFFE0] =	vst v60  }
0x51: {  	v62 =	vmul.f32 v58, v44;
	[tilespmem:s31+$0xFFFFFFF0] =	vst v1  }
0x52: {  	s22 =	sadd.s32 $0x1, s22;
	v63 =	vmul.f32 v59, v44;
	[tilespmem:s31+$0x0] =	vst v61  }
0x53: {  	p0 =	sne.s32 s22, $0x4F;
	[tilespmem:s31+$0x10] =	vst v62  }
.Ltmp1:
0x54: {  	s23 =	sadd.s32 $0x2800, s23;
	[tilespmem:s31+$0x20] =	vst v63;
	(pc) =	sbr.rel @p0 .LBB2_2-.Ltmp1, $4  }
0x55: {  	[spmem:s2] =	stream.indirect.scatter.add.f32 [tilespmem:s18], [sflag:$0x2], $0x80, s23, s15, $0xb8;
	[tilespmem:$0x1F780] =	vst v63  }
0x56: {  	_ =	swait.ge [sflag:s13], $0x4000  }
0x57: {  	[sflag:s13] =	ssyncset.done $0x0  }
0x58: {  	s21 =	sadd.s32 $0x80, s21;
	[sflag:s13] =	ssyncadd.s32 $0xFFFFC000  }
0x59: {  	s20 =	sadd.s32 $0x1, s20  }
0x5a: {  	p0 =	sne.s32 s20, s11  }
.Ltmp2:
0x5b: {  	[bflag:$0x0] =	sbarrier.arrive $0xFFFF;
	(pc) =	sbr.rel @p0 .LBB2_1-.Ltmp2, $4  }
0x5c: {  	[hbm:s10], [sflag:s6] =	dma.local [spmem:s12], $0x2800  }
0x5d: {  	_ =	swait.ge [sflag:s13], $0x2800  }
0x5e: {  	[sflag:s13] =	ssyncset.done $0x0  }
0x5f: {  	[sflag:s13] =	ssyncadd.s32 $0xFFFFD800  }
0x60: {  	_ =	sfence.sel $0x180000  }
0x61: {  	[bflag:$0x0] =	sbarrier.arrive $0xFFFF  }
0x62: {  	p0 =	sne.s32 s0, $0x0;
	_ =	strace $0x90000050  }
0x63: {  	s0 =	sadd.s32 @!p0 $0x100000, s1;
	[bflag:$0x2] =	sbarrier.arrive $0xFFFF  }
0x64: {  	[sflag:s0] =	ssyncadd.tile.s32 @!p0 $0x1;
	_ =	shalt  }
.Lfunc_end2:
_tile_overlayer_lowered:
.L_overlay_start_2:
0x65: {  	(tag) =	ssettag $0x2  }
0x66: {  	s0 =	rddreg [dreg:$0x0];
	s2 =	stileid.u32  }
0x67: {  	s1 =	rddreg [dreg:$0x1];
	p0 =	sne.s32 s2, $0x0  }
0x68: {  	s3 =	rddreg [dreg:$0x2];
	[bflag:$0x3] =	sbarrier.arrive $0xFFFF;
	s2 =	simm.s32 @!p0 $0x1C02  }
0x69: {  	[timem:s3], [sflag:s2] =	dma.local @!p0 [hbm:s0], s1  }
0x6a: {  	s0 =	simm.s32 @!p0 $0x2  }
0x6b: {  	_ =	swait.ge @!p0 [sflag:s0], s1  }
0x6c: {  	s1 =	ssub.s32 @!p0 $0x0, s1;
	[sflag:s0] =	ssyncset.done @!p0 $0x0  }
0x6d: {  	[sflag:s0] =	ssyncadd.s32 @!p0 s1  }
0x6e: {  	[bflag:$0x3] =	sbarrier.arrive $0xFFFF  }
0x6f: {  	_ =	shalt  }

// kernel: kernel.24.cloned.1.call-start
scs
__scs_entry_jumppad:
0x0: {  	(pc) =	sbr.rel $0x88, $3  }
0x1: {  	(tag) =	ssettag $0x0;
	lr =	simm.s32 $0x1  }
0x2: {  	[smem:$0x3F94] =	sst lr;
	_ =	strace $0xD0000000  }
0x3: {  	_ = 	snop  }
0x4: {  	_ = 	snop  }
0x5: {  	_ = 	snop  }
0x6: {  	_ = 	snop  }
0x7: {  	_ = 	snop  }
__scs_overlays_trampoline_lowered:
0x8: {  	[smem:$0x3FA3] =	sst s0  }
0x9: {  	[smem:$0x3FA4] =	sst s1  }
0xa: {  	[smem:$0x3FA5] =	sst s2  }
0xb: {  	[smem:$0x3FA6] =	sst s3  }
0xc: {  	[smem:$0x3FA7] =	sst s4  }
0xd: {  	[smem:$0x3FA8] =	sst s5  }
0xe: {  	[smem:$0x3FA9] =	sst s6  }
0xf: {  	[smem:$0x3FAA] =	sst s7  }
0x10: {  	[smem:$0x3FAB] =	sst s8  }
0x11: {  	[smem:$0x3FAC] =	sst s9;
	s0 =	simm.s32 @!p0 $0x0  }
0x12: {  	s1 =	sld [smem:$0x3F92];
	s0 =	simm.s32 @p0 $0x1  }
0x13: {  	[smem:$0x3FAD] =	sst s0;
	s0 =	simm.s32 @!p1 $0x0  }
0x14: {  	s2 =	sld [smem:$0x3F91];
	s0 =	simm.s32 @p1 $0x1  }
0x15: {  	[smem:$0x3FAE] =	sst s0;
	s0 =	simm.s32 @!p2 $0x0  }
0x16: {  	s3 =	sld [smem:$0x3FDB];
	s0 =	simm.s32 @p2 $0x1  }
0x17: {  	s4 =	simm.s32 $0x1BF5;
	[smem:$0x3FB0] =	sst s0  }
0x18: {  	s0 =	sld [smem:$0x3F93];
	_ =	swait.ge [sflag:s4], $0x0  }
0x19: {  	s7 =	sld [smem:$0x3F94]  }
0x1a: {  	s8 =	sadd.s32 $0xFFFFE003, lr  }
0x1b: {  	s9 =	sadd.s32 $0xFFFFFEF7, lr;
	s5 =	simm.s32 $0xFFFFFFFF;
	p2 =	slt.u32 s8, $0xFFFFF086  }
0x1c: {  	p1 =	slt.u32 s9, $0xF7A;
	s5 =	simm.s32 @!p2 $0x0  }
0x1d: {  	s5 =	simm.s32 @p1 $0x1;
	p0 =	seq.s32 s7, s2  }
0x1e: {  	s7 =	smul.u32 @!p0 $0xF7A, s2;
	p2 =	seq.s32 @!p0 s5, $0x0  }
0x1f: {  	s9 =	smul.u32 $0xF7A, s1;
	s8 =	simm.s32 @!p0 $0x1BF5;
	p2 =	por !p2, p0  }
0x20: {  	[sflag:s8] =	ssyncset.s32 @!p0 $0xFFFFF086;
	s6 =	sadd.s32 @!p0 s3, s7;
	s7 =	simm.s32 @!p0 $0x108  }
0x21: {  	s3 =	sadd.s32 s3, s9;
	s6 =	sadd.s32 @!p0 $0x88, s6;
	s7 =	simm.s32 @p2 $0x1082  }
0x22: {  	[simem:s7], [sflag:s8] =	dma.local @!p0 [hbm:s6], $0xF7A  }
0x23: {  	s9 =	sor.u32 $0xD0000000, s2;
	s6 =	simm.s32 $0x108;
	_ =	swait.ge @!p0 [sflag:s8], $0x0  }
0x24: {  	s3 =	sadd.s32 $0x88, s3;
	s6 =	simm.s32 @!p1 $0x1082;
	[sflag:s4] =	ssyncset.s32 $0xFFFFF086  }
0x25: {  	[simem:s6], [sflag:s4] =	dma.local [hbm:s3], $0xF7A  }
0x26: {  	[smem:$0x3F94] =	sst s1;
	(tag) =	ssettag s2;
	_ =	strace s9  }
0x27: {  	s1 =	sld [smem:$0x3FA4]  }
0x28: {  	s2 =	sld [smem:$0x3FA5]  }
0x29: {  	s4 =	sld [smem:$0x3FA7]  }
0x2a: {  	p0 =	seq.s32 s5, $0x0;
	s5 =	sld [smem:$0x3FA8]  }
0x2b: {  	s6 =	sld [smem:$0x3FA9]  }
0x2c: {  	s7 =	sld [smem:$0x3FAA]  }
0x2d: {  	s3 =	simm.s32 $0x108;
	s8 =	sld [smem:$0x3FAB]  }
0x2e: {  	s3 =	simm.s32 @!p0 $0x1082;
	s9 =	sld [smem:$0x3FAC]  }
0x2f: {  	lr =	sadd.s32 s0, s3;
	s0 =	sld [smem:$0x3FA3]  }
0x30: {  	s3 =	sld [smem:$0x3FA6]  }
0x31: {  	[smem:$0x3FAF] =	sst s10  }
0x32: {  	s10 =	sld [smem:$0x3FAD];
	_ =	sdelay $0x3  }
0x33: {  	p0 =	seq.s32 s10, $0x1;
	s10 =	sld [smem:$0x3FAF];
	_ =	sdelay $0x3  }
0x34: {  	[smem:$0x3FAF] =	sst s10  }
0x35: {  	s10 =	sld [smem:$0x3FAE];
	_ =	sdelay $0x3  }
0x36: {  	p1 =	seq.s32 s10, $0x1;
	s10 =	sld [smem:$0x3FAF];
	_ =	sdelay $0x3  }
0x37: {  	[smem:$0x3FAF] =	sst s10  }
0x38: {  	s10 =	sld [smem:$0x3FB0]  }
0x39: {  	_ = 	snop;
	(pc) =	sbr.ind lr, $3  }
0x3a: {  	_ = 	snop  }
0x3b: {  	_ = 	snop  }
0x3c: {  	p2 =	seq.s32 s10, $0x1;
	s10 =	sld [smem:$0x3FAF]  }
0x3d: {  	_ =	shalt  }
0x3e: {  	_ =	shalt  }
0x3f: {  	_ =	shalt  }
0x40: {  	_ =	shalt  }
0x41: {  	_ =	shalt  }
0x42: {  	_ =	shalt  }
0x43: {  	_ =	shalt  }
0x44: {  	_ =	shalt  }
0x45: {  	_ =	shalt  }
0x46: {  	_ =	shalt  }
0x47: {  	_ =	shalt  }
0x48: {  	_ =	shalt  }
0x49: {  	_ =	shalt  }
0x4a: {  	_ =	shalt  }
0x4b: {  	_ =	shalt  }
0x4c: {  	_ =	shalt  }
0x4d: {  	_ =	shalt  }
0x4e: {  	_ =	shalt  }
0x4f: {  	_ =	shalt  }
0x50: {  	_ =	shalt  }
0x51: {  	_ =	shalt  }
0x52: {  	_ =	shalt  }
0x53: {  	_ =	shalt  }
0x54: {  	_ =	shalt  }
0x55: {  	_ =	shalt  }
0x56: {  	_ =	shalt  }
0x57: {  	_ =	shalt  }
0x58: {  	_ =	shalt  }
0x59: {  	_ =	shalt  }
0x5a: {  	_ =	shalt  }
0x5b: {  	_ =	shalt  }
0x5c: {  	_ =	shalt  }
0x5d: {  	_ =	shalt  }
0x5e: {  	_ =	shalt  }
0x5f: {  	_ =	shalt  }
0x60: {  	_ =	shalt  }
0x61: {  	_ =	shalt  }
0x62: {  	_ =	shalt  }
0x63: {  	_ =	shalt  }
0x64: {  	_ =	shalt  }
0x65: {  	_ =	shalt  }
0x66: {  	_ =	shalt  }
0x67: {  	_ =	shalt  }
0x68: {  	_ =	shalt  }
0x69: {  	_ =	shalt  }
0x6a: {  	_ =	shalt  }
0x6b: {  	_ =	shalt  }
0x6c: {  	_ =	shalt  }
0x6d: {  	_ =	shalt  }
0x6e: {  	_ =	shalt  }
0x6f: {  	_ =	shalt  }
0x70: {  	_ =	shalt  }
0x71: {  	_ =	shalt  }
0x72: {  	_ =	shalt  }
0x73: {  	_ =	shalt  }
0x74: {  	_ =	shalt  }
0x75: {  	_ =	shalt  }
0x76: {  	_ =	shalt  }
0x77: {  	_ =	shalt  }
0x78: {  	_ =	shalt  }
0x79: {  	_ =	shalt  }
0x7a: {  	_ =	shalt  }
0x7b: {  	_ =	shalt  }
0x7c: {  	_ =	shalt  }
0x7d: {  	_ =	shalt  }
0x7e: {  	_ =	shalt  }
0x7f: {  	_ =	shalt  }
0x80: {  	_ =	shalt  }
0x81: {  	_ =	shalt  }
0x82: {  	_ =	shalt  }
0x83: {  	_ =	shalt  }
0x84: {  	_ =	shalt  }
0x85: {  	_ =	shalt  }
0x86: {  	_ =	shalt  }
0x87: {  	_ =	shalt  }
.Lfunc_end0:
.L_simem_size_0:
called_computation.4_lowered:
.L_overlay_start_0:
0x88: {  	s2 =	sld [smem:$0x3FD9]  }
0x89: {  	s3 =	sld [smem:$0x3FFE];
	_ =	sdelay $0x1  }
0x8a: {  	s1 =	srdreg.scid  }
0x8b: {  	s0 =	sand.u32 $0x1, s1  }
0x8c: {  	s16 =	sshll.u32 s0, $0xA;
	s2 =	sadd.s32 s3, s2  }
0x8d: {  	s2 =	sadd.s32 s2, s16  }
0x8e: {  	[smem:$0x3FBB] =	sst s2  }
0x8f: {  	_ = 	snop  }
0x90: {  	(tm) =	ssettm $0x1  }
0x91: {  	s17 =	sld [smem:$0x3FFB];
	_ =	sdelay $0x3  }
0x92: {  	_ =	strace s17  }
0x93: {  	s2 =	sld [smem:$0x3FFC];
	_ =	sdelay $0x3  }
0x94: {  	_ =	strace s2  }
0x95: {  	s2 =	sld [smem:$0x3FFD];
	_ =	sdelay $0x3  }
0x96: {  	_ =	strace s2  }
0x97: {  	_ =	strace $0x8FFFFFFF  }
0x98: {  	s18 =	sld [smem:$0x3FDB];
	_ =	sdelay $0x1  }
0x99: {  	s19 =	simm.s32 $_scs_section_size  }
0x9a: {  	s4 =	simm.s32 $_size__tile_overlayer_lowered;
	s5 =	simm.s32 $_tile_overlayer_lowered  }
0x9b: {  	s22 =	simm.s32 $0x1BFF;
	s21 =	sshll.u32 s5, $0x1;
	s2 =	sadd.s32 s19, s18  }
0x9c: {  	s6 =	simm.s32 $0x0;
	s20 =	sshll.u32 s4, $0x1;
	s4 =	sadd.s32 s21, s2  }
0x9d: {  	[timem:s6], [sflag:s22] =	dma.local [hbm:s4], s20  }
0x9e: {  	_ =	swait.ge [sflag:s22], s20  }
0x9f: {  	s3 =	ssub.s32 $0x0, s20;
	[sflag:s22] =	ssyncset.done $0x0  }
0xa0: {  	[sflag:s22] =	ssyncadd.s32 s3;
	_ =	sdelay $0x1  }
0xa1: {  	s23 =	simm.s32 $0x1B8B  }
0xa2: {  	_ =	swait.ge [sflag:s23], $0x1  }
0xa3: {  	[sflag:s23] =	ssyncset.done $0x0  }
0xa4: {  	s25 =	simm.s32 $0x1B8E;
	s24 =	sld [smem:$0x3FFE];
	[sflag:s23] =	ssyncadd.s32 $0xFFFFFFFF  }
0xa5: {  	s26 =	simm.s32 $execute0_lowered;
	[smem:$0x3FD2] =	sst s25  }
0xa6: {  	s4 =	sshll.u32 s26, $0x1;
	_ =	strace $0x80000052;
	[dreg:$0x1] =	wrdreg $0xFFFFFFFF  }
0xa7: {  	s28 =	simm.s32 $_size_execute0_lowered;
	s2 =	sadd.s32 s2, s4;
	[dreg:$0x0] =	wrdreg $0x0  }
0xa8: {  	s4 =	sshll.u32 s28, $0x1;
	[dreg:$0x2] =	wrdreg s2  }
0xa9: {  	[dreg:$0x3] =	wrdreg s4  }
0xaa: {  	[dreg:$0x4] =	wrdreg $0xC0  }
0xab: {  	_ =	task [dreg:s6], $0x5FFFF  }
0xac: {  	[dreg:$0x1] =	wrdreg $0xFFFFFFFF  }
0xad: {  	[dreg:$0x0] =	wrdreg $0x60  }
0xae: {  	[dreg:$0x2] =	wrdreg s24  }
0xaf: {  	[dreg:$0x3] =	wrdreg $0xB7800  }
0xb0: {  	[dreg:$0x4] =	wrdreg $0x9  }
0xb1: {  	_ =	task.clear_ibuf [dreg:s6], $0x5FFFF;
	_ =	strace $0x90000052  }
0xb2: {  	s29 =	simm.s32 $0x9;
	_ =	strace $0x80000054  }
0xb3: {  	_ =	swait.ge [sflag:s29], $0x1  }
0xb4: {  	[sflag:s29] =	ssyncadd.s32 $0xFFFFFFFF  }
0xb5: {  	_ =	strace $0x90000054  }
0xb6: {  	_ =	sfence  }
0xb7: {  	s30 =	sld [smem:$0x0];
	_ =	sdelay $0x2  }
0xb8: {  	s31 =	sshll.u32 s1, $0xD;
	s1 =	sshrl.u32 s1, $0x2  }
0xb9: {  	s3 =	sand.u32 $0x4000, s31;
	s1 =	sadd.s32 s1, s30  }
0xba: {  	s0 =	sor.u32 s3, s0;
	s1 =	sshll.u32 s1, $0x11  }
0xbb: {  	s0 =	sor.u32 s1, s0  }
0xbc: {  	s0 =	sadd.s32 $0x8F2B, s0  }
0xbd: {  	[sflag:s0] =	ssyncadd.remote.s32 $0x1  }
0xbe: {  	_ =	sfence.sel $0xFFFF  }
0xbf: {  	[dreg:$0x0] =	wrdreg $0xFFFFFFFF;
	(pc) =	sbr.abs _section_cstart, $3  }
0xc0: {  	[dreg:$0x1] =	wrdreg $0xFFFFFFFF  }
0xc1: {  	_ =	task.clear_ibuf [dreg:s6], $0x2FFFF;
	_ =	strace $0x9FFFFFFF  }
0xc2: {  	(tm) =	ssettm $0x7FFFFFFF  }
0xc3: {  	_ =	shalt  }
tec
execute0_lowered:
.L_overlay_start_1:
0x0: {  	(tag) =	ssettag $0x1  }
0x1: {  	s6 =	rddreg [dreg:$0x0]  }
0x2: {  	s0 =	srdreg.scid;
	s2 =	rddreg [dreg:$0x1]  }
0x3: {  	s3 =	simm.s32 $0x0;
	s15 =	simm.s32 $0x80;
	s16 =	simm.s32 $0x400  }
0x4: {  	s17 =	simm.s32 $0x5000;
	s18 =	simm.s32 $0x7780;
	s19 =	simm.s32 $0x1  }
0x5: {  	s20 =	simm.s32 $0x0;
	s5 =	sand.u32 $0x1, s0;
	s0 =	stileid.u32  }
0x6: {  	[smem:$0x7FF] =	sst s3;
	s1 =	sshll.u32 s5, $0x4;
	s25 =	smul.u32 $0x14000, s0  }
0x7: {  	s8 =	sshll.u32 s0, $0x7;
	s28 =	smul.u32 $0x140000, s5;
	s5 =	ssub.s32 $0x2, s5  }
0x8: {  	s29 =	smul.u32 $0x50000, s0;
	s31 =	sshll.u32 s0, $0x6;
	s4 =	sor.u32 s0, s1  }
0x9: {  	s1 =	rddreg [dreg:$0x2];
	s8 =	sand.u32 $0x380, s8;
	_ =	strace $0x80000053  }
0xa: {  	s12 =	sshrl.u32 s5, $0x1;
	s7 =	sshrl.u32 s4, $0x3;
	s4 =	smul.u32 $0x500, s4  }
0xb: {  	s11 =	sshrl.u32 s25, $0x3;
	s12 =	ssub.s32 s5, s12;
	s30 =	sshrl.u32 s29, $0x2  }
0xc: {  	s7 =	smul.u32 $0x13C00, s7;
	s11 =	sadd.s32 s11, s6;
	s14 =	sadd.s32 s30, s2  }
0xd: {  	s9 =	sadd.s32 s4, s6;
	s4 =	sadd.s32 $0x3FC00, s6;
	s5 =	sadd.s32 $0x67C00, s11  }
0xe: {  	s11 =	smax.u32 s12, $0x1;
	s12 =	sshrl.u32 s14, $0x3;
	s7 =	sor.u32 s8, s7  }
0xf: {  	s14 =	simm.s32 $0x2800;
	s26 =	sshrl.u32 s7, $0x3;
	s7 =	sadd.s32 s25, s28  }
0x10: {  	s8 =	sadd.s32 $0x2BC00, s9;
	s10 =	sadd.s32 s26, s6;
	s7 =	sshrl.u32 s7, $0x3  }
0x11: {  	s13 =	sadd.s32 s7, s6;
	s6 =	sor.u32 $0x1C02, s31;
	s7 =	sadd.s32 $0x35C00, s9  }
0x12: {  	s9 =	sadd.s32 $0x17C00, s10;
	s10 =	sadd.s32 $0x8FC00, s13;
	s13 =	simm.s32 $0x2  }
.LBB2_1:
0x13: {  	[spmem:s12], [sflag:s6] =	dma.local [hbm:s5], $0x2800  }
0x14: {  	_ =	swait.ge [sflag:s13], $0x2800  }
0x15: {  	[sflag:s13] =	ssyncset.done $0x0  }
0x16: {  	[sflag:s13] =	ssyncadd.s32 $0xFFFFD800  }
0x17: {  	[tilespmem:s3], [sflag:$0x2] =	stream.linear.gather [hbm4b:s7+s3], $0x2780, $0x38;
	[tilespmem:$0x1F780] =	vst v63  }
0x18: {  	_ =	swait.ge [sflag:s13], $0x2780  }
0x19: {  	[sflag:s13] =	ssyncset.done $0x0  }
0x1a: {  	[sflag:s13] =	ssyncadd.s32 $0xFFFFD880  }
0x1b: {  	[tilespmem:s14], [sflag:$0x2] =	stream.linear.gather [hbm4b:s8+s3], $0x2780, $0x38;
	[tilespmem:$0x1F780] =	vst v63  }
0x1c: {  	_ =	swait.ge [sflag:s13], $0x2780  }
0x1d: {  	[sflag:s13] =	ssyncset.done $0x0  }
0x1e: {  	[sflag:s13] =	ssyncadd.s32 $0xFFFFD880  }
0x1f: {  	[tilespmem:s17], [sflag:$0x2] =	stream.strided.gather [hbm4b:s9+s15], $0x2780, s16, s15, $0x38;
	[tilespmem:$0x1F780] =	vst v63  }
0x20: {  	_ =	swait.ge [sflag:s13], $0x2780  }
0x21: {  	[sflag:s13] =	ssyncset.done $0x0  }
0x22: {  	[sflag:s13] =	ssyncadd.s32 $0xFFFFD880  }
0x23: {  	s21 =	simm.s32 $0x0;
	s22 =	simm.s32 $0x0;
	[bflag:$0x0] =	sbarrier.arrive $0xFFFF  }
.LBB2_2:
0x24: {  	s24 =	sadd.s32 $0x0, s21  }
0x25: {  	s23 =	sshll.u32 s22, $0x7;
	v0 =	vmov s24  }
0x26: {  	[tilespmem:s18], [sflag:$0x1] =	stream.indirect.gather [hbm4b:s4+s15], $0x80, s23, s15, $0xb8;
	[tilespmem:$0x1F780] =	vst v63  }
0x27: {  	_ =	swait.ge [sflag:s19], $0x4000  }
0x28: {  	[sflag:s19] =	ssyncset.done $0x0  }
0x29: {  	[sflag:s19] =	ssyncadd.s32 $0xFFFFC000  }
0x2a: {  	s25 =	simm.s32 $0x77C0;
	v1 =	vld.idx.msk [tilespmem:v0+s17+$0x0], $0xffff  }
0x2b: {  	v0 =	vld [tilespmem:s25+$0x30]  }
0x2c: {  	v2 =	vld [tilespmem:s25+$0xFFFFFFC0]  }
0x2d: {  	s31 =	sadd.s32 $0x1, s21;
	v3 =	vld [tilespmem:s25+$0xFFFFFFD0]  }
0x2e: {  	v5 =	vmov s31;
	v6 =	vld [tilespmem:s25+$0xFFFFFFF0]  }
0x2f: {  	v4 =	vld [tilespmem:s25+$0xFFFFFFE0]  }
0x30: {  	v7 =	vld [tilespmem:s25+$0x0];
	v0 =	vmul.f32 v0, v1  }
0x31: {  	v8 =	vld [tilespmem:s25+$0x10];
	v9 =	vmul.f32 v2, v1  }
0x32: {  	v2 =	vld [tilespmem:s25+$0x20];
	v3 =	vmul.f32 v3, v1;
	[tilespmem:s25+$0x30] =	vst v0  }
0x33: {  	s24 =	simm.s32 $0x7840;
	v63 =	vmul.f32 v6, v1;
	v0 =	vld.idx.msk [tilespmem:v5+s17+$0x0], $0xffff;
	[tilespmem:s25+$0xFFFFFFC0] =	vst v9  }
0x34: {  	v5 =	vmul.f32 v4, v1;
	v4 =	vld [tilespmem:s24+$0x30];
	[tilespmem:s25+$0xFFFFFFD0] =	vst v3  }
0x35: {  	v6 =	vmul.f32 v7, v1;
	v3 =	vld [tilespmem:s24+$0xFFFFFFC0];
	[tilespmem:s25+$0xFFFFFFF0] =	vst v63  }
0x36: {  	s28 =	sadd.s32 $0x2, s21;
	s26 =	simm.s32 $0x3;
	v7 =	vmul.f32 v8, v1;
	[tilespmem:s25+$0xFFFFFFE0] =	vst v5;
	v5 =	vld [tilespmem:s24+$0xFFFFFFD0]  }
.LBB2_3:
0x37: {  	p0 =	sne.s32 s26, $0x7F;
	v8 =	vmov s28;
	v9 =	vld [tilespmem:s24+$0xFFFFFFE0];
	[tilespmem:s25+$0x0] =	vst v6;
	v2 =	vmul.f32 v2, v1  }
0x38: {  	v6 =	vld [tilespmem:s24+$0xFFFFFFF0];
	[tilespmem:s25+$0x10] =	vst v7  }
0x39: {  	v1 =	vmov v0;
	v7 =	vld [tilespmem:s24+$0x0];
	v4 =	vmul.f32 v4, v0;
	[tilespmem:s25+$0x20] =	vst v2;
	s25 =	smov.u32 s24  }
0x3a: {  	v3 =	vmul.f32 v3, v1;
	v10 =	vld [tilespmem:s24+$0x10]  }
.Ltmp0:
0x3b: {  	v5 =	vmul.f32 v5, v1;
	v2 =	vld [tilespmem:s24+$0x20];
	[tilespmem:s24+$0x30] =	vst v4;
	(pc) =	sbr.rel @p0 .LBB2_3-.Ltmp0, $4  }
0x3c: {  	s24 =	sadd.s32 $0x80, s24;
	v0 =	vld.idx.msk [tilespmem:v8+s17+$0x0], $0xffff;
	[tilespmem:s25+$0xFFFFFFC0] =	vst v3;
	v8 =	vmul.f32 v9, v1  }
0x3d: {  	v4 =	vld [tilespmem:s24+$0x30];
	[tilespmem:s25+$0xFFFFFFD0] =	vst v5;
	v9 =	vmul.f32 v6, v1  }
0x3e: {  	v3 =	vld [tilespmem:s24+$0xFFFFFFC0];
	[tilespmem:s25+$0xFFFFFFE0] =	vst v8;
	v6 =	vmul.f32 v7, v1  }
0x3f: {  	s28 =	sadd.s32 s26, s21;
	s26 =	sadd.s32 $0x1, s26;
	v5 =	vld [tilespmem:s24+$0xFFFFFFD0];
	[tilespmem:s25+$0xFFFFFFF0] =	vst v9;
	v7 =	vmul.f32 v10, v1  }
0x40: {  	v9 =	vld [tilespmem:s24+$0xFFFFFFE0]  }
0x41: {  	v8 =	vmov s28;
	v10 =	vld [tilespmem:s24+$0xFFFFFFF0]  }
0x42: {  	[tilespmem:s25+$0x0] =	vst v6;
	v1 =	vmul.f32 v2, v1;
	v40 =	vld [tilespmem:s24+$0x0]  }
0x43: {  	v41 =	vld [tilespmem:s24+$0x10];
	[tilespmem:s25+$0x10] =	vst v7;
	v4 =	vmul.f32 v4, v0  }
0x44: {  	v43 =	vld [tilespmem:s24+$0x20];
	s31 =	sadd.s32 $0x80, s24;
	[tilespmem:s25+$0x20] =	vst v1;
	v42 =	vmul.f32 v3, v0  }
0x45: {  	v46 =	vld [tilespmem:s31+$0x30];
	v5 =	vmul.f32 v5, v0;
	[tilespmem:s24+$0x30] =	vst v4  }
0x46: {  	v44 =	vld.idx.msk [tilespmem:v8+s17+$0x0], $0xffff;
	[tilespmem:s24+$0xFFFFFFC0] =	vst v42;
	v45 =	vmul.f32 v9, v0  }
0x47: {  	v48 =	vld [tilespmem:s31+$0xFFFFFFC0];
	v47 =	vmul.f32 v10, v0;
	[tilespmem:s24+$0xFFFFFFD0] =	vst v5  }
0x48: {  	v50 =	vld [tilespmem:s31+$0xFFFFFFD0];
	v49 =	vmul.f32 v40, v0;
	[tilespmem:s24+$0xFFFFFFE0] =	vst v45  }
0x49: {  	v52 =	vld [tilespmem:s31+$0xFFFFFFE0];
	v51 =	vmul.f32 v41, v0;
	[tilespmem:s24+$0xFFFFFFF0] =	vst v47  }
0x4a: {  	v54 =	vld [tilespmem:s31+$0xFFFFFFF0];
	v53 =	vmul.f32 v43, v0;
	[tilespmem:s24+$0x0] =	vst v49  }
0x4b: {  	v55 =	vld [tilespmem:s31+$0x0];
	[tilespmem:s24+$0x10] =	vst v51;
	v56 =	vmul.f32 v46, v44  }
0x4c: {  	v58 =	vld [tilespmem:s31+$0x10];
	[tilespmem:s24+$0x20] =	vst v53;
	v57 =	vmul.f32 v48, v44  }
0x4d: {  	v59 =	vld [tilespmem:s31+$0x20];
	v2 =	vmul.f32 v50, v44;
	[tilespmem:s31+$0x30] =	vst v56  }
0x4e: {  	v60 =	vmul.f32 v52, v44;
	[tilespmem:s31+$0xFFFFFFC0] =	vst v57  }
0x4f: {  	v1 =	vmul.f32 v54, v44;
	[tilespmem:s31+$0xFFFFFFD0] =	vst v2  }
0x50: {  	v61 =	vmul.f32 v55, v44;
	[tilespmem:s31+$0xFFFFFFE0] =	vst v60  }
0x51: {  	v62 =	vmul.f32 v58, v44;
	[tilespmem:s31+$0xFFFFFFF0] =	vst v1  }
0x52: {  	s22 =	sadd.s32 $0x1, s22;
	v63 =	vmul.f32 v59, v44;
	[tilespmem:s31+$0x0] =	vst v61  }
0x53: {  	p0 =	sne.s32 s22, $0x4F;
	[tilespmem:s31+$0x10] =	vst v62  }
.Ltmp1:
0x54: {  	s23 =	sadd.s32 $0x2800, s23;
	[tilespmem:s31+$0x20] =	vst v63;
	(pc) =	sbr.rel @p0 .LBB2_2-.Ltmp1, $4  }
0x55: {  	[spmem:s2] =	stream.indirect.scatter.add.f32 [tilespmem:s18], [sflag:$0x2], $0x80, s23, s15, $0xb8;
	[tilespmem:$0x1F780] =	vst v63  }
0x56: {  	_ =	swait.ge [sflag:s13], $0x4000  }
0x57: {  	[sflag:s13] =	ssyncset.done $0x0  }
0x58: {  	s21 =	sadd.s32 $0x80, s21;
	[sflag:s13] =	ssyncadd.s32 $0xFFFFC000  }
0x59: {  	s20 =	sadd.s32 $0x1, s20  }
0x5a: {  	p0 =	sne.s32 s20, s11  }
.Ltmp2:
0x5b: {  	[bflag:$0x0] =	sbarrier.arrive $0xFFFF;
	(pc) =	sbr.rel @p0 .LBB2_1-.Ltmp2, $4  }
0x5c: {  	[hbm:s10], [sflag:s6] =	dma.local [spmem:s12], $0x2800  }
0x5d: {  	_ =	swait.ge [sflag:s13], $0x2800  }
0x5e: {  	[sflag:s13] =	ssyncset.done $0x0  }
0x5f: {  	[sflag:s13] =	ssyncadd.s32 $0xFFFFD800  }
0x60: {  	_ =	sfence.sel $0x180000  }
0x61: {  	[bflag:$0x0] =	sbarrier.arrive $0xFFFF  }
0x62: {  	p0 =	sne.s32 s0, $0x0;
	_ =	strace $0x90000053  }
0x63: {  	s0 =	sadd.s32 @!p0 $0x100000, s1;
	[bflag:$0x2] =	sbarrier.arrive $0xFFFF  }
0x64: {  	[sflag:s0] =	ssyncadd.tile.s32 @!p0 $0x1;
	_ =	shalt  }
.Lfunc_end2:
_tile_overlayer_lowered:
.L_overlay_start_2:
0x65: {  	(tag) =	ssettag $0x2  }
0x66: {  	s0 =	rddreg [dreg:$0x0];
	s2 =	stileid.u32  }
0x67: {  	s1 =	rddreg [dreg:$0x1];
	p0 =	sne.s32 s2, $0x0  }
0x68: {  	s3 =	rddreg [dreg:$0x2];
	[bflag:$0x3] =	sbarrier.arrive $0xFFFF;
	s2 =	simm.s32 @!p0 $0x1C02  }
0x69: {  	[timem:s3], [sflag:s2] =	dma.local @!p0 [hbm:s0], s1  }
0x6a: {  	s0 =	simm.s32 @!p0 $0x2  }
0x6b: {  	_ =	swait.ge @!p0 [sflag:s0], s1  }
0x6c: {  	s1 =	ssub.s32 @!p0 $0x0, s1;
	[sflag:s0] =	ssyncset.done @!p0 $0x0  }
0x6d: {  	[sflag:s0] =	ssyncadd.s32 @!p0 s1  }
0x6e: {  	[bflag:$0x3] =	sbarrier.arrive $0xFFFF  }
0x6f: {  	_ =	shalt  }

</sc_bundles>
